<compile_context>
chip_gen: v7x
topology: tpu7x:2x2x1
jax: 0.10.2.dev20260603
libtpu: 0.0.44.dev20260713+nightly
codegen_flags: <defaults>
</compile_context>

<pallas_src>
import functools

import jax
import jax.numpy as jnp
import numpy as np
from jax import lax
from jax.experimental import pallas as pl
from jax.experimental.pallas import tpu as pltpu
from jax.experimental.pallas import tpu_sc as plsc

_B = 16384
_BIT = 128
_ROWS = 2048

_SC_ROWS = 8192
_TC_ROWS = _B - _SC_ROWS
_NC, _NS = 2, 16
_NW = _NC * _NS
_RPW = _SC_ROWS // _NW

_K0 = np.uint32(0)
_K1 = np.uint32(42)
_KS2 = np.uint32(int(_K0) ^ int(_K1) ^ 0x1BD11BDA)
_ROT_A = (13, 15, 26, 6)
_ROT_B = (17, 29, 16, 24)


def _rotl(v, r):
    return (v << jnp.uint32(r)) | (v >> jnp.uint32(32 - r))


def _threefry_mix(x1):
    ks = (_K0, _K1, _KS2)
    rots = (_ROT_A, _ROT_B)
    x0 = x1
    x1 = _rotl(x1, rots[0][0]) ^ x0
    for r in rots[0][1:]:
        x0 = x0 + x1
        x1 = _rotl(x1, r)
        x1 = x1 ^ x0
    x0 = x0 + ks[1]
    x1 = x1 + ks[2] + jnp.uint32(1)
    for i in range(1, 5):
        for r in rots[i % 2]:
            x0 = x0 + x1
            x1 = _rotl(x1, r)
            x1 = x1 ^ x0
        x0 = x0 + ks[(i + 1) % 3]
        x1 = x1 + ks[(i + 2) % 3] + jnp.uint32(i + 1)
    return x0 ^ x1




def _tc_kernel(t_ref, o_ref, iota_ref):
    i = pl.program_id(0)

    @pl.when(i == 0)
    def _init():
        row = lax.broadcasted_iota(jnp.uint32, (_ROWS, _BIT), 0)
        col = lax.broadcasted_iota(jnp.uint32, (_ROWS, _BIT), 1)
        iota_ref[...] = row * jnp.uint32(_BIT) + col + jnp.uint32(int(_K1))

    base = jnp.uint32((_SC_ROWS + i * _ROWS) * _BIT)
    x1 = base + iota_ref[...]
    bits = _threefry_mix(x1)
    m = bits >> jnp.uint32(9)
    t = t_ref[...]
    o_ref[...] = jnp.where(m < t, 1.0, 0.0).astype(jnp.float32)


def _tc_bits(t2):
    return pl.pallas_call(
        _tc_kernel,
        grid=(_TC_ROWS // _ROWS,),
        in_specs=[pl.BlockSpec((_ROWS, 1), lambda i: (i, 0))],
        out_specs=pl.BlockSpec((_ROWS, _BIT), lambda i: (i, 0)),
        out_shape=jax.ShapeDtypeStruct((_TC_ROWS, _BIT), jnp.float32),
        scratch_shapes=[pltpu.VMEM((_ROWS, _BIT), jnp.uint32)],
        compiler_params=pltpu.CompilerParams(
            dimension_semantics=("arbitrary",),
        ),
    )(t2)




@functools.partial(
    pl.kernel,
    out_type=jax.ShapeDtypeStruct((_SC_ROWS * _BIT,), jnp.float32),
    mesh=plsc.VectorSubcoreMesh(core_axis_name="c", subcore_axis_name="s"),
    scratch_types=[
        pltpu.VMEM((_RPW * 16,), jnp.uint32),
        pltpu.VMEM((_RPW * _BIT,), jnp.float32),
    ],
)
def _sc_bits(texp_hbm, out_hbm, t_v, o_v):
    wid = lax.axis_index("c") * _NS + lax.axis_index("s")
    base_row = wid * _RPW
    pltpu.sync_copy(texp_hbm.at[pl.ds(base_row * 16, _RPW * 16)], t_v)
    lane = lax.iota(jnp.uint32, 16)

    def row_body(r, carry):
        t_vec = t_v[pl.ds(r * 16, 16)]
        gbase = (jnp.int32(base_row) + r) * _BIT
        lbase = r * _BIT
        for j in range(_BIT // 16):
            x1 = lane + jnp.uint32(gbase + (16 * j + int(_K1)))
            m = _threefry_mix(x1) >> jnp.uint32(9)
            val = jnp.where(m < t_vec, 1.0, 0.0).astype(jnp.float32)
            o_v[pl.ds(lbase + 16 * j, 16)] = val
        return carry

    lax.fori_loop(0, _RPW, row_body, 0, unroll=False)
    pltpu.sync_copy(o_v, out_hbm.at[pl.ds(base_row * _BIT, _RPW * _BIT)])




def kernel(x):
    t = jnp.ceil(x * jnp.float32(8388608.0)).astype(jnp.uint32)
    t_exp = jnp.repeat(t[:_SC_ROWS], 16)
    sc_out = _sc_bits(t_exp).reshape(_SC_ROWS, _BIT)
    tc_out = _tc_bits(t[_SC_ROWS:].reshape(_TC_ROWS, 1))
    return jnp.concatenate([sc_out, tc_out], axis=0)

# --- scband reference (transcript-rebuilt; emitter-appended) ---
"""Pipeline reference for scband-bit-creator-25391846654325 (READ-ONLY COPY).

The authoritative reference and input builder live on the scoring server;
editing this copy changes nothing except your own understanding.
"""

import jax, jax.numpy as jnp
import numpy as np

BATCH = 16384
BIT_SIZE = 128

def setup_inputs(seed: int = 0) -> dict:
    key = jax.random.key(seed)
    # x holds per-row Bernoulli probabilities in [0, 1)
    x = jax.random.uniform(key, (BATCH,), dtype=jnp.float32)
    return {"x": x}

def reference(x):
    # Faithful translation of BitCreator.call:
    #   y = zeros(x.shape + bit_size); y[i] = binomial(1, x[i], bit_size)
    # i.e. for each probability x[i], draw bit_size independent Bernoulli(x[i]) bits.
    # Implemented as uniform < p comparison (the standard Bernoulli sampler),
    # with a fixed key for determinism.
    B = x.shape[0]
    key = jax.random.key(42)
    u = jax.random.uniform(key, (B, BIT_SIZE), dtype=jnp.float32)
    bits = jnp.where(u < x[:, None], 1.0, 0.0).astype(jnp.float32)
    return bits

if __name__ == "__main__":
    import jax
    _d = setup_inputs()
    print(jax.jit(kernel)(*tuple(_d.values())))

</pallas_src>

<mosaic_0001>
#map = affine_map<(d0, d1) -> (0)>
module attributes {stable_mosaic.version = 14 : i64} {
  func.func @_sc_bits(%arg0: i32, %arg1: i32, %arg2: memref<131072xi32, #tpu.memory_space<hbm>>, %arg3: memref<1048576xf32, #tpu.memory_space<hbm>>, %arg4: memref<4096xi32, #tpu.memory_space<vmem>>, %arg5: memref<32768xf32, #tpu.memory_space<vmem>>) attributes {dimension_semantics = [#tpu.dimension_semantics<core_parallel>, #tpu.dimension_semantics<subcore_parallel>], iteration_bounds = array<i64: 2, 16>, scalar_prefetch = 0 : i64, scratch_operands = 2 : i64, tpu.core_type = #tpu.core_type<sc_vector_subcore>, window_params = [{transform_indices = #map}, {transform_indices = #map}]} {
    %mul3A = arith.constant 16 : i32
    %mul3A_0 = arith.muli %arg0, %mul3A : i32
    %add3A = arith.addi %mul3A_0, %arg1 : i32
    %mul3A_1 = arith.constant 256 : i32
    %mul3A_2 = arith.muli %add3A, %mul3A_1 : i32
    %mul3A_3 = arith.constant 16 : i32
    %mul3A_4 = arith.muli %mul3A_2, %mul3A_3 : i32
    "tpu.region"() ({
      %run_scoped3A = tpu.sem_alloc : memref<!tpu.dma_semaphore, #tpu.memory_space<semaphore_mem>>
      %dma_start3A = tpu.memref_slice %arg2[%mul3A_4] : memref<131072xi32, #tpu.memory_space<hbm>> -> memref<4096xi32, #tpu.memory_space<hbm>>
      %dma_start3A_12 = tpu.memref_slice %arg2[%mul3A_4] : memref<131072xi32, #tpu.memory_space<hbm>> -> memref<4096xi32, #tpu.memory_space<hbm>>
      tpu.enqueue_dma source(%dma_start3A_12 : memref<4096xi32, #tpu.memory_space<hbm>>) target(%arg4 : memref<4096xi32, #tpu.memory_space<vmem>>) target_semaphore(%run_scoped3A : memref<!tpu.dma_semaphore, #tpu.memory_space<semaphore_mem>>)
      %dma_wait3A = tpu.memref_slice %arg2[%mul3A_4] : memref<131072xi32, #tpu.memory_space<hbm>> -> memref<4096xi32, #tpu.memory_space<hbm>>
      %dma_wait3A_13 = tpu.memref_slice %arg2[%mul3A_4] : memref<131072xi32, #tpu.memory_space<hbm>> -> memref<4096xi32, #tpu.memory_space<hbm>>
      tpu.wait_dma2 semaphore(%run_scoped3A : memref<!tpu.dma_semaphore, #tpu.memory_space<semaphore_mem>>) src(%dma_wait3A_13 : memref<4096xi32, #tpu.memory_space<hbm>>) dst(%arg4 : memref<4096xi32, #tpu.memory_space<vmem>>)
      tpu.yield
    }) : () -> ()
    %iota3A = tpu.iota {dimensions = array<i32: 0>} : vector<16xi32>
    %scan3A = arith.constant 0 : i32
    %scan3A_5 = arith.constant 0 : i32
    %scan3A_6 = arith.constant 256 : i32
    %scan3A_7 = arith.addi %scan3A_5, %scan3A_6 : i32
    %scan3A_8 = arith.constant 1 : i32
    scf.for %scan3A_12 = %scan3A_5 to %scan3A_7 step %scan3A_8  : i32 {
      %mul3A_13 = arith.constant 16 : i32
      %mul3A_14 = arith.muli %scan3A_12, %mul3A_13 : i32
      %get3A = arith.index_cast %mul3A_14 : i32 to index
      %get3A_15 = tpu.vector_load %arg4[%get3A] {strides = array<i32>} : memref<4096xi32, #tpu.memory_space<vmem>>, vector<16xi32>,
      %get3A_16 = vector.shape_cast %get3A_15 : vector<16xi32> to vector<16xi32>
      %add3A_17 = arith.addi %mul3A_2, %scan3A_12 : i32
      %mul3A_18 = arith.constant 128 : i32
      %mul3A_19 = arith.muli %add3A_17, %mul3A_18 : i32
      %mul3A_20 = arith.constant 128 : i32
      %mul3A_21 = arith.muli %scan3A_12, %mul3A_20 : i32
      %add3A_22 = arith.constant 42 : i32
      %add3A_23 = arith.addi %mul3A_19, %add3A_22 : i32
      %add3A_24 = vector.broadcast %add3A_23 : i32 to vector<16xi32>
      %add3A_25 = arith.addi %iota3A, %add3A_24 : vector<16xi32>
      %shift_left3A = arith.constant 13 : i32
      %shift_left3A_26 = vector.broadcast %shift_left3A : i32 to vector<16xi32>
      %shift_left3A_27 = arith.shli %add3A_25, %shift_left3A_26 : vector<16xi32>
      %shift_right_logical3A = arith.constant 19 : i32
      %shift_right_logical3A_28 = vector.broadcast %shift_right_logical3A : i32 to vector<16xi32>
      %shift_right_logical3A_29 = arith.shrui %add3A_25, %shift_right_logical3A_28 : vector<16xi32>
      %or3A = arith.ori %shift_left3A_27, %shift_right_logical3A_29 : vector<16xi32>
      %xor3A = arith.xori %or3A, %add3A_25 : vector<16xi32>
      %add3A_30 = arith.addi %add3A_25, %xor3A : vector<16xi32>
      %shift_left3A_31 = arith.constant 15 : i32
      %shift_left3A_32 = vector.broadcast %shift_left3A_31 : i32 to vector<16xi32>
      %shift_left3A_33 = arith.shli %xor3A, %shift_left3A_32 : vector<16xi32>
      %shift_right_logical3A_34 = arith.constant 17 : i32
      %shift_right_logical3A_35 = vector.broadcast %shift_right_logical3A_34 : i32 to vector<16xi32>
      %shift_right_logical3A_36 = arith.shrui %xor3A, %shift_right_logical3A_35 : vector<16xi32>
      %or3A_37 = arith.ori %shift_left3A_33, %shift_right_logical3A_36 : vector<16xi32>
      %xor3A_38 = arith.xori %or3A_37, %add3A_30 : vector<16xi32>
      %add3A_39 = arith.addi %add3A_30, %xor3A_38 : vector<16xi32>
      %shift_left3A_40 = arith.constant 26 : i32
      %shift_left3A_41 = vector.broadcast %shift_left3A_40 : i32 to vector<16xi32>
      %shift_left3A_42 = arith.shli %xor3A_38, %shift_left3A_41 : vector<16xi32>
      %shift_right_logical3A_43 = arith.constant 6 : i32
      %shift_right_logical3A_44 = vector.broadcast %shift_right_logical3A_43 : i32 to vector<16xi32>
      %shift_right_logical3A_45 = arith.shrui %xor3A_38, %shift_right_logical3A_44 : vector<16xi32>
      %or3A_46 = arith.ori %shift_left3A_42, %shift_right_logical3A_45 : vector<16xi32>
      %xor3A_47 = arith.xori %or3A_46, %add3A_39 : vector<16xi32>
      %add3A_48 = arith.addi %add3A_39, %xor3A_47 : vector<16xi32>
      %shift_left3A_49 = arith.constant 6 : i32
      %shift_left3A_50 = vector.broadcast %shift_left3A_49 : i32 to vector<16xi32>
      %shift_left3A_51 = arith.shli %xor3A_47, %shift_left3A_50 : vector<16xi32>
      %shift_right_logical3A_52 = arith.constant 26 : i32
      %shift_right_logical3A_53 = vector.broadcast %shift_right_logical3A_52 : i32 to vector<16xi32>
      %shift_right_logical3A_54 = arith.shrui %xor3A_47, %shift_right_logical3A_53 : vector<16xi32>
      %or3A_55 = arith.ori %shift_left3A_51, %shift_right_logical3A_54 : vector<16xi32>
      %xor3A_56 = arith.xori %or3A_55, %add3A_48 : vector<16xi32>
      %add3A_57 = arith.constant 42 : i32
      %add3A_58 = vector.broadcast %add3A_57 : i32 to vector<16xi32>
      %add3A_59 = arith.addi %add3A_48, %add3A_58 : vector<16xi32>
      %add3A_60 = arith.constant 466689008 : i32
      %add3A_61 = vector.broadcast %add3A_60 : i32 to vector<16xi32>
      %add3A_62 = arith.addi %xor3A_56, %add3A_61 : vector<16xi32>
      %add3A_63 = arith.constant 1 : i32
      %add3A_64 = vector.broadcast %add3A_63 : i32 to vector<16xi32>
      %add3A_65 = arith.addi %add3A_62, %add3A_64 : vector<16xi32>
      %add3A_66 = arith.addi %add3A_59, %add3A_65 : vector<16xi32>
      %shift_left3A_67 = arith.constant 17 : i32
      %shift_left3A_68 = vector.broadcast %shift_left3A_67 : i32 to vector<16xi32>
      %shift_left3A_69 = arith.shli %add3A_65, %shift_left3A_68 : vector<16xi32>
      %shift_right_logical3A_70 = arith.constant 15 : i32
      %shift_right_logical3A_71 = vector.broadcast %shift_right_logical3A_70 : i32 to vector<16xi32>
      %shift_right_logical3A_72 = arith.shrui %add3A_65, %shift_right_logical3A_71 : vector<16xi32>
      %or3A_73 = arith.ori %shift_left3A_69, %shift_right_logical3A_72 : vector<16xi32>
      %xor3A_74 = arith.xori %or3A_73, %add3A_66 : vector<16xi32>
      %add3A_75 = arith.addi %add3A_66, %xor3A_74 : vector<16xi32>
      %shift_left3A_76 = arith.constant 29 : i32
      %shift_left3A_77 = vector.broadcast %shift_left3A_76 : i32 to vector<16xi32>
      %shift_left3A_78 = arith.shli %xor3A_74, %shift_left3A_77 : vector<16xi32>
      %shift_right_logical3A_79 = arith.constant 3 : i32
      %shift_right_logical3A_80 = vector.broadcast %shift_right_logical3A_79 : i32 to vector<16xi32>
      %shift_right_logical3A_81 = arith.shrui %xor3A_74, %shift_right_logical3A_80 : vector<16xi32>
      %or3A_82 = arith.ori %shift_left3A_78, %shift_right_logical3A_81 : vector<16xi32>
      %xor3A_83 = arith.xori %or3A_82, %add3A_75 : vector<16xi32>
      %add3A_84 = arith.addi %add3A_75, %xor3A_83 : vector<16xi32>
      %shift_left3A_85 = arith.constant 16 : i32
      %shift_left3A_86 = vector.broadcast %shift_left3A_85 : i32 to vector<16xi32>
      %shift_left3A_87 = arith.shli %xor3A_83, %shift_left3A_86 : vector<16xi32>
      %shift_right_logical3A_88 = arith.constant 16 : i32
      %shift_right_logical3A_89 = vector.broadcast %shift_right_logical3A_88 : i32 to vector<16xi32>
      %shift_right_logical3A_90 = arith.shrui %xor3A_83, %shift_right_logical3A_89 : vector<16xi32>
      %or3A_91 = arith.ori %shift_left3A_87, %shift_right_logical3A_90 : vector<16xi32>
      %xor3A_92 = arith.xori %or3A_91, %add3A_84 : vector<16xi32>
      %add3A_93 = arith.addi %add3A_84, %xor3A_92 : vector<16xi32>
      %shift_left3A_94 = arith.constant 24 : i32
      %shift_left3A_95 = vector.broadcast %shift_left3A_94 : i32 to vector<16xi32>
      %shift_left3A_96 = arith.shli %xor3A_92, %shift_left3A_95 : vector<16xi32>
      %shift_right_logical3A_97 = arith.constant 8 : i32
      %shift_right_logical3A_98 = vector.broadcast %shift_right_logical3A_97 : i32 to vector<16xi32>
      %shift_right_logical3A_99 = arith.shrui %xor3A_92, %shift_right_logical3A_98 : vector<16xi32>
      %or3A_100 = arith.ori %shift_left3A_96, %shift_right_logical3A_99 : vector<16xi32>
      %xor3A_101 = arith.xori %or3A_100, %add3A_93 : vector<16xi32>
      %add3A_102 = arith.constant 466689008 : i32
      %add3A_103 = vector.broadcast %add3A_102 : i32 to vector<16xi32>
      %add3A_104 = arith.addi %add3A_93, %add3A_103 : vector<16xi32>
      %add3A_105 = arith.constant 0 : i32
      %add3A_106 = vector.broadcast %add3A_105 : i32 to vector<16xi32>
      %add3A_107 = arith.addi %xor3A_101, %add3A_106 : vector<16xi32>
      %add3A_108 = arith.constant 2 : i32
      %add3A_109 = vector.broadcast %add3A_108 : i32 to vector<16xi32>
      %add3A_110 = arith.addi %add3A_107, %add3A_109 : vector<16xi32>
      %add3A_111 = arith.addi %add3A_104, %add3A_110 : vector<16xi32>
      %shift_left3A_112 = arith.constant 13 : i32
      %shift_left3A_113 = vector.broadcast %shift_left3A_112 : i32 to vector<16xi32>
      %shift_left3A_114 = arith.shli %add3A_110, %shift_left3A_113 : vector<16xi32>
      %shift_right_logical3A_115 = arith.constant 19 : i32
      %shift_right_logical3A_116 = vector.broadcast %shift_right_logical3A_115 : i32 to vector<16xi32>
      %shift_right_logical3A_117 = arith.shrui %add3A_110, %shift_right_logical3A_116 : vector<16xi32>
      %or3A_118 = arith.ori %shift_left3A_114, %shift_right_logical3A_117 : vector<16xi32>
      %xor3A_119 = arith.xori %or3A_118, %add3A_111 : vector<16xi32>
      %add3A_120 = arith.addi %add3A_111, %xor3A_119 : vector<16xi32>
      %shift_left3A_121 = arith.constant 15 : i32
      %shift_left3A_122 = vector.broadcast %shift_left3A_121 : i32 to vector<16xi32>
      %shift_left3A_123 = arith.shli %xor3A_119, %shift_left3A_122 : vector<16xi32>
      %shift_right_logical3A_124 = arith.constant 17 : i32
      %shift_right_logical3A_125 = vector.broadcast %shift_right_logical3A_124 : i32 to vector<16xi32>
      %shift_right_logical3A_126 = arith.shrui %xor3A_119, %shift_right_logical3A_125 : vector<16xi32>
      %or3A_127 = arith.ori %shift_left3A_123, %shift_right_logical3A_126 : vector<16xi32>
      %xor3A_128 = arith.xori %or3A_127, %add3A_120 : vector<16xi32>
      %add3A_129 = arith.addi %add3A_120, %xor3A_128 : vector<16xi32>
      %shift_left3A_130 = arith.constant 26 : i32
      %shift_left3A_131 = vector.broadcast %shift_left3A_130 : i32 to vector<16xi32>
      %shift_left3A_132 = arith.shli %xor3A_128, %shift_left3A_131 : vector<16xi32>
      %shift_right_logical3A_133 = arith.constant 6 : i32
      %shift_right_logical3A_134 = vector.broadcast %shift_right_logical3A_133 : i32 to vector<16xi32>
      %shift_right_logical3A_135 = arith.shrui %xor3A_128, %shift_right_logical3A_134 : vector<16xi32>
      %or3A_136 = arith.ori %shift_left3A_132, %shift_right_logical3A_135 : vector<16xi32>
      %xor3A_137 = arith.xori %or3A_136, %add3A_129 : vector<16xi32>
      %add3A_138 = arith.addi %add3A_129, %xor3A_137 : vector<16xi32>
      %shift_left3A_139 = arith.constant 6 : i32
      %shift_left3A_140 = vector.broadcast %shift_left3A_139 : i32 to vector<16xi32>
      %shift_left3A_141 = arith.shli %xor3A_137, %shift_left3A_140 : vector<16xi32>
      %shift_right_logical3A_142 = arith.constant 26 : i32
      %shift_right_logical3A_143 = vector.broadcast %shift_right_logical3A_142 : i32 to vector<16xi32>
      %shift_right_logical3A_144 = arith.shrui %xor3A_137, %shift_right_logical3A_143 : vector<16xi32>
      %or3A_145 = arith.ori %shift_left3A_141, %shift_right_logical3A_144 : vector<16xi32>
      %xor3A_146 = arith.xori %or3A_145, %add3A_138 : vector<16xi32>
      %add3A_147 = arith.constant 0 : i32
      %add3A_148 = vector.broadcast %add3A_147 : i32 to vector<16xi32>
      %add3A_149 = arith.addi %add3A_138, %add3A_148 : vector<16xi32>
      %add3A_150 = arith.constant 42 : i32
      %add3A_151 = vector.broadcast %add3A_150 : i32 to vector<16xi32>
      %add3A_152 = arith.addi %xor3A_146, %add3A_151 : vector<16xi32>
      %add3A_153 = arith.constant 3 : i32
      %add3A_154 = vector.broadcast %add3A_153 : i32 to vector<16xi32>
      %add3A_155 = arith.addi %add3A_152, %add3A_154 : vector<16xi32>
      %add3A_156 = arith.addi %add3A_149, %add3A_155 : vector<16xi32>
      %shift_left3A_157 = arith.constant 17 : i32
      %shift_left3A_158 = vector.broadcast %shift_left3A_157 : i32 to vector<16xi32>
      %shift_left3A_159 = arith.shli %add3A_155, %shift_left3A_158 : vector<16xi32>
      %shift_right_logical3A_160 = arith.constant 15 : i32
      %shift_right_logical3A_161 = vector.broadcast %shift_right_logical3A_160 : i32 to vector<16xi32>
      %shift_right_logical3A_162 = arith.shrui %add3A_155, %shift_right_logical3A_161 : vector<16xi32>
      %or3A_163 = arith.ori %shift_left3A_159, %shift_right_logical3A_162 : vector<16xi32>
      %xor3A_164 = arith.xori %or3A_163, %add3A_156 : vector<16xi32>
      %add3A_165 = arith.addi %add3A_156, %xor3A_164 : vector<16xi32>
      %shift_left3A_166 = arith.constant 29 : i32
      %shift_left3A_167 = vector.broadcast %shift_left3A_166 : i32 to vector<16xi32>
      %shift_left3A_168 = arith.shli %xor3A_164, %shift_left3A_167 : vector<16xi32>
      %shift_right_logical3A_169 = arith.constant 3 : i32
      %shift_right_logical3A_170 = vector.broadcast %shift_right_logical3A_169 : i32 to vector<16xi32>
      %shift_right_logical3A_171 = arith.shrui %xor3A_164, %shift_right_logical3A_170 : vector<16xi32>
      %or3A_172 = arith.ori %shift_left3A_168, %shift_right_logical3A_171 : vector<16xi32>
      %xor3A_173 = arith.xori %or3A_172, %add3A_165 : vector<16xi32>
      %add3A_174 = arith.addi %add3A_165, %xor3A_173 : vector<16xi32>
      %shift_left3A_175 = arith.constant 16 : i32
      %shift_left3A_176 = vector.broadcast %shift_left3A_175 : i32 to vector<16xi32>
      %shift_left3A_177 = arith.shli %xor3A_173, %shift_left3A_176 : vector<16xi32>
      %shift_right_logical3A_178 = arith.constant 16 : i32
      %shift_right_logical3A_179 = vector.broadcast %shift_right_logical3A_178 : i32 to vector<16xi32>
      %shift_right_logical3A_180 = arith.shrui %xor3A_173, %shift_right_logical3A_179 : vector<16xi32>
      %or3A_181 = arith.ori %shift_left3A_177, %shift_right_logical3A_180 : vector<16xi32>
      %xor3A_182 = arith.xori %or3A_181, %add3A_174 : vector<16xi32>
      %add3A_183 = arith.addi %add3A_174, %xor3A_182 : vector<16xi32>
      %shift_left3A_184 = arith.constant 24 : i32
      %shift_left3A_185 = vector.broadcast %shift_left3A_184 : i32 to vector<16xi32>
      %shift_left3A_186 = arith.shli %xor3A_182, %shift_left3A_185 : vector<16xi32>
      %shift_right_logical3A_187 = arith.constant 8 : i32
      %shift_right_logical3A_188 = vector.broadcast %shift_right_logical3A_187 : i32 to vector<16xi32>
      %shift_right_logical3A_189 = arith.shrui %xor3A_182, %shift_right_logical3A_188 : vector<16xi32>
      %or3A_190 = arith.ori %shift_left3A_186, %shift_right_logical3A_189 : vector<16xi32>
      %xor3A_191 = arith.xori %or3A_190, %add3A_183 : vector<16xi32>
      %add3A_192 = arith.constant 42 : i32
      %add3A_193 = vector.broadcast %add3A_192 : i32 to vector<16xi32>
      %add3A_194 = arith.addi %add3A_183, %add3A_193 : vector<16xi32>
      %add3A_195 = arith.constant 466689008 : i32
      %add3A_196 = vector.broadcast %add3A_195 : i32 to vector<16xi32>
      %add3A_197 = arith.addi %xor3A_191, %add3A_196 : vector<16xi32>
      %add3A_198 = arith.constant 4 : i32
      %add3A_199 = vector.broadcast %add3A_198 : i32 to vector<16xi32>
      %add3A_200 = arith.addi %add3A_197, %add3A_199 : vector<16xi32>
      %add3A_201 = arith.addi %add3A_194, %add3A_200 : vector<16xi32>
      %shift_left3A_202 = arith.constant 13 : i32
      %shift_left3A_203 = vector.broadcast %shift_left3A_202 : i32 to vector<16xi32>
      %shift_left3A_204 = arith.shli %add3A_200, %shift_left3A_203 : vector<16xi32>
      %shift_right_logical3A_205 = arith.constant 19 : i32
      %shift_right_logical3A_206 = vector.broadcast %shift_right_logical3A_205 : i32 to vector<16xi32>
      %shift_right_logical3A_207 = arith.shrui %add3A_200, %shift_right_logical3A_206 : vector<16xi32>
      %or3A_208 = arith.ori %shift_left3A_204, %shift_right_logical3A_207 : vector<16xi32>
      %xor3A_209 = arith.xori %or3A_208, %add3A_201 : vector<16xi32>
      %add3A_210 = arith.addi %add3A_201, %xor3A_209 : vector<16xi32>
      %shift_left3A_211 = arith.constant 15 : i32
      %shift_left3A_212 = vector.broadcast %shift_left3A_211 : i32 to vector<16xi32>
      %shift_left3A_213 = arith.shli %xor3A_209, %shift_left3A_212 : vector<16xi32>
      %shift_right_logical3A_214 = arith.constant 17 : i32
      %shift_right_logical3A_215 = vector.broadcast %shift_right_logical3A_214 : i32 to vector<16xi32>
      %shift_right_logical3A_216 = arith.shrui %xor3A_209, %shift_right_logical3A_215 : vector<16xi32>
      %or3A_217 = arith.ori %shift_left3A_213, %shift_right_logical3A_216 : vector<16xi32>
      %xor3A_218 = arith.xori %or3A_217, %add3A_210 : vector<16xi32>
      %add3A_219 = arith.addi %add3A_210, %xor3A_218 : vector<16xi32>
      %shift_left3A_220 = arith.constant 26 : i32
      %shift_left3A_221 = vector.broadcast %shift_left3A_220 : i32 to vector<16xi32>
      %shift_left3A_222 = arith.shli %xor3A_218, %shift_left3A_221 : vector<16xi32>
      %shift_right_logical3A_223 = arith.constant 6 : i32
      %shift_right_logical3A_224 = vector.broadcast %shift_right_logical3A_223 : i32 to vector<16xi32>
      %shift_right_logical3A_225 = arith.shrui %xor3A_218, %shift_right_logical3A_224 : vector<16xi32>
      %or3A_226 = arith.ori %shift_left3A_222, %shift_right_logical3A_225 : vector<16xi32>
      %xor3A_227 = arith.xori %or3A_226, %add3A_219 : vector<16xi32>
      %add3A_228 = arith.addi %add3A_219, %xor3A_227 : vector<16xi32>
      %shift_left3A_229 = arith.constant 6 : i32
      %shift_left3A_230 = vector.broadcast %shift_left3A_229 : i32 to vector<16xi32>
      %shift_left3A_231 = arith.shli %xor3A_227, %shift_left3A_230 : vector<16xi32>
      %shift_right_logical3A_232 = arith.constant 26 : i32
      %shift_right_logical3A_233 = vector.broadcast %shift_right_logical3A_232 : i32 to vector<16xi32>
      %shift_right_logical3A_234 = arith.shrui %xor3A_227, %shift_right_logical3A_233 : vector<16xi32>
      %or3A_235 = arith.ori %shift_left3A_231, %shift_right_logical3A_234 : vector<16xi32>
      %xor3A_236 = arith.xori %or3A_235, %add3A_228 : vector<16xi32>
      %add3A_237 = arith.constant 466689008 : i32
      %add3A_238 = vector.broadcast %add3A_237 : i32 to vector<16xi32>
      %add3A_239 = arith.addi %add3A_228, %add3A_238 : vector<16xi32>
      %add3A_240 = arith.constant 0 : i32
      %add3A_241 = vector.broadcast %add3A_240 : i32 to vector<16xi32>
      %add3A_242 = arith.addi %xor3A_236, %add3A_241 : vector<16xi32>
      %add3A_243 = arith.constant 5 : i32
      %add3A_244 = vector.broadcast %add3A_243 : i32 to vector<16xi32>
      %add3A_245 = arith.addi %add3A_242, %add3A_244 : vector<16xi32>
      %xor3A_246 = arith.xori %add3A_239, %add3A_245 : vector<16xi32>
      %shift_right_logical3A_247 = arith.constant 9 : i32
      %shift_right_logical3A_248 = vector.broadcast %shift_right_logical3A_247 : i32 to vector<16xi32>
      %shift_right_logical3A_249 = arith.shrui %xor3A_246, %shift_right_logical3A_248 : vector<16xi32>
      %lt3A = arith.cmpi ult, %shift_right_logical3A_249, %get3A_16 : vector<16xi32>
      %jit3A = arith.constant 1.000000e+00 : f32
      %jit3A_250 = arith.constant 0.000000e+00 : f32
      %broadcast_in_dim3A = vector.broadcast %jit3A : f32 to vector<16xf32>
      %broadcast_in_dim3A_251 = vector.broadcast %jit3A_250 : f32 to vector<16xf32>
      %select_n3A = arith.select %lt3A, %broadcast_in_dim3A, %broadcast_in_dim3A_251 : vector<16xi1>, vector<16xf32>
      %add3A_252 = arith.constant 0 : i32
      %add3A_253 = arith.addi %mul3A_21, %add3A_252 : i32
      %swap3A = arith.index_cast %add3A_253 : i32 to index
      %swap3A_254 = tpu.vector_load %arg5[%swap3A] {strides = array<i32>} : memref<32768xf32, #tpu.memory_space<vmem>>, vector<16xf32>,
      %swap3A_255 = vector.shape_cast %swap3A_254 : vector<16xf32> to vector<16xf32>
      %swap3A_256 = vector.shape_cast %select_n3A : vector<16xf32> to vector<16xf32>
      tpu.vector_store %arg5[%swap3A], %swap3A_256 {strides = array<i32>} : memref<32768xf32, #tpu.memory_space<vmem>>, vector<16xf32>,
      %add3A_257 = arith.constant 58 : i32
      %add3A_258 = arith.addi %mul3A_19, %add3A_257 : i32
      %add3A_259 = vector.broadcast %add3A_258 : i32 to vector<16xi32>
      %add3A_260 = arith.addi %iota3A, %add3A_259 : vector<16xi32>
      %shift_left3A_261 = arith.constant 13 : i32
      %shift_left3A_262 = vector.broadcast %shift_left3A_261 : i32 to vector<16xi32>
      %shift_left3A_263 = arith.shli %add3A_260, %shift_left3A_262 : vector<16xi32>
      %shift_right_logical3A_264 = arith.constant 19 : i32
      %shift_right_logical3A_265 = vector.broadcast %shift_right_logical3A_264 : i32 to vector<16xi32>
      %shift_right_logical3A_266 = arith.shrui %add3A_260, %shift_right_logical3A_265 : vector<16xi32>
      %or3A_267 = arith.ori %shift_left3A_263, %shift_right_logical3A_266 : vector<16xi32>
      %xor3A_268 = arith.xori %or3A_267, %add3A_260 : vector<16xi32>
      %add3A_269 = arith.addi %add3A_260, %xor3A_268 : vector<16xi32>
      %shift_left3A_270 = arith.constant 15 : i32
      %shift_left3A_271 = vector.broadcast %shift_left3A_270 : i32 to vector<16xi32>
      %shift_left3A_272 = arith.shli %xor3A_268, %shift_left3A_271 : vector<16xi32>
      %shift_right_logical3A_273 = arith.constant 17 : i32
      %shift_right_logical3A_274 = vector.broadcast %shift_right_logical3A_273 : i32 to vector<16xi32>
      %shift_right_logical3A_275 = arith.shrui %xor3A_268, %shift_right_logical3A_274 : vector<16xi32>
      %or3A_276 = arith.ori %shift_left3A_272, %shift_right_logical3A_275 : vector<16xi32>
      %xor3A_277 = arith.xori %or3A_276, %add3A_269 : vector<16xi32>
      %add3A_278 = arith.addi %add3A_269, %xor3A_277 : vector<16xi32>
      %shift_left3A_279 = arith.constant 26 : i32
      %shift_left3A_280 = vector.broadcast %shift_left3A_279 : i32 to vector<16xi32>
      %shift_left3A_281 = arith.shli %xor3A_277, %shift_left3A_280 : vector<16xi32>
      %shift_right_logical3A_282 = arith.constant 6 : i32
      %shift_right_logical3A_283 = vector.broadcast %shift_right_logical3A_282 : i32 to vector<16xi32>
      %shift_right_logical3A_284 = arith.shrui %xor3A_277, %shift_right_logical3A_283 : vector<16xi32>
      %or3A_285 = arith.ori %shift_left3A_281, %shift_right_logical3A_284 : vector<16xi32>
      %xor3A_286 = arith.xori %or3A_285, %add3A_278 : vector<16xi32>
      %add3A_287 = arith.addi %add3A_278, %xor3A_286 : vector<16xi32>
      %shift_left3A_288 = arith.constant 6 : i32
      %shift_left3A_289 = vector.broadcast %shift_left3A_288 : i32 to vector<16xi32>
      %shift_left3A_290 = arith.shli %xor3A_286, %shift_left3A_289 : vector<16xi32>
      %shift_right_logical3A_291 = arith.constant 26 : i32
      %shift_right_logical3A_292 = vector.broadcast %shift_right_logical3A_291 : i32 to vector<16xi32>
      %shift_right_logical3A_293 = arith.shrui %xor3A_286, %shift_right_logical3A_292 : vector<16xi32>
      %or3A_294 = arith.ori %shift_left3A_290, %shift_right_logical3A_293 : vector<16xi32>
      %xor3A_295 = arith.xori %or3A_294, %add3A_287 : vector<16xi32>
      %add3A_296 = arith.constant 42 : i32
      %add3A_297 = vector.broadcast %add3A_296 : i32 to vector<16xi32>
      %add3A_298 = arith.addi %add3A_287, %add3A_297 : vector<16xi32>
      %add3A_299 = arith.constant 466689008 : i32
      %add3A_300 = vector.broadcast %add3A_299 : i32 to vector<16xi32>
      %add3A_301 = arith.addi %xor3A_295, %add3A_300 : vector<16xi32>
      %add3A_302 = arith.constant 1 : i32
      %add3A_303 = vector.broadcast %add3A_302 : i32 to vector<16xi32>
      %add3A_304 = arith.addi %add3A_301, %add3A_303 : vector<16xi32>
      %add3A_305 = arith.addi %add3A_298, %add3A_304 : vector<16xi32>
      %shift_left3A_306 = arith.constant 17 : i32
      %shift_left3A_307 = vector.broadcast %shift_left3A_306 : i32 to vector<16xi32>
      %shift_left3A_308 = arith.shli %add3A_304, %shift_left3A_307 : vector<16xi32>
      %shift_right_logical3A_309 = arith.constant 15 : i32
      %shift_right_logical3A_310 = vector.broadcast %shift_right_logical3A_309 : i32 to vector<16xi32>
      %shift_right_logical3A_311 = arith.shrui %add3A_304, %shift_right_logical3A_310 : vector<16xi32>
      %or3A_312 = arith.ori %shift_left3A_308, %shift_right_logical3A_311 : vector<16xi32>
      %xor3A_313 = arith.xori %or3A_312, %add3A_305 : vector<16xi32>
      %add3A_314 = arith.addi %add3A_305, %xor3A_313 : vector<16xi32>
      %shift_left3A_315 = arith.constant 29 : i32
      %shift_left3A_316 = vector.broadcast %shift_left3A_315 : i32 to vector<16xi32>
      %shift_left3A_317 = arith.shli %xor3A_313, %shift_left3A_316 : vector<16xi32>
      %shift_right_logical3A_318 = arith.constant 3 : i32
      %shift_right_logical3A_319 = vector.broadcast %shift_right_logical3A_318 : i32 to vector<16xi32>
      %shift_right_logical3A_320 = arith.shrui %xor3A_313, %shift_right_logical3A_319 : vector<16xi32>
      %or3A_321 = arith.ori %shift_left3A_317, %shift_right_logical3A_320 : vector<16xi32>
      %xor3A_322 = arith.xori %or3A_321, %add3A_314 : vector<16xi32>
      %add3A_323 = arith.addi %add3A_314, %xor3A_322 : vector<16xi32>
      %shift_left3A_324 = arith.constant 16 : i32
      %shift_left3A_325 = vector.broadcast %shift_left3A_324 : i32 to vector<16xi32>
      %shift_left3A_326 = arith.shli %xor3A_322, %shift_left3A_325 : vector<16xi32>
      %shift_right_logical3A_327 = arith.constant 16 : i32
      %shift_right_logical3A_328 = vector.broadcast %shift_right_logical3A_327 : i32 to vector<16xi32>
      %shift_right_logical3A_329 = arith.shrui %xor3A_322, %shift_right_logical3A_328 : vector<16xi32>
      %or3A_330 = arith.ori %shift_left3A_326, %shift_right_logical3A_329 : vector<16xi32>
      %xor3A_331 = arith.xori %or3A_330, %add3A_323 : vector<16xi32>
      %add3A_332 = arith.addi %add3A_323, %xor3A_331 : vector<16xi32>
      %shift_left3A_333 = arith.constant 24 : i32
      %shift_left3A_334 = vector.broadcast %shift_left3A_333 : i32 to vector<16xi32>
      %shift_left3A_335 = arith.shli %xor3A_331, %shift_left3A_334 : vector<16xi32>
      %shift_right_logical3A_336 = arith.constant 8 : i32
      %shift_right_logical3A_337 = vector.broadcast %shift_right_logical3A_336 : i32 to vector<16xi32>
      %shift_right_logical3A_338 = arith.shrui %xor3A_331, %shift_right_logical3A_337 : vector<16xi32>
      %or3A_339 = arith.ori %shift_left3A_335, %shift_right_logical3A_338 : vector<16xi32>
      %xor3A_340 = arith.xori %or3A_339, %add3A_332 : vector<16xi32>
      %add3A_341 = arith.constant 466689008 : i32
      %add3A_342 = vector.broadcast %add3A_341 : i32 to vector<16xi32>
      %add3A_343 = arith.addi %add3A_332, %add3A_342 : vector<16xi32>
      %add3A_344 = arith.constant 0 : i32
      %add3A_345 = vector.broadcast %add3A_344 : i32 to vector<16xi32>
      %add3A_346 = arith.addi %xor3A_340, %add3A_345 : vector<16xi32>
      %add3A_347 = arith.constant 2 : i32
      %add3A_348 = vector.broadcast %add3A_347 : i32 to vector<16xi32>
      %add3A_349 = arith.addi %add3A_346, %add3A_348 : vector<16xi32>
      %add3A_350 = arith.addi %add3A_343, %add3A_349 : vector<16xi32>
      %shift_left3A_351 = arith.constant 13 : i32
      %shift_left3A_352 = vector.broadcast %shift_left3A_351 : i32 to vector<16xi32>
      %shift_left3A_353 = arith.shli %add3A_349, %shift_left3A_352 : vector<16xi32>
      %shift_right_logical3A_354 = arith.constant 19 : i32
      %shift_right_logical3A_355 = vector.broadcast %shift_right_logical3A_354 : i32 to vector<16xi32>
      %shift_right_logical3A_356 = arith.shrui %add3A_349, %shift_right_logical3A_355 : vector<16xi32>
      %or3A_357 = arith.ori %shift_left3A_353, %shift_right_logical3A_356 : vector<16xi32>
      %xor3A_358 = arith.xori %or3A_357, %add3A_350 : vector<16xi32>
      %add3A_359 = arith.addi %add3A_350, %xor3A_358 : vector<16xi32>
      %shift_left3A_360 = arith.constant 15 : i32
      %shift_left3A_361 = vector.broadcast %shift_left3A_360 : i32 to vector<16xi32>
      %shift_left3A_362 = arith.shli %xor3A_358, %shift_left3A_361 : vector<16xi32>
      %shift_right_logical3A_363 = arith.constant 17 : i32
      %shift_right_logical3A_364 = vector.broadcast %shift_right_logical3A_363 : i32 to vector<16xi32>
      %shift_right_logical3A_365 = arith.shrui %xor3A_358, %shift_right_logical3A_364 : vector<16xi32>
      %or3A_366 = arith.ori %shift_left3A_362, %shift_right_logical3A_365 : vector<16xi32>
      %xor3A_367 = arith.xori %or3A_366, %add3A_359 : vector<16xi32>
      %add3A_368 = arith.addi %add3A_359, %xor3A_367 : vector<16xi32>
      %shift_left3A_369 = arith.constant 26 : i32
      %shift_left3A_370 = vector.broadcast %shift_left3A_369 : i32 to vector<16xi32>
      %shift_left3A_371 = arith.shli %xor3A_367, %shift_left3A_370 : vector<16xi32>
      %shift_right_logical3A_372 = arith.constant 6 : i32
      %shift_right_logical3A_373 = vector.broadcast %shift_right_logical3A_372 : i32 to vector<16xi32>
      %shift_right_logical3A_374 = arith.shrui %xor3A_367, %shift_right_logical3A_373 : vector<16xi32>
      %or3A_375 = arith.ori %shift_left3A_371, %shift_right_logical3A_374 : vector<16xi32>
      %xor3A_376 = arith.xori %or3A_375, %add3A_368 : vector<16xi32>
      %add3A_377 = arith.addi %add3A_368, %xor3A_376 : vector<16xi32>
      %shift_left3A_378 = arith.constant 6 : i32
      %shift_left3A_379 = vector.broadcast %shift_left3A_378 : i32 to vector<16xi32>
      %shift_left3A_380 = arith.shli %xor3A_376, %shift_left3A_379 : vector<16xi32>
      %shift_right_logical3A_381 = arith.constant 26 : i32
      %shift_right_logical3A_382 = vector.broadcast %shift_right_logical3A_381 : i32 to vector<16xi32>
      %shift_right_logical3A_383 = arith.shrui %xor3A_376, %shift_right_logical3A_382 : vector<16xi32>
      %or3A_384 = arith.ori %shift_left3A_380, %shift_right_logical3A_383 : vector<16xi32>
      %xor3A_385 = arith.xori %or3A_384, %add3A_377 : vector<16xi32>
      %add3A_386 = arith.constant 0 : i32
      %add3A_387 = vector.broadcast %add3A_386 : i32 to vector<16xi32>
      %add3A_388 = arith.addi %add3A_377, %add3A_387 : vector<16xi32>
      %add3A_389 = arith.constant 42 : i32
      %add3A_390 = vector.broadcast %add3A_389 : i32 to vector<16xi32>
      %add3A_391 = arith.addi %xor3A_385, %add3A_390 : vector<16xi32>
      %add3A_392 = arith.constant 3 : i32
      %add3A_393 = vector.broadcast %add3A_392 : i32 to vector<16xi32>
      %add3A_394 = arith.addi %add3A_391, %add3A_393 : vector<16xi32>
      %add3A_395 = arith.addi %add3A_388, %add3A_394 : vector<16xi32>
      %shift_left3A_396 = arith.constant 17 : i32
      %shift_left3A_397 = vector.broadcast %shift_left3A_396 : i32 to vector<16xi32>
      %shift_left3A_398 = arith.shli %add3A_394, %shift_left3A_397 : vector<16xi32>
      %shift_right_logical3A_399 = arith.constant 15 : i32
      %shift_right_logical3A_400 = vector.broadcast %shift_right_logical3A_399 : i32 to vector<16xi32>
      %shift_right_logical3A_401 = arith.shrui %add3A_394, %shift_right_logical3A_400 : vector<16xi32>
      %or3A_402 = arith.ori %shift_left3A_398, %shift_right_logical3A_401 : vector<16xi32>
      %xor3A_403 = arith.xori %or3A_402, %add3A_395 : vector<16xi32>
      %add3A_404 = arith.addi %add3A_395, %xor3A_403 : vector<16xi32>
      %shift_left3A_405 = arith.constant 29 : i32
      %shift_left3A_406 = vector.broadcast %shift_left3A_405 : i32 to vector<16xi32>
      %shift_left3A_407 = arith.shli %xor3A_403, %shift_left3A_406 : vector<16xi32>
      %shift_right_logical3A_408 = arith.constant 3 : i32
      %shift_right_logical3A_409 = vector.broadcast %shift_right_logical3A_408 : i32 to vector<16xi32>
      %shift_right_logical3A_410 = arith.shrui %xor3A_403, %shift_right_logical3A_409 : vector<16xi32>
      %or3A_411 = arith.ori %shift_left3A_407, %shift_right_logical3A_410 : vector<16xi32>
      %xor3A_412 = arith.xori %or3A_411, %add3A_404 : vector<16xi32>
      %add3A_413 = arith.addi %add3A_404, %xor3A_412 : vector<16xi32>
      %shift_left3A_414 = arith.constant 16 : i32
      %shift_left3A_415 = vector.broadcast %shift_left3A_414 : i32 to vector<16xi32>
      %shift_left3A_416 = arith.shli %xor3A_412, %shift_left3A_415 : vector<16xi32>
      %shift_right_logical3A_417 = arith.constant 16 : i32
      %shift_right_logical3A_418 = vector.broadcast %shift_right_logical3A_417 : i32 to vector<16xi32>
      %shift_right_logical3A_419 = arith.shrui %xor3A_412, %shift_right_logical3A_418 : vector<16xi32>
      %or3A_420 = arith.ori %shift_left3A_416, %shift_right_logical3A_419 : vector<16xi32>
      %xor3A_421 = arith.xori %or3A_420, %add3A_413 : vector<16xi32>
      %add3A_422 = arith.addi %add3A_413, %xor3A_421 : vector<16xi32>
      %shift_left3A_423 = arith.constant 24 : i32
      %shift_left3A_424 = vector.broadcast %shift_left3A_423 : i32 to vector<16xi32>
      %shift_left3A_425 = arith.shli %xor3A_421, %shift_left3A_424 : vector<16xi32>
      %shift_right_logical3A_426 = arith.constant 8 : i32
      %shift_right_logical3A_427 = vector.broadcast %shift_right_logical3A_426 : i32 to vector<16xi32>
      %shift_right_logical3A_428 = arith.shrui %xor3A_421, %shift_right_logical3A_427 : vector<16xi32>
      %or3A_429 = arith.ori %shift_left3A_425, %shift_right_logical3A_428 : vector<16xi32>
      %xor3A_430 = arith.xori %or3A_429, %add3A_422 : vector<16xi32>
      %add3A_431 = arith.constant 42 : i32
      %add3A_432 = vector.broadcast %add3A_431 : i32 to vector<16xi32>
      %add3A_433 = arith.addi %add3A_422, %add3A_432 : vector<16xi32>
      %add3A_434 = arith.constant 466689008 : i32
      %add3A_435 = vector.broadcast %add3A_434 : i32 to vector<16xi32>
      %add3A_436 = arith.addi %xor3A_430, %add3A_435 : vector<16xi32>
      %add3A_437 = arith.constant 4 : i32
      %add3A_438 = vector.broadcast %add3A_437 : i32 to vector<16xi32>
      %add3A_439 = arith.addi %add3A_436, %add3A_438 : vector<16xi32>
      %add3A_440 = arith.addi %add3A_433, %add3A_439 : vector<16xi32>
      %shift_left3A_441 = arith.constant 13 : i32
      %shift_left3A_442 = vector.broadcast %shift_left3A_441 : i32 to vector<16xi32>
      %shift_left3A_443 = arith.shli %add3A_439, %shift_left3A_442 : vector<16xi32>
      %shift_right_logical3A_444 = arith.constant 19 : i32
      %shift_right_logical3A_445 = vector.broadcast %shift_right_logical3A_444 : i32 to vector<16xi32>
      %shift_right_logical3A_446 = arith.shrui %add3A_439, %shift_right_logical3A_445 : vector<16xi32>
      %or3A_447 = arith.ori %shift_left3A_443, %shift_right_logical3A_446 : vector<16xi32>
      %xor3A_448 = arith.xori %or3A_447, %add3A_440 : vector<16xi32>
      %add3A_449 = arith.addi %add3A_440, %xor3A_448 : vector<16xi32>
      %shift_left3A_450 = arith.constant 15 : i32
      %shift_left3A_451 = vector.broadcast %shift_left3A_450 : i32 to vector<16xi32>
      %shift_left3A_452 = arith.shli %xor3A_448, %shift_left3A_451 : vector<16xi32>
      %shift_right_logical3A_453 = arith.constant 17 : i32
      %shift_right_logical3A_454 = vector.broadcast %shift_right_logical3A_453 : i32 to vector<16xi32>
      %shift_right_logical3A_455 = arith.shrui %xor3A_448, %shift_right_logical3A_454 : vector<16xi32>
      %or3A_456 = arith.ori %shift_left3A_452, %shift_right_logical3A_455 : vector<16xi32>
      %xor3A_457 = arith.xori %or3A_456, %add3A_449 : vector<16xi32>
      %add3A_458 = arith.addi %add3A_449, %xor3A_457 : vector<16xi32>
      %shift_left3A_459 = arith.constant 26 : i32
      %shift_left3A_460 = vector.broadcast %shift_left3A_459 : i32 to vector<16xi32>
      %shift_left3A_461 = arith.shli %xor3A_457, %shift_left3A_460 : vector<16xi32>
      %shift_right_logical3A_462 = arith.constant 6 : i32
      %shift_right_logical3A_463 = vector.broadcast %shift_right_logical3A_462 : i32 to vector<16xi32>
      %shift_right_logical3A_464 = arith.shrui %xor3A_457, %shift_right_logical3A_463 : vector<16xi32>
      %or3A_465 = arith.ori %shift_left3A_461, %shift_right_logical3A_464 : vector<16xi32>
      %xor3A_466 = arith.xori %or3A_465, %add3A_458 : vector<16xi32>
      %add3A_467 = arith.addi %add3A_458, %xor3A_466 : vector<16xi32>
      %shift_left3A_468 = arith.constant 6 : i32
      %shift_left3A_469 = vector.broadcast %shift_left3A_468 : i32 to vector<16xi32>
      %shift_left3A_470 = arith.shli %xor3A_466, %shift_left3A_469 : vector<16xi32>
      %shift_right_logical3A_471 = arith.constant 26 : i32
      %shift_right_logical3A_472 = vector.broadcast %shift_right_logical3A_471 : i32 to vector<16xi32>
      %shift_right_logical3A_473 = arith.shrui %xor3A_466, %shift_right_logical3A_472 : vector<16xi32>
      %or3A_474 = arith.ori %shift_left3A_470, %shift_right_logical3A_473 : vector<16xi32>
      %xor3A_475 = arith.xori %or3A_474, %add3A_467 : vector<16xi32>
      %add3A_476 = arith.constant 466689008 : i32
      %add3A_477 = vector.broadcast %add3A_476 : i32 to vector<16xi32>
      %add3A_478 = arith.addi %add3A_467, %add3A_477 : vector<16xi32>
      %add3A_479 = arith.constant 0 : i32
      %add3A_480 = vector.broadcast %add3A_479 : i32 to vector<16xi32>
      %add3A_481 = arith.addi %xor3A_475, %add3A_480 : vector<16xi32>
      %add3A_482 = arith.constant 5 : i32
      %add3A_483 = vector.broadcast %add3A_482 : i32 to vector<16xi32>
      %add3A_484 = arith.addi %add3A_481, %add3A_483 : vector<16xi32>
      %xor3A_485 = arith.xori %add3A_478, %add3A_484 : vector<16xi32>
      %shift_right_logical3A_486 = arith.constant 9 : i32
      %shift_right_logical3A_487 = vector.broadcast %shift_right_logical3A_486 : i32 to vector<16xi32>
      %shift_right_logical3A_488 = arith.shrui %xor3A_485, %shift_right_logical3A_487 : vector<16xi32>
      %lt3A_489 = arith.cmpi ult, %shift_right_logical3A_488, %get3A_16 : vector<16xi32>
      %jit3A_490 = arith.constant 1.000000e+00 : f32
      %jit3A_491 = arith.constant 0.000000e+00 : f32
      %broadcast_in_dim3A_492 = vector.broadcast %jit3A_490 : f32 to vector<16xf32>
      %broadcast_in_dim3A_493 = vector.broadcast %jit3A_491 : f32 to vector<16xf32>
      %select_n3A_494 = arith.select %lt3A_489, %broadcast_in_dim3A_492, %broadcast_in_dim3A_493 : vector<16xi1>, vector<16xf32>
      %add3A_495 = arith.constant 16 : i32
      %add3A_496 = arith.addi %mul3A_21, %add3A_495 : i32
      %swap3A_497 = arith.index_cast %add3A_496 : i32 to index
      %swap3A_498 = tpu.vector_load %arg5[%swap3A_497] {strides = array<i32>} : memref<32768xf32, #tpu.memory_space<vmem>>, vector<16xf32>,
      %swap3A_499 = vector.shape_cast %swap3A_498 : vector<16xf32> to vector<16xf32>
      %swap3A_500 = vector.shape_cast %select_n3A_494 : vector<16xf32> to vector<16xf32>
      tpu.vector_store %arg5[%swap3A_497], %swap3A_500 {strides = array<i32>} : memref<32768xf32, #tpu.memory_space<vmem>>, vector<16xf32>,
      %add3A_501 = arith.constant 74 : i32
      %add3A_502 = arith.addi %mul3A_19, %add3A_501 : i32
      %add3A_503 = vector.broadcast %add3A_502 : i32 to vector<16xi32>
      %add3A_504 = arith.addi %iota3A, %add3A_503 : vector<16xi32>
      %shift_left3A_505 = arith.constant 13 : i32
      %shift_left3A_506 = vector.broadcast %shift_left3A_505 : i32 to vector<16xi32>
      %shift_left3A_507 = arith.shli %add3A_504, %shift_left3A_506 : vector<16xi32>
      %shift_right_logical3A_508 = arith.constant 19 : i32
      %shift_right_logical3A_509 = vector.broadcast %shift_right_logical3A_508 : i32 to vector<16xi32>
      %shift_right_logical3A_510 = arith.shrui %add3A_504, %shift_right_logical3A_509 : vector<16xi32>
      %or3A_511 = arith.ori %shift_left3A_507, %shift_right_logical3A_510 : vector<16xi32>
      %xor3A_512 = arith.xori %or3A_511, %add3A_504 : vector<16xi32>
      %add3A_513 = arith.addi %add3A_504, %xor3A_512 : vector<16xi32>
      %shift_left3A_514 = arith.constant 15 : i32
      %shift_left3A_515 = vector.broadcast %shift_left3A_514 : i32 to vector<16xi32>
      %shift_left3A_516 = arith.shli %xor3A_512, %shift_left3A_515 : vector<16xi32>
      %shift_right_logical3A_517 = arith.constant 17 : i32
      %shift_right_logical3A_518 = vector.broadcast %shift_right_logical3A_517 : i32 to vector<16xi32>
      %shift_right_logical3A_519 = arith.shrui %xor3A_512, %shift_right_logical3A_518 : vector<16xi32>
      %or3A_520 = arith.ori %shift_left3A_516, %shift_right_logical3A_519 : vector<16xi32>
      %xor3A_521 = arith.xori %or3A_520, %add3A_513 : vector<16xi32>
      %add3A_522 = arith.addi %add3A_513, %xor3A_521 : vector<16xi32>
      %shift_left3A_523 = arith.constant 26 : i32
      %shift_left3A_524 = vector.broadcast %shift_left3A_523 : i32 to vector<16xi32>
      %shift_left3A_525 = arith.shli %xor3A_521, %shift_left3A_524 : vector<16xi32>
      %shift_right_logical3A_526 = arith.constant 6 : i32
      %shift_right_logical3A_527 = vector.broadcast %shift_right_logical3A_526 : i32 to vector<16xi32>
      %shift_right_logical3A_528 = arith.shrui %xor3A_521, %shift_right_logical3A_527 : vector<16xi32>
      %or3A_529 = arith.ori %shift_left3A_525, %shift_right_logical3A_528 : vector<16xi32>
      %xor3A_530 = arith.xori %or3A_529, %add3A_522 : vector<16xi32>
      %add3A_531 = arith.addi %add3A_522, %xor3A_530 : vector<16xi32>
      %shift_left3A_532 = arith.constant 6 : i32
      %shift_left3A_533 = vector.broadcast %shift_left3A_532 : i32 to vector<16xi32>
      %shift_left3A_534 = arith.shli %xor3A_530, %shift_left3A_533 : vector<16xi32>
      %shift_right_logical3A_535 = arith.constant 26 : i32
      %shift_right_logical3A_536 = vector.broadcast %shift_right_logical3A_535 : i32 to vector<16xi32>
      %shift_right_logical3A_537 = arith.shrui %xor3A_530, %shift_right_logical3A_536 : vector<16xi32>
      %or3A_538 = arith.ori %shift_left3A_534, %shift_right_logical3A_537 : vector<16xi32>
      %xor3A_539 = arith.xori %or3A_538, %add3A_531 : vector<16xi32>
      %add3A_540 = arith.constant 42 : i32
      %add3A_541 = vector.broadcast %add3A_540 : i32 to vector<16xi32>
      %add3A_542 = arith.addi %add3A_531, %add3A_541 : vector<16xi32>
      %add3A_543 = arith.constant 466689008 : i32
      %add3A_544 = vector.broadcast %add3A_543 : i32 to vector<16xi32>
      %add3A_545 = arith.addi %xor3A_539, %add3A_544 : vector<16xi32>
      %add3A_546 = arith.constant 1 : i32
      %add3A_547 = vector.broadcast %add3A_546 : i32 to vector<16xi32>
      %add3A_548 = arith.addi %add3A_545, %add3A_547 : vector<16xi32>
      %add3A_549 = arith.addi %add3A_542, %add3A_548 : vector<16xi32>
      %shift_left3A_550 = arith.constant 17 : i32
      %shift_left3A_551 = vector.broadcast %shift_left3A_550 : i32 to vector<16xi32>
      %shift_left3A_552 = arith.shli %add3A_548, %shift_left3A_551 : vector<16xi32>
      %shift_right_logical3A_553 = arith.constant 15 : i32
      %shift_right_logical3A_554 = vector.broadcast %shift_right_logical3A_553 : i32 to vector<16xi32>
      %shift_right_logical3A_555 = arith.shrui %add3A_548, %shift_right_logical3A_554 : vector<16xi32>
      %or3A_556 = arith.ori %shift_left3A_552, %shift_right_logical3A_555 : vector<16xi32>
      %xor3A_557 = arith.xori %or3A_556, %add3A_549 : vector<16xi32>
      %add3A_558 = arith.addi %add3A_549, %xor3A_557 : vector<16xi32>
      %shift_left3A_559 = arith.constant 29 : i32
      %shift_left3A_560 = vector.broadcast %shift_left3A_559 : i32 to vector<16xi32>
      %shift_left3A_561 = arith.shli %xor3A_557, %shift_left3A_560 : vector<16xi32>
      %shift_right_logical3A_562 = arith.constant 3 : i32
      %shift_right_logical3A_563 = vector.broadcast %shift_right_logical3A_562 : i32 to vector<16xi32>
      %shift_right_logical3A_564 = arith.shrui %xor3A_557, %shift_right_logical3A_563 : vector<16xi32>
      %or3A_565 = arith.ori %shift_left3A_561, %shift_right_logical3A_564 : vector<16xi32>
      %xor3A_566 = arith.xori %or3A_565, %add3A_558 : vector<16xi32>
      %add3A_567 = arith.addi %add3A_558, %xor3A_566 : vector<16xi32>
      %shift_left3A_568 = arith.constant 16 : i32
      %shift_left3A_569 = vector.broadcast %shift_left3A_568 : i32 to vector<16xi32>
      %shift_left3A_570 = arith.shli %xor3A_566, %shift_left3A_569 : vector<16xi32>
      %shift_right_logical3A_571 = arith.constant 16 : i32
      %shift_right_logical3A_572 = vector.broadcast %shift_right_logical3A_571 : i32 to vector<16xi32>
      %shift_right_logical3A_573 = arith.shrui %xor3A_566, %shift_right_logical3A_572 : vector<16xi32>
      %or3A_574 = arith.ori %shift_left3A_570, %shift_right_logical3A_573 : vector<16xi32>
      %xor3A_575 = arith.xori %or3A_574, %add3A_567 : vector<16xi32>
      %add3A_576 = arith.addi %add3A_567, %xor3A_575 : vector<16xi32>
      %shift_left3A_577 = arith.constant 24 : i32
      %shift_left3A_578 = vector.broadcast %shift_left3A_577 : i32 to vector<16xi32>
      %shift_left3A_579 = arith.shli %xor3A_575, %shift_left3A_578 : vector<16xi32>
      %shift_right_logical3A_580 = arith.constant 8 : i32
      %shift_right_logical3A_581 = vector.broadcast %shift_right_logical3A_580 : i32 to vector<16xi32>
      %shift_right_logical3A_582 = arith.shrui %xor3A_575, %shift_right_logical3A_581 : vector<16xi32>
      %or3A_583 = arith.ori %shift_left3A_579, %shift_right_logical3A_582 : vector<16xi32>
      %xor3A_584 = arith.xori %or3A_583, %add3A_576 : vector<16xi32>
      %add3A_585 = arith.constant 466689008 : i32
      %add3A_586 = vector.broadcast %add3A_585 : i32 to vector<16xi32>
      %add3A_587 = arith.addi %add3A_576, %add3A_586 : vector<16xi32>
      %add3A_588 = arith.constant 0 : i32
      %add3A_589 = vector.broadcast %add3A_588 : i32 to vector<16xi32>
      %add3A_590 = arith.addi %xor3A_584, %add3A_589 : vector<16xi32>
      %add3A_591 = arith.constant 2 : i32
      %add3A_592 = vector.broadcast %add3A_591 : i32 to vector<16xi32>
      %add3A_593 = arith.addi %add3A_590, %add3A_592 : vector<16xi32>
      %add3A_594 = arith.addi %add3A_587, %add3A_593 : vector<16xi32>
      %shift_left3A_595 = arith.constant 13 : i32
      %shift_left3A_596 = vector.broadcast %shift_left3A_595 : i32 to vector<16xi32>
      %shift_left3A_597 = arith.shli %add3A_593, %shift_left3A_596 : vector<16xi32>
      %shift_right_logical3A_598 = arith.constant 19 : i32
      %shift_right_logical3A_599 = vector.broadcast %shift_right_logical3A_598 : i32 to vector<16xi32>
      %shift_right_logical3A_600 = arith.shrui %add3A_593, %shift_right_logical3A_599 : vector<16xi32>
      %or3A_601 = arith.ori %shift_left3A_597, %shift_right_logical3A_600 : vector<16xi32>
      %xor3A_602 = arith.xori %or3A_601, %add3A_594 : vector<16xi32>
      %add3A_603 = arith.addi %add3A_594, %xor3A_602 : vector<16xi32>
      %shift_left3A_604 = arith.constant 15 : i32
      %shift_left3A_605 = vector.broadcast %shift_left3A_604 : i32 to vector<16xi32>
      %shift_left3A_606 = arith.shli %xor3A_602, %shift_left3A_605 : vector<16xi32>
      %shift_right_logical3A_607 = arith.constant 17 : i32
      %shift_right_logical3A_608 = vector.broadcast %shift_right_logical3A_607 : i32 to vector<16xi32>
      %shift_right_logical3A_609 = arith.shrui %xor3A_602, %shift_right_logical3A_608 : vector<16xi32>
      %or3A_610 = arith.ori %shift_left3A_606, %shift_right_logical3A_609 : vector<16xi32>
      %xor3A_611 = arith.xori %or3A_610, %add3A_603 : vector<16xi32>
      %add3A_612 = arith.addi %add3A_603, %xor3A_611 : vector<16xi32>
      %shift_left3A_613 = arith.constant 26 : i32
      %shift_left3A_614 = vector.broadcast %shift_left3A_613 : i32 to vector<16xi32>
      %shift_left3A_615 = arith.shli %xor3A_611, %shift_left3A_614 : vector<16xi32>
      %shift_right_logical3A_616 = arith.constant 6 : i32
      %shift_right_logical3A_617 = vector.broadcast %shift_right_logical3A_616 : i32 to vector<16xi32>
      %shift_right_logical3A_618 = arith.shrui %xor3A_611, %shift_right_logical3A_617 : vector<16xi32>
      %or3A_619 = arith.ori %shift_left3A_615, %shift_right_logical3A_618 : vector<16xi32>
      %xor3A_620 = arith.xori %or3A_619, %add3A_612 : vector<16xi32>
      %add3A_621 = arith.addi %add3A_612, %xor3A_620 : vector<16xi32>
      %shift_left3A_622 = arith.constant 6 : i32
      %shift_left3A_623 = vector.broadcast %shift_left3A_622 : i32 to vector<16xi32>
      %shift_left3A_624 = arith.shli %xor3A_620, %shift_left3A_623 : vector<16xi32>
      %shift_right_logical3A_625 = arith.constant 26 : i32
      %shift_right_logical3A_626 = vector.broadcast %shift_right_logical3A_625 : i32 to vector<16xi32>
      %shift_right_logical3A_627 = arith.shrui %xor3A_620, %shift_right_logical3A_626 : vector<16xi32>
      %or3A_628 = arith.ori %shift_left3A_624, %shift_right_logical3A_627 : vector<16xi32>
      %xor3A_629 = arith.xori %or3A_628, %add3A_621 : vector<16xi32>
      %add3A_630 = arith.constant 0 : i32
      %add3A_631 = vector.broadcast %add3A_630 : i32 to vector<16xi32>
      %add3A_632 = arith.addi %add3A_621, %add3A_631 : vector<16xi32>
      %add3A_633 = arith.constant 42 : i32
      %add3A_634 = vector.broadcast %add3A_633 : i32 to vector<16xi32>
      %add3A_635 = arith.addi %xor3A_629, %add3A_634 : vector<16xi32>
      %add3A_636 = arith.constant 3 : i32
      %add3A_637 = vector.broadcast %add3A_636 : i32 to vector<16xi32>
      %add3A_638 = arith.addi %add3A_635, %add3A_637 : vector<16xi32>
      %add3A_639 = arith.addi %add3A_632, %add3A_638 : vector<16xi32>
      %shift_left3A_640 = arith.constant 17 : i32
      %shift_left3A_641 = vector.broadcast %shift_left3A_640 : i32 to vector<16xi32>
      %shift_left3A_642 = arith.shli %add3A_638, %shift_left3A_641 : vector<16xi32>
      %shift_right_logical3A_643 = arith.constant 15 : i32
      %shift_right_logical3A_644 = vector.broadcast %shift_right_logical3A_643 : i32 to vector<16xi32>
      %shift_right_logical3A_645 = arith.shrui %add3A_638, %shift_right_logical3A_644 : vector<16xi32>
      %or3A_646 = arith.ori %shift_left3A_642, %shift_right_logical3A_645 : vector<16xi32>
      %xor3A_647 = arith.xori %or3A_646, %add3A_639 : vector<16xi32>
      %add3A_648 = arith.addi %add3A_639, %xor3A_647 : vector<16xi32>
      %shift_left3A_649 = arith.constant 29 : i32
      %shift_left3A_650 = vector.broadcast %shift_left3A_649 : i32 to vector<16xi32>
      %shift_left3A_651 = arith.shli %xor3A_647, %shift_left3A_650 : vector<16xi32>
      %shift_right_logical3A_652 = arith.constant 3 : i32
      %shift_right_logical3A_653 = vector.broadcast %shift_right_logical3A_652 : i32 to vector<16xi32>
      %shift_right_logical3A_654 = arith.shrui %xor3A_647, %shift_right_logical3A_653 : vector<16xi32>
      %or3A_655 = arith.ori %shift_left3A_651, %shift_right_logical3A_654 : vector<16xi32>
      %xor3A_656 = arith.xori %or3A_655, %add3A_648 : vector<16xi32>
      %add3A_657 = arith.addi %add3A_648, %xor3A_656 : vector<16xi32>
      %shift_left3A_658 = arith.constant 16 : i32
      %shift_left3A_659 = vector.broadcast %shift_left3A_658 : i32 to vector<16xi32>
      %shift_left3A_660 = arith.shli %xor3A_656, %shift_left3A_659 : vector<16xi32>
      %shift_right_logical3A_661 = arith.constant 16 : i32
      %shift_right_logical3A_662 = vector.broadcast %shift_right_logical3A_661 : i32 to vector<16xi32>
      %shift_right_logical3A_663 = arith.shrui %xor3A_656, %shift_right_logical3A_662 : vector<16xi32>
      %or3A_664 = arith.ori %shift_left3A_660, %shift_right_logical3A_663 : vector<16xi32>
      %xor3A_665 = arith.xori %or3A_664, %add3A_657 : vector<16xi32>
      %add3A_666 = arith.addi %add3A_657, %xor3A_665 : vector<16xi32>
      %shift_left3A_667 = arith.constant 24 : i32
      %shift_left3A_668 = vector.broadcast %shift_left3A_667 : i32 to vector<16xi32>
      %shift_left3A_669 = arith.shli %xor3A_665, %shift_left3A_668 : vector<16xi32>
      %shift_right_logical3A_670 = arith.constant 8 : i32
      %shift_right_logical3A_671 = vector.broadcast %shift_right_logical3A_670 : i32 to vector<16xi32>
      %shift_right_logical3A_672 = arith.shrui %xor3A_665, %shift_right_logical3A_671 : vector<16xi32>
      %or3A_673 = arith.ori %shift_left3A_669, %shift_right_logical3A_672 : vector<16xi32>
      %xor3A_674 = arith.xori %or3A_673, %add3A_666 : vector<16xi32>
      %add3A_675 = arith.constant 42 : i32
      %add3A_676 = vector.broadcast %add3A_675 : i32 to vector<16xi32>
      %add3A_677 = arith.addi %add3A_666, %add3A_676 : vector<16xi32>
      %add3A_678 = arith.constant 466689008 : i32
      %add3A_679 = vector.broadcast %add3A_678 : i32 to vector<16xi32>
      %add3A_680 = arith.addi %xor3A_674, %add3A_679 : vector<16xi32>
      %add3A_681 = arith.constant 4 : i32
      %add3A_682 = vector.broadcast %add3A_681 : i32 to vector<16xi32>
      %add3A_683 = arith.addi %add3A_680, %add3A_682 : vector<16xi32>
      %add3A_684 = arith.addi %add3A_677, %add3A_683 : vector<16xi32>
      %shift_left3A_685 = arith.constant 13 : i32
      %shift_left3A_686 = vector.broadcast %shift_left3A_685 : i32 to vector<16xi32>
      %shift_left3A_687 = arith.shli %add3A_683, %shift_left3A_686 : vector<16xi32>
      %shift_right_logical3A_688 = arith.constant 19 : i32
      %shift_right_logical3A_689 = vector.broadcast %shift_right_logical3A_688 : i32 to vector<16xi32>
      %shift_right_logical3A_690 = arith.shrui %add3A_683, %shift_right_logical3A_689 : vector<16xi32>
      %or3A_691 = arith.ori %shift_left3A_687, %shift_right_logical3A_690 : vector<16xi32>
      %xor3A_692 = arith.xori %or3A_691, %add3A_684 : vector<16xi32>
      %add3A_693 = arith.addi %add3A_684, %xor3A_692 : vector<16xi32>
      %shift_left3A_694 = arith.constant 15 : i32
      %shift_left3A_695 = vector.broadcast %shift_left3A_694 : i32 to vector<16xi32>
      %shift_left3A_696 = arith.shli %xor3A_692, %shift_left3A_695 : vector<16xi32>
      %shift_right_logical3A_697 = arith.constant 17 : i32
      %shift_right_logical3A_698 = vector.broadcast %shift_right_logical3A_697 : i32 to vector<16xi32>
      %shift_right_logical3A_699 = arith.shrui %xor3A_692, %shift_right_logical3A_698 : vector<16xi32>
      %or3A_700 = arith.ori %shift_left3A_696, %shift_right_logical3A_699 : vector<16xi32>
      %xor3A_701 = arith.xori %or3A_700, %add3A_693 : vector<16xi32>
      %add3A_702 = arith.addi %add3A_693, %xor3A_701 : vector<16xi32>
      %shift_left3A_703 = arith.constant 26 : i32
      %shift_left3A_704 = vector.broadcast %shift_left3A_703 : i32 to vector<16xi32>
      %shift_left3A_705 = arith.shli %xor3A_701, %shift_left3A_704 : vector<16xi32>
      %shift_right_logical3A_706 = arith.constant 6 : i32
      %shift_right_logical3A_707 = vector.broadcast %shift_right_logical3A_706 : i32 to vector<16xi32>
      %shift_right_logical3A_708 = arith.shrui %xor3A_701, %shift_right_logical3A_707 : vector<16xi32>
      %or3A_709 = arith.ori %shift_left3A_705, %shift_right_logical3A_708 : vector<16xi32>
      %xor3A_710 = arith.xori %or3A_709, %add3A_702 : vector<16xi32>
      %add3A_711 = arith.addi %add3A_702, %xor3A_710 : vector<16xi32>
      %shift_left3A_712 = arith.constant 6 : i32
      %shift_left3A_713 = vector.broadcast %shift_left3A_712 : i32 to vector<16xi32>
      %shift_left3A_714 = arith.shli %xor3A_710, %shift_left3A_713 : vector<16xi32>
      %shift_right_logical3A_715 = arith.constant 26 : i32
      %shift_right_logical3A_716 = vector.broadcast %shift_right_logical3A_715 : i32 to vector<16xi32>
      %shift_right_logical3A_717 = arith.shrui %xor3A_710, %shift_right_logical3A_716 : vector<16xi32>
      %or3A_718 = arith.ori %shift_left3A_714, %shift_right_logical3A_717 : vector<16xi32>
      %xor3A_719 = arith.xori %or3A_718, %add3A_711 : vector<16xi32>
      %add3A_720 = arith.constant 466689008 : i32
      %add3A_721 = vector.broadcast %add3A_720 : i32 to vector<16xi32>
      %add3A_722 = arith.addi %add3A_711, %add3A_721 : vector<16xi32>
      %add3A_723 = arith.constant 0 : i32
      %add3A_724 = vector.broadcast %add3A_723 : i32 to vector<16xi32>
      %add3A_725 = arith.addi %xor3A_719, %add3A_724 : vector<16xi32>
      %add3A_726 = arith.constant 5 : i32
      %add3A_727 = vector.broadcast %add3A_726 : i32 to vector<16xi32>
      %add3A_728 = arith.addi %add3A_725, %add3A_727 : vector<16xi32>
      %xor3A_729 = arith.xori %add3A_722, %add3A_728 : vector<16xi32>
      %shift_right_logical3A_730 = arith.constant 9 : i32
      %shift_right_logical3A_731 = vector.broadcast %shift_right_logical3A_730 : i32 to vector<16xi32>
      %shift_right_logical3A_732 = arith.shrui %xor3A_729, %shift_right_logical3A_731 : vector<16xi32>
      %lt3A_733 = arith.cmpi ult, %shift_right_logical3A_732, %get3A_16 : vector<16xi32>
      %jit3A_734 = arith.constant 1.000000e+00 : f32
      %jit3A_735 = arith.constant 0.000000e+00 : f32
      %broadcast_in_dim3A_736 = vector.broadcast %jit3A_734 : f32 to vector<16xf32>
      %broadcast_in_dim3A_737 = vector.broadcast %jit3A_735 : f32 to vector<16xf32>
      %select_n3A_738 = arith.select %lt3A_733, %broadcast_in_dim3A_736, %broadcast_in_dim3A_737 : vector<16xi1>, vector<16xf32>
      %add3A_739 = arith.constant 32 : i32
      %add3A_740 = arith.addi %mul3A_21, %add3A_739 : i32
      %swap3A_741 = arith.index_cast %add3A_740 : i32 to index
      %swap3A_742 = tpu.vector_load %arg5[%swap3A_741] {strides = array<i32>} : memref<32768xf32, #tpu.memory_space<vmem>>, vector<16xf32>,
      %swap3A_743 = vector.shape_cast %swap3A_742 : vector<16xf32> to vector<16xf32>
      %swap3A_744 = vector.shape_cast %select_n3A_738 : vector<16xf32> to vector<16xf32>
      tpu.vector_store %arg5[%swap3A_741], %swap3A_744 {strides = array<i32>} : memref<32768xf32, #tpu.memory_space<vmem>>, vector<16xf32>,
      %add3A_745 = arith.constant 90 : i32
      %add3A_746 = arith.addi %mul3A_19, %add3A_745 : i32
      %add3A_747 = vector.broadcast %add3A_746 : i32 to vector<16xi32>
      %add3A_748 = arith.addi %iota3A, %add3A_747 : vector<16xi32>
      %shift_left3A_749 = arith.constant 13 : i32
      %shift_left3A_750 = vector.broadcast %shift_left3A_749 : i32 to vector<16xi32>
      %shift_left3A_751 = arith.shli %add3A_748, %shift_left3A_750 : vector<16xi32>
      %shift_right_logical3A_752 = arith.constant 19 : i32
      %shift_right_logical3A_753 = vector.broadcast %shift_right_logical3A_752 : i32 to vector<16xi32>
      %shift_right_logical3A_754 = arith.shrui %add3A_748, %shift_right_logical3A_753 : vector<16xi32>
      %or3A_755 = arith.ori %shift_left3A_751, %shift_right_logical3A_754 : vector<16xi32>
      %xor3A_756 = arith.xori %or3A_755, %add3A_748 : vector<16xi32>
      %add3A_757 = arith.addi %add3A_748, %xor3A_756 : vector<16xi32>
      %shift_left3A_758 = arith.constant 15 : i32
      %shift_left3A_759 = vector.broadcast %shift_left3A_758 : i32 to vector<16xi32>
      %shift_left3A_760 = arith.shli %xor3A_756, %shift_left3A_759 : vector<16xi32>
      %shift_right_logical3A_761 = arith.constant 17 : i32
      %shift_right_logical3A_762 = vector.broadcast %shift_right_logical3A_761 : i32 to vector<16xi32>
      %shift_right_logical3A_763 = arith.shrui %xor3A_756, %shift_right_logical3A_762 : vector<16xi32>
      %or3A_764 = arith.ori %shift_left3A_760, %shift_right_logical3A_763 : vector<16xi32>
      %xor3A_765 = arith.xori %or3A_764, %add3A_757 : vector<16xi32>
      %add3A_766 = arith.addi %add3A_757, %xor3A_765 : vector<16xi32>
      %shift_left3A_767 = arith.constant 26 : i32
      %shift_left3A_768 = vector.broadcast %shift_left3A_767 : i32 to vector<16xi32>
      %shift_left3A_769 = arith.shli %xor3A_765, %shift_left3A_768 : vector<16xi32>
      %shift_right_logical3A_770 = arith.constant 6 : i32
      %shift_right_logical3A_771 = vector.broadcast %shift_right_logical3A_770 : i32 to vector<16xi32>
      %shift_right_logical3A_772 = arith.shrui %xor3A_765, %shift_right_logical3A_771 : vector<16xi32>
      %or3A_773 = arith.ori %shift_left3A_769, %shift_right_logical3A_772 : vector<16xi32>
      %xor3A_774 = arith.xori %or3A_773, %add3A_766 : vector<16xi32>
      %add3A_775 = arith.addi %add3A_766, %xor3A_774 : vector<16xi32>
      %shift_left3A_776 = arith.constant 6 : i32
      %shift_left3A_777 = vector.broadcast %shift_left3A_776 : i32 to vector<16xi32>
      %shift_left3A_778 = arith.shli %xor3A_774, %shift_left3A_777 : vector<16xi32>
      %shift_right_logical3A_779 = arith.constant 26 : i32
      %shift_right_logical3A_780 = vector.broadcast %shift_right_logical3A_779 : i32 to vector<16xi32>
      %shift_right_logical3A_781 = arith.shrui %xor3A_774, %shift_right_logical3A_780 : vector<16xi32>
      %or3A_782 = arith.ori %shift_left3A_778, %shift_right_logical3A_781 : vector<16xi32>
      %xor3A_783 = arith.xori %or3A_782, %add3A_775 : vector<16xi32>
      %add3A_784 = arith.constant 42 : i32
      %add3A_785 = vector.broadcast %add3A_784 : i32 to vector<16xi32>
      %add3A_786 = arith.addi %add3A_775, %add3A_785 : vector<16xi32>
      %add3A_787 = arith.constant 466689008 : i32
      %add3A_788 = vector.broadcast %add3A_787 : i32 to vector<16xi32>
      %add3A_789 = arith.addi %xor3A_783, %add3A_788 : vector<16xi32>
      %add3A_790 = arith.constant 1 : i32
      %add3A_791 = vector.broadcast %add3A_790 : i32 to vector<16xi32>
      %add3A_792 = arith.addi %add3A_789, %add3A_791 : vector<16xi32>
      %add3A_793 = arith.addi %add3A_786, %add3A_792 : vector<16xi32>
      %shift_left3A_794 = arith.constant 17 : i32
      %shift_left3A_795 = vector.broadcast %shift_left3A_794 : i32 to vector<16xi32>
      %shift_left3A_796 = arith.shli %add3A_792, %shift_left3A_795 : vector<16xi32>
      %shift_right_logical3A_797 = arith.constant 15 : i32
      %shift_right_logical3A_798 = vector.broadcast %shift_right_logical3A_797 : i32 to vector<16xi32>
      %shift_right_logical3A_799 = arith.shrui %add3A_792, %shift_right_logical3A_798 : vector<16xi32>
      %or3A_800 = arith.ori %shift_left3A_796, %shift_right_logical3A_799 : vector<16xi32>
      %xor3A_801 = arith.xori %or3A_800, %add3A_793 : vector<16xi32>
      %add3A_802 = arith.addi %add3A_793, %xor3A_801 : vector<16xi32>
      %shift_left3A_803 = arith.constant 29 : i32
      %shift_left3A_804 = vector.broadcast %shift_left3A_803 : i32 to vector<16xi32>
      %shift_left3A_805 = arith.shli %xor3A_801, %shift_left3A_804 : vector<16xi32>
      %shift_right_logical3A_806 = arith.constant 3 : i32
      %shift_right_logical3A_807 = vector.broadcast %shift_right_logical3A_806 : i32 to vector<16xi32>
      %shift_right_logical3A_808 = arith.shrui %xor3A_801, %shift_right_logical3A_807 : vector<16xi32>
      %or3A_809 = arith.ori %shift_left3A_805, %shift_right_logical3A_808 : vector<16xi32>
      %xor3A_810 = arith.xori %or3A_809, %add3A_802 : vector<16xi32>
      %add3A_811 = arith.addi %add3A_802, %xor3A_810 : vector<16xi32>
      %shift_left3A_812 = arith.constant 16 : i32
      %shift_left3A_813 = vector.broadcast %shift_left3A_812 : i32 to vector<16xi32>
      %shift_left3A_814 = arith.shli %xor3A_810, %shift_left3A_813 : vector<16xi32>
      %shift_right_logical3A_815 = arith.constant 16 : i32
      %shift_right_logical3A_816 = vector.broadcast %shift_right_logical3A_815 : i32 to vector<16xi32>
      %shift_right_logical3A_817 = arith.shrui %xor3A_810, %shift_right_logical3A_816 : vector<16xi32>
      %or3A_818 = arith.ori %shift_left3A_814, %shift_right_logical3A_817 : vector<16xi32>
      %xor3A_819 = arith.xori %or3A_818, %add3A_811 : vector<16xi32>
      %add3A_820 = arith.addi %add3A_811, %xor3A_819 : vector<16xi32>
      %shift_left3A_821 = arith.constant 24 : i32
      %shift_left3A_822 = vector.broadcast %shift_left3A_821 : i32 to vector<16xi32>
      %shift_left3A_823 = arith.shli %xor3A_819, %shift_left3A_822 : vector<16xi32>
      %shift_right_logical3A_824 = arith.constant 8 : i32
      %shift_right_logical3A_825 = vector.broadcast %shift_right_logical3A_824 : i32 to vector<16xi32>
      %shift_right_logical3A_826 = arith.shrui %xor3A_819, %shift_right_logical3A_825 : vector<16xi32>
      %or3A_827 = arith.ori %shift_left3A_823, %shift_right_logical3A_826 : vector<16xi32>
      %xor3A_828 = arith.xori %or3A_827, %add3A_820 : vector<16xi32>
      %add3A_829 = arith.constant 466689008 : i32
      %add3A_830 = vector.broadcast %add3A_829 : i32 to vector<16xi32>
      %add3A_831 = arith.addi %add3A_820, %add3A_830 : vector<16xi32>
      %add3A_832 = arith.constant 0 : i32
      %add3A_833 = vector.broadcast %add3A_832 : i32 to vector<16xi32>
      %add3A_834 = arith.addi %xor3A_828, %add3A_833 : vector<16xi32>
      %add3A_835 = arith.constant 2 : i32
      %add3A_836 = vector.broadcast %add3A_835 : i32 to vector<16xi32>
      %add3A_837 = arith.addi %add3A_834, %add3A_836 : vector<16xi32>
      %add3A_838 = arith.addi %add3A_831, %add3A_837 : vector<16xi32>
      %shift_left3A_839 = arith.constant 13 : i32
      %shift_left3A_840 = vector.broadcast %shift_left3A_839 : i32 to vector<16xi32>
      %shift_left3A_841 = arith.shli %add3A_837, %shift_left3A_840 : vector<16xi32>
      %shift_right_logical3A_842 = arith.constant 19 : i32
      %shift_right_logical3A_843 = vector.broadcast %shift_right_logical3A_842 : i32 to vector<16xi32>
      %shift_right_logical3A_844 = arith.shrui %add3A_837, %shift_right_logical3A_843 : vector<16xi32>
      %or3A_845 = arith.ori %shift_left3A_841, %shift_right_logical3A_844 : vector<16xi32>
      %xor3A_846 = arith.xori %or3A_845, %add3A_838 : vector<16xi32>
      %add3A_847 = arith.addi %add3A_838, %xor3A_846 : vector<16xi32>
      %shift_left3A_848 = arith.constant 15 : i32
      %shift_left3A_849 = vector.broadcast %shift_left3A_848 : i32 to vector<16xi32>
      %shift_left3A_850 = arith.shli %xor3A_846, %shift_left3A_849 : vector<16xi32>
      %shift_right_logical3A_851 = arith.constant 17 : i32
      %shift_right_logical3A_852 = vector.broadcast %shift_right_logical3A_851 : i32 to vector<16xi32>
      %shift_right_logical3A_853 = arith.shrui %xor3A_846, %shift_right_logical3A_852 : vector<16xi32>
      %or3A_854 = arith.ori %shift_left3A_850, %shift_right_logical3A_853 : vector<16xi32>
      %xor3A_855 = arith.xori %or3A_854, %add3A_847 : vector<16xi32>
      %add3A_856 = arith.addi %add3A_847, %xor3A_855 : vector<16xi32>
      %shift_left3A_857 = arith.constant 26 : i32
      %shift_left3A_858 = vector.broadcast %shift_left3A_857 : i32 to vector<16xi32>
      %shift_left3A_859 = arith.shli %xor3A_855, %shift_left3A_858 : vector<16xi32>
      %shift_right_logical3A_860 = arith.constant 6 : i32
      %shift_right_logical3A_861 = vector.broadcast %shift_right_logical3A_860 : i32 to vector<16xi32>
      %shift_right_logical3A_862 = arith.shrui %xor3A_855, %shift_right_logical3A_861 : vector<16xi32>
      %or3A_863 = arith.ori %shift_left3A_859, %shift_right_logical3A_862 : vector<16xi32>
      %xor3A_864 = arith.xori %or3A_863, %add3A_856 : vector<16xi32>
      %add3A_865 = arith.addi %add3A_856, %xor3A_864 : vector<16xi32>
      %shift_left3A_866 = arith.constant 6 : i32
      %shift_left3A_867 = vector.broadcast %shift_left3A_866 : i32 to vector<16xi32>
      %shift_left3A_868 = arith.shli %xor3A_864, %shift_left3A_867 : vector<16xi32>
      %shift_right_logical3A_869 = arith.constant 26 : i32
      %shift_right_logical3A_870 = vector.broadcast %shift_right_logical3A_869 : i32 to vector<16xi32>
      %shift_right_logical3A_871 = arith.shrui %xor3A_864, %shift_right_logical3A_870 : vector<16xi32>
      %or3A_872 = arith.ori %shift_left3A_868, %shift_right_logical3A_871 : vector<16xi32>
      %xor3A_873 = arith.xori %or3A_872, %add3A_865 : vector<16xi32>
      %add3A_874 = arith.constant 0 : i32
      %add3A_875 = vector.broadcast %add3A_874 : i32 to vector<16xi32>
      %add3A_876 = arith.addi %add3A_865, %add3A_875 : vector<16xi32>
      %add3A_877 = arith.constant 42 : i32
      %add3A_878 = vector.broadcast %add3A_877 : i32 to vector<16xi32>
      %add3A_879 = arith.addi %xor3A_873, %add3A_878 : vector<16xi32>
      %add3A_880 = arith.constant 3 : i32
      %add3A_881 = vector.broadcast %add3A_880 : i32 to vector<16xi32>
      %add3A_882 = arith.addi %add3A_879, %add3A_881 : vector<16xi32>
      %add3A_883 = arith.addi %add3A_876, %add3A_882 : vector<16xi32>
      %shift_left3A_884 = arith.constant 17 : i32
      %shift_left3A_885 = vector.broadcast %shift_left3A_884 : i32 to vector<16xi32>
      %shift_left3A_886 = arith.shli %add3A_882, %shift_left3A_885 : vector<16xi32>
      %shift_right_logical3A_887 = arith.constant 15 : i32
      %shift_right_logical3A_888 = vector.broadcast %shift_right_logical3A_887 : i32 to vector<16xi32>
      %shift_right_logical3A_889 = arith.shrui %add3A_882, %shift_right_logical3A_888 : vector<16xi32>
      %or3A_890 = arith.ori %shift_left3A_886, %shift_right_logical3A_889 : vector<16xi32>
      %xor3A_891 = arith.xori %or3A_890, %add3A_883 : vector<16xi32>
      %add3A_892 = arith.addi %add3A_883, %xor3A_891 : vector<16xi32>
      %shift_left3A_893 = arith.constant 29 : i32
      %shift_left3A_894 = vector.broadcast %shift_left3A_893 : i32 to vector<16xi32>
      %shift_left3A_895 = arith.shli %xor3A_891, %shift_left3A_894 : vector<16xi32>
      %shift_right_logical3A_896 = arith.constant 3 : i32
      %shift_right_logical3A_897 = vector.broadcast %shift_right_logical3A_896 : i32 to vector<16xi32>
      %shift_right_logical3A_898 = arith.shrui %xor3A_891, %shift_right_logical3A_897 : vector<16xi32>
      %or3A_899 = arith.ori %shift_left3A_895, %shift_right_logical3A_898 : vector<16xi32>
      %xor3A_900 = arith.xori %or3A_899, %add3A_892 : vector<16xi32>
      %add3A_901 = arith.addi %add3A_892, %xor3A_900 : vector<16xi32>
      %shift_left3A_902 = arith.constant 16 : i32
      %shift_left3A_903 = vector.broadcast %shift_left3A_902 : i32 to vector<16xi32>
      %shift_left3A_904 = arith.shli %xor3A_900, %shift_left3A_903 : vector<16xi32>
      %shift_right_logical3A_905 = arith.constant 16 : i32
      %shift_right_logical3A_906 = vector.broadcast %shift_right_logical3A_905 : i32 to vector<16xi32>
      %shift_right_logical3A_907 = arith.shrui %xor3A_900, %shift_right_logical3A_906 : vector<16xi32>
      %or3A_908 = arith.ori %shift_left3A_904, %shift_right_logical3A_907 : vector<16xi32>
      %xor3A_909 = arith.xori %or3A_908, %add3A_901 : vector<16xi32>
      %add3A_910 = arith.addi %add3A_901, %xor3A_909 : vector<16xi32>
      %shift_left3A_911 = arith.constant 24 : i32
      %shift_left3A_912 = vector.broadcast %shift_left3A_911 : i32 to vector<16xi32>
      %shift_left3A_913 = arith.shli %xor3A_909, %shift_left3A_912 : vector<16xi32>
      %shift_right_logical3A_914 = arith.constant 8 : i32
      %shift_right_logical3A_915 = vector.broadcast %shift_right_logical3A_914 : i32 to vector<16xi32>
      %shift_right_logical3A_916 = arith.shrui %xor3A_909, %shift_right_logical3A_915 : vector<16xi32>
      %or3A_917 = arith.ori %shift_left3A_913, %shift_right_logical3A_916 : vector<16xi32>
      %xor3A_918 = arith.xori %or3A_917, %add3A_910 : vector<16xi32>
      %add3A_919 = arith.constant 42 : i32
      %add3A_920 = vector.broadcast %add3A_919 : i32 to vector<16xi32>
      %add3A_921 = arith.addi %add3A_910, %add3A_920 : vector<16xi32>
      %add3A_922 = arith.constant 466689008 : i32
      %add3A_923 = vector.broadcast %add3A_922 : i32 to vector<16xi32>
      %add3A_924 = arith.addi %xor3A_918, %add3A_923 : vector<16xi32>
      %add3A_925 = arith.constant 4 : i32
      %add3A_926 = vector.broadcast %add3A_925 : i32 to vector<16xi32>
      %add3A_927 = arith.addi %add3A_924, %add3A_926 : vector<16xi32>
      %add3A_928 = arith.addi %add3A_921, %add3A_927 : vector<16xi32>
      %shift_left3A_929 = arith.constant 13 : i32
      %shift_left3A_930 = vector.broadcast %shift_left3A_929 : i32 to vector<16xi32>
      %shift_left3A_931 = arith.shli %add3A_927, %shift_left3A_930 : vector<16xi32>
      %shift_right_logical3A_932 = arith.constant 19 : i32
      %shift_right_logical3A_933 = vector.broadcast %shift_right_logical3A_932 : i32 to vector<16xi32>
      %shift_right_logical3A_934 = arith.shrui %add3A_927, %shift_right_logical3A_933 : vector<16xi32>
      %or3A_935 = arith.ori %shift_left3A_931, %shift_right_logical3A_934 : vector<16xi32>
      %xor3A_936 = arith.xori %or3A_935, %add3A_928 : vector<16xi32>
      %add3A_937 = arith.addi %add3A_928, %xor3A_936 : vector<16xi32>
      %shift_left3A_938 = arith.constant 15 : i32
      %shift_left3A_939 = vector.broadcast %shift_left3A_938 : i32 to vector<16xi32>
      %shift_left3A_940 = arith.shli %xor3A_936, %shift_left3A_939 : vector<16xi32>
      %shift_right_logical3A_941 = arith.constant 17 : i32
      %shift_right_logical3A_942 = vector.broadcast %shift_right_logical3A_941 : i32 to vector<16xi32>
      %shift_right_logical3A_943 = arith.shrui %xor3A_936, %shift_right_logical3A_942 : vector<16xi32>
      %or3A_944 = arith.ori %shift_left3A_940, %shift_right_logical3A_943 : vector<16xi32>
      %xor3A_945 = arith.xori %or3A_944, %add3A_937 : vector<16xi32>
      %add3A_946 = arith.addi %add3A_937, %xor3A_945 : vector<16xi32>
      %shift_left3A_947 = arith.constant 26 : i32
      %shift_left3A_948 = vector.broadcast %shift_left3A_947 : i32 to vector<16xi32>
      %shift_left3A_949 = arith.shli %xor3A_945, %shift_left3A_948 : vector<16xi32>
      %shift_right_logical3A_950 = arith.constant 6 : i32
      %shift_right_logical3A_951 = vector.broadcast %shift_right_logical3A_950 : i32 to vector<16xi32>
      %shift_right_logical3A_952 = arith.shrui %xor3A_945, %shift_right_logical3A_951 : vector<16xi32>
      %or3A_953 = arith.ori %shift_left3A_949, %shift_right_logical3A_952 : vector<16xi32>
      %xor3A_954 = arith.xori %or3A_953, %add3A_946 : vector<16xi32>
      %add3A_955 = arith.addi %add3A_946, %xor3A_954 : vector<16xi32>
      %shift_left3A_956 = arith.constant 6 : i32
      %shift_left3A_957 = vector.broadcast %shift_left3A_956 : i32 to vector<16xi32>
      %shift_left3A_958 = arith.shli %xor3A_954, %shift_left3A_957 : vector<16xi32>
      %shift_right_logical3A_959 = arith.constant 26 : i32
      %shift_right_logical3A_960 = vector.broadcast %shift_right_logical3A_959 : i32 to vector<16xi32>
      %shift_right_logical3A_961 = arith.shrui %xor3A_954, %shift_right_logical3A_960 : vector<16xi32>
      %or3A_962 = arith.ori %shift_left3A_958, %shift_right_logical3A_961 : vector<16xi32>
      %xor3A_963 = arith.xori %or3A_962, %add3A_955 : vector<16xi32>
      %add3A_964 = arith.constant 466689008 : i32
      %add3A_965 = vector.broadcast %add3A_964 : i32 to vector<16xi32>
      %add3A_966 = arith.addi %add3A_955, %add3A_965 : vector<16xi32>
      %add3A_967 = arith.constant 0 : i32
      %add3A_968 = vector.broadcast %add3A_967 : i32 to vector<16xi32>
      %add3A_969 = arith.addi %xor3A_963, %add3A_968 : vector<16xi32>
      %add3A_970 = arith.constant 5 : i32
      %add3A_971 = vector.broadcast %add3A_970 : i32 to vector<16xi32>
      %add3A_972 = arith.addi %add3A_969, %add3A_971 : vector<16xi32>
      %xor3A_973 = arith.xori %add3A_966, %add3A_972 : vector<16xi32>
      %shift_right_logical3A_974 = arith.constant 9 : i32
      %shift_right_logical3A_975 = vector.broadcast %shift_right_logical3A_974 : i32 to vector<16xi32>
      %shift_right_logical3A_976 = arith.shrui %xor3A_973, %shift_right_logical3A_975 : vector<16xi32>
      %lt3A_977 = arith.cmpi ult, %shift_right_logical3A_976, %get3A_16 : vector<16xi32>
      %jit3A_978 = arith.constant 1.000000e+00 : f32
      %jit3A_979 = arith.constant 0.000000e+00 : f32
      %broadcast_in_dim3A_980 = vector.broadcast %jit3A_978 : f32 to vector<16xf32>
      %broadcast_in_dim3A_981 = vector.broadcast %jit3A_979 : f32 to vector<16xf32>
      %select_n3A_982 = arith.select %lt3A_977, %broadcast_in_dim3A_980, %broadcast_in_dim3A_981 : vector<16xi1>, vector<16xf32>
      %add3A_983 = arith.constant 48 : i32
      %add3A_984 = arith.addi %mul3A_21, %add3A_983 : i32
      %swap3A_985 = arith.index_cast %add3A_984 : i32 to index
      %swap3A_986 = tpu.vector_load %arg5[%swap3A_985] {strides = array<i32>} : memref<32768xf32, #tpu.memory_space<vmem>>, vector<16xf32>,
      %swap3A_987 = vector.shape_cast %swap3A_986 : vector<16xf32> to vector<16xf32>
      %swap3A_988 = vector.shape_cast %select_n3A_982 : vector<16xf32> to vector<16xf32>
      tpu.vector_store %arg5[%swap3A_985], %swap3A_988 {strides = array<i32>} : memref<32768xf32, #tpu.memory_space<vmem>>, vector<16xf32>,
      %add3A_989 = arith.constant 106 : i32
      %add3A_990 = arith.addi %mul3A_19, %add3A_989 : i32
      %add3A_991 = vector.broadcast %add3A_990 : i32 to vector<16xi32>
      %add3A_992 = arith.addi %iota3A, %add3A_991 : vector<16xi32>
      %shift_left3A_993 = arith.constant 13 : i32
      %shift_left3A_994 = vector.broadcast %shift_left3A_993 : i32 to vector<16xi32>
      %shift_left3A_995 = arith.shli %add3A_992, %shift_left3A_994 : vector<16xi32>
      %shift_right_logical3A_996 = arith.constant 19 : i32
      %shift_right_logical3A_997 = vector.broadcast %shift_right_logical3A_996 : i32 to vector<16xi32>
      %shift_right_logical3A_998 = arith.shrui %add3A_992, %shift_right_logical3A_997 : vector<16xi32>
      %or3A_999 = arith.ori %shift_left3A_995, %shift_right_logical3A_998 : vector<16xi32>
      %xor3A_1000 = arith.xori %or3A_999, %add3A_992 : vector<16xi32>
      %add3A_1001 = arith.addi %add3A_992, %xor3A_1000 : vector<16xi32>
      %shift_left3A_1002 = arith.constant 15 : i32
      %shift_left3A_1003 = vector.broadcast %shift_left3A_1002 : i32 to vector<16xi32>
      %shift_left3A_1004 = arith.shli %xor3A_1000, %shift_left3A_1003 : vector<16xi32>
      %shift_right_logical3A_1005 = arith.constant 17 : i32
      %shift_right_logical3A_1006 = vector.broadcast %shift_right_logical3A_1005 : i32 to vector<16xi32>
      %shift_right_logical3A_1007 = arith.shrui %xor3A_1000, %shift_right_logical3A_1006 : vector<16xi32>
      %or3A_1008 = arith.ori %shift_left3A_1004, %shift_right_logical3A_1007 : vector<16xi32>
      %xor3A_1009 = arith.xori %or3A_1008, %add3A_1001 : vector<16xi32>
      %add3A_1010 = arith.addi %add3A_1001, %xor3A_1009 : vector<16xi32>
      %shift_left3A_1011 = arith.constant 26 : i32
      %shift_left3A_1012 = vector.broadcast %shift_left3A_1011 : i32 to vector<16xi32>
      %shift_left3A_1013 = arith.shli %xor3A_1009, %shift_left3A_1012 : vector<16xi32>
      %shift_right_logical3A_1014 = arith.constant 6 : i32
      %shift_right_logical3A_1015 = vector.broadcast %shift_right_logical3A_1014 : i32 to vector<16xi32>
      %shift_right_logical3A_1016 = arith.shrui %xor3A_1009, %shift_right_logical3A_1015 : vector<16xi32>
      %or3A_1017 = arith.ori %shift_left3A_1013, %shift_right_logical3A_1016 : vector<16xi32>
      %xor3A_1018 = arith.xori %or3A_1017, %add3A_1010 : vector<16xi32>
      %add3A_1019 = arith.addi %add3A_1010, %xor3A_1018 : vector<16xi32>
      %shift_left3A_1020 = arith.constant 6 : i32
      %shift_left3A_1021 = vector.broadcast %shift_left3A_1020 : i32 to vector<16xi32>
      %shift_left3A_1022 = arith.shli %xor3A_1018, %shift_left3A_1021 : vector<16xi32>
      %shift_right_logical3A_1023 = arith.constant 26 : i32
      %shift_right_logical3A_1024 = vector.broadcast %shift_right_logical3A_1023 : i32 to vector<16xi32>
      %shift_right_logical3A_1025 = arith.shrui %xor3A_1018, %shift_right_logical3A_1024 : vector<16xi32>
      %or3A_1026 = arith.ori %shift_left3A_1022, %shift_right_logical3A_1025 : vector<16xi32>
      %xor3A_1027 = arith.xori %or3A_1026, %add3A_1019 : vector<16xi32>
      %add3A_1028 = arith.constant 42 : i32
      %add3A_1029 = vector.broadcast %add3A_1028 : i32 to vector<16xi32>
      %add3A_1030 = arith.addi %add3A_1019, %add3A_1029 : vector<16xi32>
      %add3A_1031 = arith.constant 466689008 : i32
      %add3A_1032 = vector.broadcast %add3A_1031 : i32 to vector<16xi32>
      %add3A_1033 = arith.addi %xor3A_1027, %add3A_1032 : vector<16xi32>
      %add3A_1034 = arith.constant 1 : i32
      %add3A_1035 = vector.broadcast %add3A_1034 : i32 to vector<16xi32>
      %add3A_1036 = arith.addi %add3A_1033, %add3A_1035 : vector<16xi32>
      %add3A_1037 = arith.addi %add3A_1030, %add3A_1036 : vector<16xi32>
      %shift_left3A_1038 = arith.constant 17 : i32
      %shift_left3A_1039 = vector.broadcast %shift_left3A_1038 : i32 to vector<16xi32>
      %shift_left3A_1040 = arith.shli %add3A_1036, %shift_left3A_1039 : vector<16xi32>
      %shift_right_logical3A_1041 = arith.constant 15 : i32
      %shift_right_logical3A_1042 = vector.broadcast %shift_right_logical3A_1041 : i32 to vector<16xi32>
      %shift_right_logical3A_1043 = arith.shrui %add3A_1036, %shift_right_logical3A_1042 : vector<16xi32>
      %or3A_1044 = arith.ori %shift_left3A_1040, %shift_right_logical3A_1043 : vector<16xi32>
      %xor3A_1045 = arith.xori %or3A_1044, %add3A_1037 : vector<16xi32>
      %add3A_1046 = arith.addi %add3A_1037, %xor3A_1045 : vector<16xi32>
      %shift_left3A_1047 = arith.constant 29 : i32
      %shift_left3A_1048 = vector.broadcast %shift_left3A_1047 : i32 to vector<16xi32>
      %shift_left3A_1049 = arith.shli %xor3A_1045, %shift_left3A_1048 : vector<16xi32>
      %shift_right_logical3A_1050 = arith.constant 3 : i32
      %shift_right_logical3A_1051 = vector.broadcast %shift_right_logical3A_1050 : i32 to vector<16xi32>
      %shift_right_logical3A_1052 = arith.shrui %xor3A_1045, %shift_right_logical3A_1051 : vector<16xi32>
      %or3A_1053 = arith.ori %shift_left3A_1049, %shift_right_logical3A_1052 : vector<16xi32>
      %xor3A_1054 = arith.xori %or3A_1053, %add3A_1046 : vector<16xi32>
      %add3A_1055 = arith.addi %add3A_1046, %xor3A_1054 : vector<16xi32>
      %shift_left3A_1056 = arith.constant 16 : i32
      %shift_left3A_1057 = vector.broadcast %shift_left3A_1056 : i32 to vector<16xi32>
      %shift_left3A_1058 = arith.shli %xor3A_1054, %shift_left3A_1057 : vector<16xi32>
      %shift_right_logical3A_1059 = arith.constant 16 : i32
      %shift_right_logical3A_1060 = vector.broadcast %shift_right_logical3A_1059 : i32 to vector<16xi32>
      %shift_right_logical3A_1061 = arith.shrui %xor3A_1054, %shift_right_logical3A_1060 : vector<16xi32>
      %or3A_1062 = arith.ori %shift_left3A_1058, %shift_right_logical3A_1061 : vector<16xi32>
      %xor3A_1063 = arith.xori %or3A_1062, %add3A_1055 : vector<16xi32>
      %add3A_1064 = arith.addi %add3A_1055, %xor3A_1063 : vector<16xi32>
      %shift_left3A_1065 = arith.constant 24 : i32
      %shift_left3A_1066 = vector.broadcast %shift_left3A_1065 : i32 to vector<16xi32>
      %shift_left3A_1067 = arith.shli %xor3A_1063, %shift_left3A_1066 : vector<16xi32>
      %shift_right_logical3A_1068 = arith.constant 8 : i32
      %shift_right_logical3A_1069 = vector.broadcast %shift_right_logical3A_1068 : i32 to vector<16xi32>
      %shift_right_logical3A_1070 = arith.shrui %xor3A_1063, %shift_right_logical3A_1069 : vector<16xi32>
      %or3A_1071 = arith.ori %shift_left3A_1067, %shift_right_logical3A_1070 : vector<16xi32>
      %xor3A_1072 = arith.xori %or3A_1071, %add3A_1064 : vector<16xi32>
      %add3A_1073 = arith.constant 466689008 : i32
      %add3A_1074 = vector.broadcast %add3A_1073 : i32 to vector<16xi32>
      %add3A_1075 = arith.addi %add3A_1064, %add3A_1074 : vector<16xi32>
      %add3A_1076 = arith.constant 0 : i32
      %add3A_1077 = vector.broadcast %add3A_1076 : i32 to vector<16xi32>
      %add3A_1078 = arith.addi %xor3A_1072, %add3A_1077 : vector<16xi32>
      %add3A_1079 = arith.constant 2 : i32
      %add3A_1080 = vector.broadcast %add3A_1079 : i32 to vector<16xi32>
      %add3A_1081 = arith.addi %add3A_1078, %add3A_1080 : vector<16xi32>
      %add3A_1082 = arith.addi %add3A_1075, %add3A_1081 : vector<16xi32>
      %shift_left3A_1083 = arith.constant 13 : i32
      %shift_left3A_1084 = vector.broadcast %shift_left3A_1083 : i32 to vector<16xi32>
      %shift_left3A_1085 = arith.shli %add3A_1081, %shift_left3A_1084 : vector<16xi32>
      %shift_right_logical3A_1086 = arith.constant 19 : i32
      %shift_right_logical3A_1087 = vector.broadcast %shift_right_logical3A_1086 : i32 to vector<16xi32>
      %shift_right_logical3A_1088 = arith.shrui %add3A_1081, %shift_right_logical3A_1087 : vector<16xi32>
      %or3A_1089 = arith.ori %shift_left3A_1085, %shift_right_logical3A_1088 : vector<16xi32>
      %xor3A_1090 = arith.xori %or3A_1089, %add3A_1082 : vector<16xi32>
      %add3A_1091 = arith.addi %add3A_1082, %xor3A_1090 : vector<16xi32>
      %shift_left3A_1092 = arith.constant 15 : i32
      %shift_left3A_1093 = vector.broadcast %shift_left3A_1092 : i32 to vector<16xi32>
      %shift_left3A_1094 = arith.shli %xor3A_1090, %shift_left3A_1093 : vector<16xi32>
      %shift_right_logical3A_1095 = arith.constant 17 : i32
      %shift_right_logical3A_1096 = vector.broadcast %shift_right_logical3A_1095 : i32 to vector<16xi32>
      %shift_right_logical3A_1097 = arith.shrui %xor3A_1090, %shift_right_logical3A_1096 : vector<16xi32>
      %or3A_1098 = arith.ori %shift_left3A_1094, %shift_right_logical3A_1097 : vector<16xi32>
      %xor3A_1099 = arith.xori %or3A_1098, %add3A_1091 : vector<16xi32>
      %add3A_1100 = arith.addi %add3A_1091, %xor3A_1099 : vector<16xi32>
      %shift_left3A_1101 = arith.constant 26 : i32
      %shift_left3A_1102 = vector.broadcast %shift_left3A_1101 : i32 to vector<16xi32>
      %shift_left3A_1103 = arith.shli %xor3A_1099, %shift_left3A_1102 : vector<16xi32>
      %shift_right_logical3A_1104 = arith.constant 6 : i32
      %shift_right_logical3A_1105 = vector.broadcast %shift_right_logical3A_1104 : i32 to vector<16xi32>
      %shift_right_logical3A_1106 = arith.shrui %xor3A_1099, %shift_right_logical3A_1105 : vector<16xi32>
      %or3A_1107 = arith.ori %shift_left3A_1103, %shift_right_logical3A_1106 : vector<16xi32>
      %xor3A_1108 = arith.xori %or3A_1107, %add3A_1100 : vector<16xi32>
      %add3A_1109 = arith.addi %add3A_1100, %xor3A_1108 : vector<16xi32>
      %shift_left3A_1110 = arith.constant 6 : i32
      %shift_left3A_1111 = vector.broadcast %shift_left3A_1110 : i32 to vector<16xi32>
      %shift_left3A_1112 = arith.shli %xor3A_1108, %shift_left3A_1111 : vector<16xi32>
      %shift_right_logical3A_1113 = arith.constant 26 : i32
      %shift_right_logical3A_1114 = vector.broadcast %shift_right_logical3A_1113 : i32 to vector<16xi32>
      %shift_right_logical3A_1115 = arith.shrui %xor3A_1108, %shift_right_logical3A_1114 : vector<16xi32>
      %or3A_1116 = arith.ori %shift_left3A_1112, %shift_right_logical3A_1115 : vector<16xi32>
      %xor3A_1117 = arith.xori %or3A_1116, %add3A_1109 : vector<16xi32>
      %add3A_1118 = arith.constant 0 : i32
      %add3A_1119 = vector.broadcast %add3A_1118 : i32 to vector<16xi32>
      %add3A_1120 = arith.addi %add3A_1109, %add3A_1119 : vector<16xi32>
      %add3A_1121 = arith.constant 42 : i32
      %add3A_1122 = vector.broadcast %add3A_1121 : i32 to vector<16xi32>
      %add3A_1123 = arith.addi %xor3A_1117, %add3A_1122 : vector<16xi32>
      %add3A_1124 = arith.constant 3 : i32
      %add3A_1125 = vector.broadcast %add3A_1124 : i32 to vector<16xi32>
      %add3A_1126 = arith.addi %add3A_1123, %add3A_1125 : vector<16xi32>
      %add3A_1127 = arith.addi %add3A_1120, %add3A_1126 : vector<16xi32>
      %shift_left3A_1128 = arith.constant 17 : i32
      %shift_left3A_1129 = vector.broadcast %shift_left3A_1128 : i32 to vector<16xi32>
      %shift_left3A_1130 = arith.shli %add3A_1126, %shift_left3A_1129 : vector<16xi32>
      %shift_right_logical3A_1131 = arith.constant 15 : i32
      %shift_right_logical3A_1132 = vector.broadcast %shift_right_logical3A_1131 : i32 to vector<16xi32>
      %shift_right_logical3A_1133 = arith.shrui %add3A_1126, %shift_right_logical3A_1132 : vector<16xi32>
      %or3A_1134 = arith.ori %shift_left3A_1130, %shift_right_logical3A_1133 : vector<16xi32>
      %xor3A_1135 = arith.xori %or3A_1134, %add3A_1127 : vector<16xi32>
      %add3A_1136 = arith.addi %add3A_1127, %xor3A_1135 : vector<16xi32>
      %shift_left3A_1137 = arith.constant 29 : i32
      %shift_left3A_1138 = vector.broadcast %shift_left3A_1137 : i32 to vector<16xi32>
      %shift_left3A_1139 = arith.shli %xor3A_1135, %shift_left3A_1138 : vector<16xi32>
      %shift_right_logical3A_1140 = arith.constant 3 : i32
      %shift_right_logical3A_1141 = vector.broadcast %shift_right_logical3A_1140 : i32 to vector<16xi32>
      %shift_right_logical3A_1142 = arith.shrui %xor3A_1135, %shift_right_logical3A_1141 : vector<16xi32>
      %or3A_1143 = arith.ori %shift_left3A_1139, %shift_right_logical3A_1142 : vector<16xi32>
      %xor3A_1144 = arith.xori %or3A_1143, %add3A_1136 : vector<16xi32>
      %add3A_1145 = arith.addi %add3A_1136, %xor3A_1144 : vector<16xi32>
      %shift_left3A_1146 = arith.constant 16 : i32
      %shift_left3A_1147 = vector.broadcast %shift_left3A_1146 : i32 to vector<16xi32>
      %shift_left3A_1148 = arith.shli %xor3A_1144, %shift_left3A_1147 : vector<16xi32>
      %shift_right_logical3A_1149 = arith.constant 16 : i32
      %shift_right_logical3A_1150 = vector.broadcast %shift_right_logical3A_1149 : i32 to vector<16xi32>
      %shift_right_logical3A_1151 = arith.shrui %xor3A_1144, %shift_right_logical3A_1150 : vector<16xi32>
      %or3A_1152 = arith.ori %shift_left3A_1148, %shift_right_logical3A_1151 : vector<16xi32>
      %xor3A_1153 = arith.xori %or3A_1152, %add3A_1145 : vector<16xi32>
      %add3A_1154 = arith.addi %add3A_1145, %xor3A_1153 : vector<16xi32>
      %shift_left3A_1155 = arith.constant 24 : i32
      %shift_left3A_1156 = vector.broadcast %shift_left3A_1155 : i32 to vector<16xi32>
      %shift_left3A_1157 = arith.shli %xor3A_1153, %shift_left3A_1156 : vector<16xi32>
      %shift_right_logical3A_1158 = arith.constant 8 : i32
      %shift_right_logical3A_1159 = vector.broadcast %shift_right_logical3A_1158 : i32 to vector<16xi32>
      %shift_right_logical3A_1160 = arith.shrui %xor3A_1153, %shift_right_logical3A_1159 : vector<16xi32>
      %or3A_1161 = arith.ori %shift_left3A_1157, %shift_right_logical3A_1160 : vector<16xi32>
      %xor3A_1162 = arith.xori %or3A_1161, %add3A_1154 : vector<16xi32>
      %add3A_1163 = arith.constant 42 : i32
      %add3A_1164 = vector.broadcast %add3A_1163 : i32 to vector<16xi32>
      %add3A_1165 = arith.addi %add3A_1154, %add3A_1164 : vector<16xi32>
      %add3A_1166 = arith.constant 466689008 : i32
      %add3A_1167 = vector.broadcast %add3A_1166 : i32 to vector<16xi32>
      %add3A_1168 = arith.addi %xor3A_1162, %add3A_1167 : vector<16xi32>
      %add3A_1169 = arith.constant 4 : i32
      %add3A_1170 = vector.broadcast %add3A_1169 : i32 to vector<16xi32>
      %add3A_1171 = arith.addi %add3A_1168, %add3A_1170 : vector<16xi32>
      %add3A_1172 = arith.addi %add3A_1165, %add3A_1171 : vector<16xi32>
      %shift_left3A_1173 = arith.constant 13 : i32
      %shift_left3A_1174 = vector.broadcast %shift_left3A_1173 : i32 to vector<16xi32>
      %shift_left3A_1175 = arith.shli %add3A_1171, %shift_left3A_1174 : vector<16xi32>
      %shift_right_logical3A_1176 = arith.constant 19 : i32
      %shift_right_logical3A_1177 = vector.broadcast %shift_right_logical3A_1176 : i32 to vector<16xi32>
      %shift_right_logical3A_1178 = arith.shrui %add3A_1171, %shift_right_logical3A_1177 : vector<16xi32>
      %or3A_1179 = arith.ori %shift_left3A_1175, %shift_right_logical3A_1178 : vector<16xi32>
      %xor3A_1180 = arith.xori %or3A_1179, %add3A_1172 : vector<16xi32>
      %add3A_1181 = arith.addi %add3A_1172, %xor3A_1180 : vector<16xi32>
      %shift_left3A_1182 = arith.constant 15 : i32
      %shift_left3A_1183 = vector.broadcast %shift_left3A_1182 : i32 to vector<16xi32>
      %shift_left3A_1184 = arith.shli %xor3A_1180, %shift_left3A_1183 : vector<16xi32>
      %shift_right_logical3A_1185 = arith.constant 17 : i32
      %shift_right_logical3A_1186 = vector.broadcast %shift_right_logical3A_1185 : i32 to vector<16xi32>
      %shift_right_logical3A_1187 = arith.shrui %xor3A_1180, %shift_right_logical3A_1186 : vector<16xi32>
      %or3A_1188 = arith.ori %shift_left3A_1184, %shift_right_logical3A_1187 : vector<16xi32>
      %xor3A_1189 = arith.xori %or3A_1188, %add3A_1181 : vector<16xi32>
      %add3A_1190 = arith.addi %add3A_1181, %xor3A_1189 : vector<16xi32>
      %shift_left3A_1191 = arith.constant 26 : i32
      %shift_left3A_1192 = vector.broadcast %shift_left3A_1191 : i32 to vector<16xi32>
      %shift_left3A_1193 = arith.shli %xor3A_1189, %shift_left3A_1192 : vector<16xi32>
      %shift_right_logical3A_1194 = arith.constant 6 : i32
      %shift_right_logical3A_1195 = vector.broadcast %shift_right_logical3A_1194 : i32 to vector<16xi32>
      %shift_right_logical3A_1196 = arith.shrui %xor3A_1189, %shift_right_logical3A_1195 : vector<16xi32>
      %or3A_1197 = arith.ori %shift_left3A_1193, %shift_right_logical3A_1196 : vector<16xi32>
      %xor3A_1198 = arith.xori %or3A_1197, %add3A_1190 : vector<16xi32>
      %add3A_1199 = arith.addi %add3A_1190, %xor3A_1198 : vector<16xi32>
      %shift_left3A_1200 = arith.constant 6 : i32
      %shift_left3A_1201 = vector.broadcast %shift_left3A_1200 : i32 to vector<16xi32>
      %shift_left3A_1202 = arith.shli %xor3A_1198, %shift_left3A_1201 : vector<16xi32>
      %shift_right_logical3A_1203 = arith.constant 26 : i32
      %shift_right_logical3A_1204 = vector.broadcast %shift_right_logical3A_1203 : i32 to vector<16xi32>
      %shift_right_logical3A_1205 = arith.shrui %xor3A_1198, %shift_right_logical3A_1204 : vector<16xi32>
      %or3A_1206 = arith.ori %shift_left3A_1202, %shift_right_logical3A_1205 : vector<16xi32>
      %xor3A_1207 = arith.xori %or3A_1206, %add3A_1199 : vector<16xi32>
      %add3A_1208 = arith.constant 466689008 : i32
      %add3A_1209 = vector.broadcast %add3A_1208 : i32 to vector<16xi32>
      %add3A_1210 = arith.addi %add3A_1199, %add3A_1209 : vector<16xi32>
      %add3A_1211 = arith.constant 0 : i32
      %add3A_1212 = vector.broadcast %add3A_1211 : i32 to vector<16xi32>
      %add3A_1213 = arith.addi %xor3A_1207, %add3A_1212 : vector<16xi32>
      %add3A_1214 = arith.constant 5 : i32
      %add3A_1215 = vector.broadcast %add3A_1214 : i32 to vector<16xi32>
      %add3A_1216 = arith.addi %add3A_1213, %add3A_1215 : vector<16xi32>
      %xor3A_1217 = arith.xori %add3A_1210, %add3A_1216 : vector<16xi32>
      %shift_right_logical3A_1218 = arith.constant 9 : i32
      %shift_right_logical3A_1219 = vector.broadcast %shift_right_logical3A_1218 : i32 to vector<16xi32>
      %shift_right_logical3A_1220 = arith.shrui %xor3A_1217, %shift_right_logical3A_1219 : vector<16xi32>
      %lt3A_1221 = arith.cmpi ult, %shift_right_logical3A_1220, %get3A_16 : vector<16xi32>
      %jit3A_1222 = arith.constant 1.000000e+00 : f32
      %jit3A_1223 = arith.constant 0.000000e+00 : f32
      %broadcast_in_dim3A_1224 = vector.broadcast %jit3A_1222 : f32 to vector<16xf32>
      %broadcast_in_dim3A_1225 = vector.broadcast %jit3A_1223 : f32 to vector<16xf32>
      %select_n3A_1226 = arith.select %lt3A_1221, %broadcast_in_dim3A_1224, %broadcast_in_dim3A_1225 : vector<16xi1>, vector<16xf32>
      %add3A_1227 = arith.constant 64 : i32
      %add3A_1228 = arith.addi %mul3A_21, %add3A_1227 : i32
      %swap3A_1229 = arith.index_cast %add3A_1228 : i32 to index
      %swap3A_1230 = tpu.vector_load %arg5[%swap3A_1229] {strides = array<i32>} : memref<32768xf32, #tpu.memory_space<vmem>>, vector<16xf32>,
      %swap3A_1231 = vector.shape_cast %swap3A_1230 : vector<16xf32> to vector<16xf32>
      %swap3A_1232 = vector.shape_cast %select_n3A_1226 : vector<16xf32> to vector<16xf32>
      tpu.vector_store %arg5[%swap3A_1229], %swap3A_1232 {strides = array<i32>} : memref<32768xf32, #tpu.memory_space<vmem>>, vector<16xf32>,
      %add3A_1233 = arith.constant 122 : i32
      %add3A_1234 = arith.addi %mul3A_19, %add3A_1233 : i32
      %add3A_1235 = vector.broadcast %add3A_1234 : i32 to vector<16xi32>
      %add3A_1236 = arith.addi %iota3A, %add3A_1235 : vector<16xi32>
      %shift_left3A_1237 = arith.constant 13 : i32
      %shift_left3A_1238 = vector.broadcast %shift_left3A_1237 : i32 to vector<16xi32>
      %shift_left3A_1239 = arith.shli %add3A_1236, %shift_left3A_1238 : vector<16xi32>
      %shift_right_logical3A_1240 = arith.constant 19 : i32
      %shift_right_logical3A_1241 = vector.broadcast %shift_right_logical3A_1240 : i32 to vector<16xi32>
      %shift_right_logical3A_1242 = arith.shrui %add3A_1236, %shift_right_logical3A_1241 : vector<16xi32>
      %or3A_1243 = arith.ori %shift_left3A_1239, %shift_right_logical3A_1242 : vector<16xi32>
      %xor3A_1244 = arith.xori %or3A_1243, %add3A_1236 : vector<16xi32>
      %add3A_1245 = arith.addi %add3A_1236, %xor3A_1244 : vector<16xi32>
      %shift_left3A_1246 = arith.constant 15 : i32
      %shift_left3A_1247 = vector.broadcast %shift_left3A_1246 : i32 to vector<16xi32>
      %shift_left3A_1248 = arith.shli %xor3A_1244, %shift_left3A_1247 : vector<16xi32>
      %shift_right_logical3A_1249 = arith.constant 17 : i32
      %shift_right_logical3A_1250 = vector.broadcast %shift_right_logical3A_1249 : i32 to vector<16xi32>
      %shift_right_logical3A_1251 = arith.shrui %xor3A_1244, %shift_right_logical3A_1250 : vector<16xi32>
      %or3A_1252 = arith.ori %shift_left3A_1248, %shift_right_logical3A_1251 : vector<16xi32>
      %xor3A_1253 = arith.xori %or3A_1252, %add3A_1245 : vector<16xi32>
      %add3A_1254 = arith.addi %add3A_1245, %xor3A_1253 : vector<16xi32>
      %shift_left3A_1255 = arith.constant 26 : i32
      %shift_left3A_1256 = vector.broadcast %shift_left3A_1255 : i32 to vector<16xi32>
      %shift_left3A_1257 = arith.shli %xor3A_1253, %shift_left3A_1256 : vector<16xi32>
      %shift_right_logical3A_1258 = arith.constant 6 : i32
      %shift_right_logical3A_1259 = vector.broadcast %shift_right_logical3A_1258 : i32 to vector<16xi32>
      %shift_right_logical3A_1260 = arith.shrui %xor3A_1253, %shift_right_logical3A_1259 : vector<16xi32>
      %or3A_1261 = arith.ori %shift_left3A_1257, %shift_right_logical3A_1260 : vector<16xi32>
      %xor3A_1262 = arith.xori %or3A_1261, %add3A_1254 : vector<16xi32>
      %add3A_1263 = arith.addi %add3A_1254, %xor3A_1262 : vector<16xi32>
      %shift_left3A_1264 = arith.constant 6 : i32
      %shift_left3A_1265 = vector.broadcast %shift_left3A_1264 : i32 to vector<16xi32>
      %shift_left3A_1266 = arith.shli %xor3A_1262, %shift_left3A_1265 : vector<16xi32>
      %shift_right_logical3A_1267 = arith.constant 26 : i32
      %shift_right_logical3A_1268 = vector.broadcast %shift_right_logical3A_1267 : i32 to vector<16xi32>
      %shift_right_logical3A_1269 = arith.shrui %xor3A_1262, %shift_right_logical3A_1268 : vector<16xi32>
      %or3A_1270 = arith.ori %shift_left3A_1266, %shift_right_logical3A_1269 : vector<16xi32>
      %xor3A_1271 = arith.xori %or3A_1270, %add3A_1263 : vector<16xi32>
      %add3A_1272 = arith.constant 42 : i32
      %add3A_1273 = vector.broadcast %add3A_1272 : i32 to vector<16xi32>
      %add3A_1274 = arith.addi %add3A_1263, %add3A_1273 : vector<16xi32>
      %add3A_1275 = arith.constant 466689008 : i32
      %add3A_1276 = vector.broadcast %add3A_1275 : i32 to vector<16xi32>
      %add3A_1277 = arith.addi %xor3A_1271, %add3A_1276 : vector<16xi32>
      %add3A_1278 = arith.constant 1 : i32
      %add3A_1279 = vector.broadcast %add3A_1278 : i32 to vector<16xi32>
      %add3A_1280 = arith.addi %add3A_1277, %add3A_1279 : vector<16xi32>
      %add3A_1281 = arith.addi %add3A_1274, %add3A_1280 : vector<16xi32>
      %shift_left3A_1282 = arith.constant 17 : i32
      %shift_left3A_1283 = vector.broadcast %shift_left3A_1282 : i32 to vector<16xi32>
      %shift_left3A_1284 = arith.shli %add3A_1280, %shift_left3A_1283 : vector<16xi32>
      %shift_right_logical3A_1285 = arith.constant 15 : i32
      %shift_right_logical3A_1286 = vector.broadcast %shift_right_logical3A_1285 : i32 to vector<16xi32>
      %shift_right_logical3A_1287 = arith.shrui %add3A_1280, %shift_right_logical3A_1286 : vector<16xi32>
      %or3A_1288 = arith.ori %shift_left3A_1284, %shift_right_logical3A_1287 : vector<16xi32>
      %xor3A_1289 = arith.xori %or3A_1288, %add3A_1281 : vector<16xi32>
      %add3A_1290 = arith.addi %add3A_1281, %xor3A_1289 : vector<16xi32>
      %shift_left3A_1291 = arith.constant 29 : i32
      %shift_left3A_1292 = vector.broadcast %shift_left3A_1291 : i32 to vector<16xi32>
      %shift_left3A_1293 = arith.shli %xor3A_1289, %shift_left3A_1292 : vector<16xi32>
      %shift_right_logical3A_1294 = arith.constant 3 : i32
      %shift_right_logical3A_1295 = vector.broadcast %shift_right_logical3A_1294 : i32 to vector<16xi32>
      %shift_right_logical3A_1296 = arith.shrui %xor3A_1289, %shift_right_logical3A_1295 : vector<16xi32>
      %or3A_1297 = arith.ori %shift_left3A_1293, %shift_right_logical3A_1296 : vector<16xi32>
      %xor3A_1298 = arith.xori %or3A_1297, %add3A_1290 : vector<16xi32>
      %add3A_1299 = arith.addi %add3A_1290, %xor3A_1298 : vector<16xi32>
      %shift_left3A_1300 = arith.constant 16 : i32
      %shift_left3A_1301 = vector.broadcast %shift_left3A_1300 : i32 to vector<16xi32>
      %shift_left3A_1302 = arith.shli %xor3A_1298, %shift_left3A_1301 : vector<16xi32>
      %shift_right_logical3A_1303 = arith.constant 16 : i32
      %shift_right_logical3A_1304 = vector.broadcast %shift_right_logical3A_1303 : i32 to vector<16xi32>
      %shift_right_logical3A_1305 = arith.shrui %xor3A_1298, %shift_right_logical3A_1304 : vector<16xi32>
      %or3A_1306 = arith.ori %shift_left3A_1302, %shift_right_logical3A_1305 : vector<16xi32>
      %xor3A_1307 = arith.xori %or3A_1306, %add3A_1299 : vector<16xi32>
      %add3A_1308 = arith.addi %add3A_1299, %xor3A_1307 : vector<16xi32>
      %shift_left3A_1309 = arith.constant 24 : i32
      %shift_left3A_1310 = vector.broadcast %shift_left3A_1309 : i32 to vector<16xi32>
      %shift_left3A_1311 = arith.shli %xor3A_1307, %shift_left3A_1310 : vector<16xi32>
      %shift_right_logical3A_1312 = arith.constant 8 : i32
      %shift_right_logical3A_1313 = vector.broadcast %shift_right_logical3A_1312 : i32 to vector<16xi32>
      %shift_right_logical3A_1314 = arith.shrui %xor3A_1307, %shift_right_logical3A_1313 : vector<16xi32>
      %or3A_1315 = arith.ori %shift_left3A_1311, %shift_right_logical3A_1314 : vector<16xi32>
      %xor3A_1316 = arith.xori %or3A_1315, %add3A_1308 : vector<16xi32>
      %add3A_1317 = arith.constant 466689008 : i32
      %add3A_1318 = vector.broadcast %add3A_1317 : i32 to vector<16xi32>
      %add3A_1319 = arith.addi %add3A_1308, %add3A_1318 : vector<16xi32>
      %add3A_1320 = arith.constant 0 : i32
      %add3A_1321 = vector.broadcast %add3A_1320 : i32 to vector<16xi32>
      %add3A_1322 = arith.addi %xor3A_1316, %add3A_1321 : vector<16xi32>
      %add3A_1323 = arith.constant 2 : i32
      %add3A_1324 = vector.broadcast %add3A_1323 : i32 to vector<16xi32>
      %add3A_1325 = arith.addi %add3A_1322, %add3A_1324 : vector<16xi32>
      %add3A_1326 = arith.addi %add3A_1319, %add3A_1325 : vector<16xi32>
      %shift_left3A_1327 = arith.constant 13 : i32
      %shift_left3A_1328 = vector.broadcast %shift_left3A_1327 : i32 to vector<16xi32>
      %shift_left3A_1329 = arith.shli %add3A_1325, %shift_left3A_1328 : vector<16xi32>
      %shift_right_logical3A_1330 = arith.constant 19 : i32
      %shift_right_logical3A_1331 = vector.broadcast %shift_right_logical3A_1330 : i32 to vector<16xi32>
      %shift_right_logical3A_1332 = arith.shrui %add3A_1325, %shift_right_logical3A_1331 : vector<16xi32>
      %or3A_1333 = arith.ori %shift_left3A_1329, %shift_right_logical3A_1332 : vector<16xi32>
      %xor3A_1334 = arith.xori %or3A_1333, %add3A_1326 : vector<16xi32>
      %add3A_1335 = arith.addi %add3A_1326, %xor3A_1334 : vector<16xi32>
      %shift_left3A_1336 = arith.constant 15 : i32
      %shift_left3A_1337 = vector.broadcast %shift_left3A_1336 : i32 to vector<16xi32>
      %shift_left3A_1338 = arith.shli %xor3A_1334, %shift_left3A_1337 : vector<16xi32>
      %shift_right_logical3A_1339 = arith.constant 17 : i32
      %shift_right_logical3A_1340 = vector.broadcast %shift_right_logical3A_1339 : i32 to vector<16xi32>
      %shift_right_logical3A_1341 = arith.shrui %xor3A_1334, %shift_right_logical3A_1340 : vector<16xi32>
      %or3A_1342 = arith.ori %shift_left3A_1338, %shift_right_logical3A_1341 : vector<16xi32>
      %xor3A_1343 = arith.xori %or3A_1342, %add3A_1335 : vector<16xi32>
      %add3A_1344 = arith.addi %add3A_1335, %xor3A_1343 : vector<16xi32>
      %shift_left3A_1345 = arith.constant 26 : i32
      %shift_left3A_1346 = vector.broadcast %shift_left3A_1345 : i32 to vector<16xi32>
      %shift_left3A_1347 = arith.shli %xor3A_1343, %shift_left3A_1346 : vector<16xi32>
      %shift_right_logical3A_1348 = arith.constant 6 : i32
      %shift_right_logical3A_1349 = vector.broadcast %shift_right_logical3A_1348 : i32 to vector<16xi32>
      %shift_right_logical3A_1350 = arith.shrui %xor3A_1343, %shift_right_logical3A_1349 : vector<16xi32>
      %or3A_1351 = arith.ori %shift_left3A_1347, %shift_right_logical3A_1350 : vector<16xi32>
      %xor3A_1352 = arith.xori %or3A_1351, %add3A_1344 : vector<16xi32>
      %add3A_1353 = arith.addi %add3A_1344, %xor3A_1352 : vector<16xi32>
      %shift_left3A_1354 = arith.constant 6 : i32
      %shift_left3A_1355 = vector.broadcast %shift_left3A_1354 : i32 to vector<16xi32>
      %shift_left3A_1356 = arith.shli %xor3A_1352, %shift_left3A_1355 : vector<16xi32>
      %shift_right_logical3A_1357 = arith.constant 26 : i32
      %shift_right_logical3A_1358 = vector.broadcast %shift_right_logical3A_1357 : i32 to vector<16xi32>
      %shift_right_logical3A_1359 = arith.shrui %xor3A_1352, %shift_right_logical3A_1358 : vector<16xi32>
      %or3A_1360 = arith.ori %shift_left3A_1356, %shift_right_logical3A_1359 : vector<16xi32>
      %xor3A_1361 = arith.xori %or3A_1360, %add3A_1353 : vector<16xi32>
      %add3A_1362 = arith.constant 0 : i32
      %add3A_1363 = vector.broadcast %add3A_1362 : i32 to vector<16xi32>
      %add3A_1364 = arith.addi %add3A_1353, %add3A_1363 : vector<16xi32>
      %add3A_1365 = arith.constant 42 : i32
      %add3A_1366 = vector.broadcast %add3A_1365 : i32 to vector<16xi32>
      %add3A_1367 = arith.addi %xor3A_1361, %add3A_1366 : vector<16xi32>
      %add3A_1368 = arith.constant 3 : i32
      %add3A_1369 = vector.broadcast %add3A_1368 : i32 to vector<16xi32>
      %add3A_1370 = arith.addi %add3A_1367, %add3A_1369 : vector<16xi32>
      %add3A_1371 = arith.addi %add3A_1364, %add3A_1370 : vector<16xi32>
      %shift_left3A_1372 = arith.constant 17 : i32
      %shift_left3A_1373 = vector.broadcast %shift_left3A_1372 : i32 to vector<16xi32>
      %shift_left3A_1374 = arith.shli %add3A_1370, %shift_left3A_1373 : vector<16xi32>
      %shift_right_logical3A_1375 = arith.constant 15 : i32
      %shift_right_logical3A_1376 = vector.broadcast %shift_right_logical3A_1375 : i32 to vector<16xi32>
      %shift_right_logical3A_1377 = arith.shrui %add3A_1370, %shift_right_logical3A_1376 : vector<16xi32>
      %or3A_1378 = arith.ori %shift_left3A_1374, %shift_right_logical3A_1377 : vector<16xi32>
      %xor3A_1379 = arith.xori %or3A_1378, %add3A_1371 : vector<16xi32>
      %add3A_1380 = arith.addi %add3A_1371, %xor3A_1379 : vector<16xi32>
      %shift_left3A_1381 = arith.constant 29 : i32
      %shift_left3A_1382 = vector.broadcast %shift_left3A_1381 : i32 to vector<16xi32>
      %shift_left3A_1383 = arith.shli %xor3A_1379, %shift_left3A_1382 : vector<16xi32>
      %shift_right_logical3A_1384 = arith.constant 3 : i32
      %shift_right_logical3A_1385 = vector.broadcast %shift_right_logical3A_1384 : i32 to vector<16xi32>
      %shift_right_logical3A_1386 = arith.shrui %xor3A_1379, %shift_right_logical3A_1385 : vector<16xi32>
      %or3A_1387 = arith.ori %shift_left3A_1383, %shift_right_logical3A_1386 : vector<16xi32>
      %xor3A_1388 = arith.xori %or3A_1387, %add3A_1380 : vector<16xi32>
      %add3A_1389 = arith.addi %add3A_1380, %xor3A_1388 : vector<16xi32>
      %shift_left3A_1390 = arith.constant 16 : i32
      %shift_left3A_1391 = vector.broadcast %shift_left3A_1390 : i32 to vector<16xi32>
      %shift_left3A_1392 = arith.shli %xor3A_1388, %shift_left3A_1391 : vector<16xi32>
      %shift_right_logical3A_1393 = arith.constant 16 : i32
      %shift_right_logical3A_1394 = vector.broadcast %shift_right_logical3A_1393 : i32 to vector<16xi32>
      %shift_right_logical3A_1395 = arith.shrui %xor3A_1388, %shift_right_logical3A_1394 : vector<16xi32>
      %or3A_1396 = arith.ori %shift_left3A_1392, %shift_right_logical3A_1395 : vector<16xi32>
      %xor3A_1397 = arith.xori %or3A_1396, %add3A_1389 : vector<16xi32>
      %add3A_1398 = arith.addi %add3A_1389, %xor3A_1397 : vector<16xi32>
      %shift_left3A_1399 = arith.constant 24 : i32
      %shift_left3A_1400 = vector.broadcast %shift_left3A_1399 : i32 to vector<16xi32>
      %shift_left3A_1401 = arith.shli %xor3A_1397, %shift_left3A_1400 : vector<16xi32>
      %shift_right_logical3A_1402 = arith.constant 8 : i32
      %shift_right_logical3A_1403 = vector.broadcast %shift_right_logical3A_1402 : i32 to vector<16xi32>
      %shift_right_logical3A_1404 = arith.shrui %xor3A_1397, %shift_right_logical3A_1403 : vector<16xi32>
      %or3A_1405 = arith.ori %shift_left3A_1401, %shift_right_logical3A_1404 : vector<16xi32>
      %xor3A_1406 = arith.xori %or3A_1405, %add3A_1398 : vector<16xi32>
      %add3A_1407 = arith.constant 42 : i32
      %add3A_1408 = vector.broadcast %add3A_1407 : i32 to vector<16xi32>
      %add3A_1409 = arith.addi %add3A_1398, %add3A_1408 : vector<16xi32>
      %add3A_1410 = arith.constant 466689008 : i32
      %add3A_1411 = vector.broadcast %add3A_1410 : i32 to vector<16xi32>
      %add3A_1412 = arith.addi %xor3A_1406, %add3A_1411 : vector<16xi32>
      %add3A_1413 = arith.constant 4 : i32
      %add3A_1414 = vector.broadcast %add3A_1413 : i32 to vector<16xi32>
      %add3A_1415 = arith.addi %add3A_1412, %add3A_1414 : vector<16xi32>
      %add3A_1416 = arith.addi %add3A_1409, %add3A_1415 : vector<16xi32>
      %shift_left3A_1417 = arith.constant 13 : i32
      %shift_left3A_1418 = vector.broadcast %shift_left3A_1417 : i32 to vector<16xi32>
      %shift_left3A_1419 = arith.shli %add3A_1415, %shift_left3A_1418 : vector<16xi32>
      %shift_right_logical3A_1420 = arith.constant 19 : i32
      %shift_right_logical3A_1421 = vector.broadcast %shift_right_logical3A_1420 : i32 to vector<16xi32>
      %shift_right_logical3A_1422 = arith.shrui %add3A_1415, %shift_right_logical3A_1421 : vector<16xi32>
      %or3A_1423 = arith.ori %shift_left3A_1419, %shift_right_logical3A_1422 : vector<16xi32>
      %xor3A_1424 = arith.xori %or3A_1423, %add3A_1416 : vector<16xi32>
      %add3A_1425 = arith.addi %add3A_1416, %xor3A_1424 : vector<16xi32>
      %shift_left3A_1426 = arith.constant 15 : i32
      %shift_left3A_1427 = vector.broadcast %shift_left3A_1426 : i32 to vector<16xi32>
      %shift_left3A_1428 = arith.shli %xor3A_1424, %shift_left3A_1427 : vector<16xi32>
      %shift_right_logical3A_1429 = arith.constant 17 : i32
      %shift_right_logical3A_1430 = vector.broadcast %shift_right_logical3A_1429 : i32 to vector<16xi32>
      %shift_right_logical3A_1431 = arith.shrui %xor3A_1424, %shift_right_logical3A_1430 : vector<16xi32>
      %or3A_1432 = arith.ori %shift_left3A_1428, %shift_right_logical3A_1431 : vector<16xi32>
      %xor3A_1433 = arith.xori %or3A_1432, %add3A_1425 : vector<16xi32>
      %add3A_1434 = arith.addi %add3A_1425, %xor3A_1433 : vector<16xi32>
      %shift_left3A_1435 = arith.constant 26 : i32
      %shift_left3A_1436 = vector.broadcast %shift_left3A_1435 : i32 to vector<16xi32>
      %shift_left3A_1437 = arith.shli %xor3A_1433, %shift_left3A_1436 : vector<16xi32>
      %shift_right_logical3A_1438 = arith.constant 6 : i32
      %shift_right_logical3A_1439 = vector.broadcast %shift_right_logical3A_1438 : i32 to vector<16xi32>
      %shift_right_logical3A_1440 = arith.shrui %xor3A_1433, %shift_right_logical3A_1439 : vector<16xi32>
      %or3A_1441 = arith.ori %shift_left3A_1437, %shift_right_logical3A_1440 : vector<16xi32>
      %xor3A_1442 = arith.xori %or3A_1441, %add3A_1434 : vector<16xi32>
      %add3A_1443 = arith.addi %add3A_1434, %xor3A_1442 : vector<16xi32>
      %shift_left3A_1444 = arith.constant 6 : i32
      %shift_left3A_1445 = vector.broadcast %shift_left3A_1444 : i32 to vector<16xi32>
      %shift_left3A_1446 = arith.shli %xor3A_1442, %shift_left3A_1445 : vector<16xi32>
      %shift_right_logical3A_1447 = arith.constant 26 : i32
      %shift_right_logical3A_1448 = vector.broadcast %shift_right_logical3A_1447 : i32 to vector<16xi32>
      %shift_right_logical3A_1449 = arith.shrui %xor3A_1442, %shift_right_logical3A_1448 : vector<16xi32>
      %or3A_1450 = arith.ori %shift_left3A_1446, %shift_right_logical3A_1449 : vector<16xi32>
      %xor3A_1451 = arith.xori %or3A_1450, %add3A_1443 : vector<16xi32>
      %add3A_1452 = arith.constant 466689008 : i32
      %add3A_1453 = vector.broadcast %add3A_1452 : i32 to vector<16xi32>
      %add3A_1454 = arith.addi %add3A_1443, %add3A_1453 : vector<16xi32>
      %add3A_1455 = arith.constant 0 : i32
      %add3A_1456 = vector.broadcast %add3A_1455 : i32 to vector<16xi32>
      %add3A_1457 = arith.addi %xor3A_1451, %add3A_1456 : vector<16xi32>
      %add3A_1458 = arith.constant 5 : i32
      %add3A_1459 = vector.broadcast %add3A_1458 : i32 to vector<16xi32>
      %add3A_1460 = arith.addi %add3A_1457, %add3A_1459 : vector<16xi32>
      %xor3A_1461 = arith.xori %add3A_1454, %add3A_1460 : vector<16xi32>
      %shift_right_logical3A_1462 = arith.constant 9 : i32
      %shift_right_logical3A_1463 = vector.broadcast %shift_right_logical3A_1462 : i32 to vector<16xi32>
      %shift_right_logical3A_1464 = arith.shrui %xor3A_1461, %shift_right_logical3A_1463 : vector<16xi32>
      %lt3A_1465 = arith.cmpi ult, %shift_right_logical3A_1464, %get3A_16 : vector<16xi32>
      %jit3A_1466 = arith.constant 1.000000e+00 : f32
      %jit3A_1467 = arith.constant 0.000000e+00 : f32
      %broadcast_in_dim3A_1468 = vector.broadcast %jit3A_1466 : f32 to vector<16xf32>
      %broadcast_in_dim3A_1469 = vector.broadcast %jit3A_1467 : f32 to vector<16xf32>
      %select_n3A_1470 = arith.select %lt3A_1465, %broadcast_in_dim3A_1468, %broadcast_in_dim3A_1469 : vector<16xi1>, vector<16xf32>
      %add3A_1471 = arith.constant 80 : i32
      %add3A_1472 = arith.addi %mul3A_21, %add3A_1471 : i32
      %swap3A_1473 = arith.index_cast %add3A_1472 : i32 to index
      %swap3A_1474 = tpu.vector_load %arg5[%swap3A_1473] {strides = array<i32>} : memref<32768xf32, #tpu.memory_space<vmem>>, vector<16xf32>,
      %swap3A_1475 = vector.shape_cast %swap3A_1474 : vector<16xf32> to vector<16xf32>
      %swap3A_1476 = vector.shape_cast %select_n3A_1470 : vector<16xf32> to vector<16xf32>
      tpu.vector_store %arg5[%swap3A_1473], %swap3A_1476 {strides = array<i32>} : memref<32768xf32, #tpu.memory_space<vmem>>, vector<16xf32>,
      %add3A_1477 = arith.constant 138 : i32
      %add3A_1478 = arith.addi %mul3A_19, %add3A_1477 : i32
      %add3A_1479 = vector.broadcast %add3A_1478 : i32 to vector<16xi32>
      %add3A_1480 = arith.addi %iota3A, %add3A_1479 : vector<16xi32>
      %shift_left3A_1481 = arith.constant 13 : i32
      %shift_left3A_1482 = vector.broadcast %shift_left3A_1481 : i32 to vector<16xi32>
      %shift_left3A_1483 = arith.shli %add3A_1480, %shift_left3A_1482 : vector<16xi32>
      %shift_right_logical3A_1484 = arith.constant 19 : i32
      %shift_right_logical3A_1485 = vector.broadcast %shift_right_logical3A_1484 : i32 to vector<16xi32>
      %shift_right_logical3A_1486 = arith.shrui %add3A_1480, %shift_right_logical3A_1485 : vector<16xi32>
      %or3A_1487 = arith.ori %shift_left3A_1483, %shift_right_logical3A_1486 : vector<16xi32>
      %xor3A_1488 = arith.xori %or3A_1487, %add3A_1480 : vector<16xi32>
      %add3A_1489 = arith.addi %add3A_1480, %xor3A_1488 : vector<16xi32>
      %shift_left3A_1490 = arith.constant 15 : i32
      %shift_left3A_1491 = vector.broadcast %shift_left3A_1490 : i32 to vector<16xi32>
      %shift_left3A_1492 = arith.shli %xor3A_1488, %shift_left3A_1491 : vector<16xi32>
      %shift_right_logical3A_1493 = arith.constant 17 : i32
      %shift_right_logical3A_1494 = vector.broadcast %shift_right_logical3A_1493 : i32 to vector<16xi32>
      %shift_right_logical3A_1495 = arith.shrui %xor3A_1488, %shift_right_logical3A_1494 : vector<16xi32>
      %or3A_1496 = arith.ori %shift_left3A_1492, %shift_right_logical3A_1495 : vector<16xi32>
      %xor3A_1497 = arith.xori %or3A_1496, %add3A_1489 : vector<16xi32>
      %add3A_1498 = arith.addi %add3A_1489, %xor3A_1497 : vector<16xi32>
      %shift_left3A_1499 = arith.constant 26 : i32
      %shift_left3A_1500 = vector.broadcast %shift_left3A_1499 : i32 to vector<16xi32>
      %shift_left3A_1501 = arith.shli %xor3A_1497, %shift_left3A_1500 : vector<16xi32>
      %shift_right_logical3A_1502 = arith.constant 6 : i32
      %shift_right_logical3A_1503 = vector.broadcast %shift_right_logical3A_1502 : i32 to vector<16xi32>
      %shift_right_logical3A_1504 = arith.shrui %xor3A_1497, %shift_right_logical3A_1503 : vector<16xi32>
      %or3A_1505 = arith.ori %shift_left3A_1501, %shift_right_logical3A_1504 : vector<16xi32>
      %xor3A_1506 = arith.xori %or3A_1505, %add3A_1498 : vector<16xi32>
      %add3A_1507 = arith.addi %add3A_1498, %xor3A_1506 : vector<16xi32>
      %shift_left3A_1508 = arith.constant 6 : i32
      %shift_left3A_1509 = vector.broadcast %shift_left3A_1508 : i32 to vector<16xi32>
      %shift_left3A_1510 = arith.shli %xor3A_1506, %shift_left3A_1509 : vector<16xi32>
      %shift_right_logical3A_1511 = arith.constant 26 : i32
      %shift_right_logical3A_1512 = vector.broadcast %shift_right_logical3A_1511 : i32 to vector<16xi32>
      %shift_right_logical3A_1513 = arith.shrui %xor3A_1506, %shift_right_logical3A_1512 : vector<16xi32>
      %or3A_1514 = arith.ori %shift_left3A_1510, %shift_right_logical3A_1513 : vector<16xi32>
      %xor3A_1515 = arith.xori %or3A_1514, %add3A_1507 : vector<16xi32>
      %add3A_1516 = arith.constant 42 : i32
      %add3A_1517 = vector.broadcast %add3A_1516 : i32 to vector<16xi32>
      %add3A_1518 = arith.addi %add3A_1507, %add3A_1517 : vector<16xi32>
      %add3A_1519 = arith.constant 466689008 : i32
      %add3A_1520 = vector.broadcast %add3A_1519 : i32 to vector<16xi32>
      %add3A_1521 = arith.addi %xor3A_1515, %add3A_1520 : vector<16xi32>
      %add3A_1522 = arith.constant 1 : i32
      %add3A_1523 = vector.broadcast %add3A_1522 : i32 to vector<16xi32>
      %add3A_1524 = arith.addi %add3A_1521, %add3A_1523 : vector<16xi32>
      %add3A_1525 = arith.addi %add3A_1518, %add3A_1524 : vector<16xi32>
      %shift_left3A_1526 = arith.constant 17 : i32
      %shift_left3A_1527 = vector.broadcast %shift_left3A_1526 : i32 to vector<16xi32>
      %shift_left3A_1528 = arith.shli %add3A_1524, %shift_left3A_1527 : vector<16xi32>
      %shift_right_logical3A_1529 = arith.constant 15 : i32
      %shift_right_logical3A_1530 = vector.broadcast %shift_right_logical3A_1529 : i32 to vector<16xi32>
      %shift_right_logical3A_1531 = arith.shrui %add3A_1524, %shift_right_logical3A_1530 : vector<16xi32>
      %or3A_1532 = arith.ori %shift_left3A_1528, %shift_right_logical3A_1531 : vector<16xi32>
      %xor3A_1533 = arith.xori %or3A_1532, %add3A_1525 : vector<16xi32>
      %add3A_1534 = arith.addi %add3A_1525, %xor3A_1533 : vector<16xi32>
      %shift_left3A_1535 = arith.constant 29 : i32
      %shift_left3A_1536 = vector.broadcast %shift_left3A_1535 : i32 to vector<16xi32>
      %shift_left3A_1537 = arith.shli %xor3A_1533, %shift_left3A_1536 : vector<16xi32>
      %shift_right_logical3A_1538 = arith.constant 3 : i32
      %shift_right_logical3A_1539 = vector.broadcast %shift_right_logical3A_1538 : i32 to vector<16xi32>
      %shift_right_logical3A_1540 = arith.shrui %xor3A_1533, %shift_right_logical3A_1539 : vector<16xi32>
      %or3A_1541 = arith.ori %shift_left3A_1537, %shift_right_logical3A_1540 : vector<16xi32>
      %xor3A_1542 = arith.xori %or3A_1541, %add3A_1534 : vector<16xi32>
      %add3A_1543 = arith.addi %add3A_1534, %xor3A_1542 : vector<16xi32>
      %shift_left3A_1544 = arith.constant 16 : i32
      %shift_left3A_1545 = vector.broadcast %shift_left3A_1544 : i32 to vector<16xi32>
      %shift_left3A_1546 = arith.shli %xor3A_1542, %shift_left3A_1545 : vector<16xi32>
      %shift_right_logical3A_1547 = arith.constant 16 : i32
      %shift_right_logical3A_1548 = vector.broadcast %shift_right_logical3A_1547 : i32 to vector<16xi32>
      %shift_right_logical3A_1549 = arith.shrui %xor3A_1542, %shift_right_logical3A_1548 : vector<16xi32>
      %or3A_1550 = arith.ori %shift_left3A_1546, %shift_right_logical3A_1549 : vector<16xi32>
      %xor3A_1551 = arith.xori %or3A_1550, %add3A_1543 : vector<16xi32>
      %add3A_1552 = arith.addi %add3A_1543, %xor3A_1551 : vector<16xi32>
      %shift_left3A_1553 = arith.constant 24 : i32
      %shift_left3A_1554 = vector.broadcast %shift_left3A_1553 : i32 to vector<16xi32>
      %shift_left3A_1555 = arith.shli %xor3A_1551, %shift_left3A_1554 : vector<16xi32>
      %shift_right_logical3A_1556 = arith.constant 8 : i32
      %shift_right_logical3A_1557 = vector.broadcast %shift_right_logical3A_1556 : i32 to vector<16xi32>
      %shift_right_logical3A_1558 = arith.shrui %xor3A_1551, %shift_right_logical3A_1557 : vector<16xi32>
      %or3A_1559 = arith.ori %shift_left3A_1555, %shift_right_logical3A_1558 : vector<16xi32>
      %xor3A_1560 = arith.xori %or3A_1559, %add3A_1552 : vector<16xi32>
      %add3A_1561 = arith.constant 466689008 : i32
      %add3A_1562 = vector.broadcast %add3A_1561 : i32 to vector<16xi32>
      %add3A_1563 = arith.addi %add3A_1552, %add3A_1562 : vector<16xi32>
      %add3A_1564 = arith.constant 0 : i32
      %add3A_1565 = vector.broadcast %add3A_1564 : i32 to vector<16xi32>
      %add3A_1566 = arith.addi %xor3A_1560, %add3A_1565 : vector<16xi32>
      %add3A_1567 = arith.constant 2 : i32
      %add3A_1568 = vector.broadcast %add3A_1567 : i32 to vector<16xi32>
      %add3A_1569 = arith.addi %add3A_1566, %add3A_1568 : vector<16xi32>
      %add3A_1570 = arith.addi %add3A_1563, %add3A_1569 : vector<16xi32>
      %shift_left3A_1571 = arith.constant 13 : i32
      %shift_left3A_1572 = vector.broadcast %shift_left3A_1571 : i32 to vector<16xi32>
      %shift_left3A_1573 = arith.shli %add3A_1569, %shift_left3A_1572 : vector<16xi32>
      %shift_right_logical3A_1574 = arith.constant 19 : i32
      %shift_right_logical3A_1575 = vector.broadcast %shift_right_logical3A_1574 : i32 to vector<16xi32>
      %shift_right_logical3A_1576 = arith.shrui %add3A_1569, %shift_right_logical3A_1575 : vector<16xi32>
      %or3A_1577 = arith.ori %shift_left3A_1573, %shift_right_logical3A_1576 : vector<16xi32>
      %xor3A_1578 = arith.xori %or3A_1577, %add3A_1570 : vector<16xi32>
      %add3A_1579 = arith.addi %add3A_1570, %xor3A_1578 : vector<16xi32>
      %shift_left3A_1580 = arith.constant 15 : i32
      %shift_left3A_1581 = vector.broadcast %shift_left3A_1580 : i32 to vector<16xi32>
      %shift_left3A_1582 = arith.shli %xor3A_1578, %shift_left3A_1581 : vector<16xi32>
      %shift_right_logical3A_1583 = arith.constant 17 : i32
      %shift_right_logical3A_1584 = vector.broadcast %shift_right_logical3A_1583 : i32 to vector<16xi32>
      %shift_right_logical3A_1585 = arith.shrui %xor3A_1578, %shift_right_logical3A_1584 : vector<16xi32>
      %or3A_1586 = arith.ori %shift_left3A_1582, %shift_right_logical3A_1585 : vector<16xi32>
      %xor3A_1587 = arith.xori %or3A_1586, %add3A_1579 : vector<16xi32>
      %add3A_1588 = arith.addi %add3A_1579, %xor3A_1587 : vector<16xi32>
      %shift_left3A_1589 = arith.constant 26 : i32
      %shift_left3A_1590 = vector.broadcast %shift_left3A_1589 : i32 to vector<16xi32>
      %shift_left3A_1591 = arith.shli %xor3A_1587, %shift_left3A_1590 : vector<16xi32>
      %shift_right_logical3A_1592 = arith.constant 6 : i32
      %shift_right_logical3A_1593 = vector.broadcast %shift_right_logical3A_1592 : i32 to vector<16xi32>
      %shift_right_logical3A_1594 = arith.shrui %xor3A_1587, %shift_right_logical3A_1593 : vector<16xi32>
      %or3A_1595 = arith.ori %shift_left3A_1591, %shift_right_logical3A_1594 : vector<16xi32>
      %xor3A_1596 = arith.xori %or3A_1595, %add3A_1588 : vector<16xi32>
      %add3A_1597 = arith.addi %add3A_1588, %xor3A_1596 : vector<16xi32>
      %shift_left3A_1598 = arith.constant 6 : i32
      %shift_left3A_1599 = vector.broadcast %shift_left3A_1598 : i32 to vector<16xi32>
      %shift_left3A_1600 = arith.shli %xor3A_1596, %shift_left3A_1599 : vector<16xi32>
      %shift_right_logical3A_1601 = arith.constant 26 : i32
      %shift_right_logical3A_1602 = vector.broadcast %shift_right_logical3A_1601 : i32 to vector<16xi32>
      %shift_right_logical3A_1603 = arith.shrui %xor3A_1596, %shift_right_logical3A_1602 : vector<16xi32>
      %or3A_1604 = arith.ori %shift_left3A_1600, %shift_right_logical3A_1603 : vector<16xi32>
      %xor3A_1605 = arith.xori %or3A_1604, %add3A_1597 : vector<16xi32>
      %add3A_1606 = arith.constant 0 : i32
      %add3A_1607 = vector.broadcast %add3A_1606 : i32 to vector<16xi32>
      %add3A_1608 = arith.addi %add3A_1597, %add3A_1607 : vector<16xi32>
      %add3A_1609 = arith.constant 42 : i32
      %add3A_1610 = vector.broadcast %add3A_1609 : i32 to vector<16xi32>
      %add3A_1611 = arith.addi %xor3A_1605, %add3A_1610 : vector<16xi32>
      %add3A_1612 = arith.constant 3 : i32
      %add3A_1613 = vector.broadcast %add3A_1612 : i32 to vector<16xi32>
      %add3A_1614 = arith.addi %add3A_1611, %add3A_1613 : vector<16xi32>
      %add3A_1615 = arith.addi %add3A_1608, %add3A_1614 : vector<16xi32>
      %shift_left3A_1616 = arith.constant 17 : i32
      %shift_left3A_1617 = vector.broadcast %shift_left3A_1616 : i32 to vector<16xi32>
      %shift_left3A_1618 = arith.shli %add3A_1614, %shift_left3A_1617 : vector<16xi32>
      %shift_right_logical3A_1619 = arith.constant 15 : i32
      %shift_right_logical3A_1620 = vector.broadcast %shift_right_logical3A_1619 : i32 to vector<16xi32>
      %shift_right_logical3A_1621 = arith.shrui %add3A_1614, %shift_right_logical3A_1620 : vector<16xi32>
      %or3A_1622 = arith.ori %shift_left3A_1618, %shift_right_logical3A_1621 : vector<16xi32>
      %xor3A_1623 = arith.xori %or3A_1622, %add3A_1615 : vector<16xi32>
      %add3A_1624 = arith.addi %add3A_1615, %xor3A_1623 : vector<16xi32>
      %shift_left3A_1625 = arith.constant 29 : i32
      %shift_left3A_1626 = vector.broadcast %shift_left3A_1625 : i32 to vector<16xi32>
      %shift_left3A_1627 = arith.shli %xor3A_1623, %shift_left3A_1626 : vector<16xi32>
      %shift_right_logical3A_1628 = arith.constant 3 : i32
      %shift_right_logical3A_1629 = vector.broadcast %shift_right_logical3A_1628 : i32 to vector<16xi32>
      %shift_right_logical3A_1630 = arith.shrui %xor3A_1623, %shift_right_logical3A_1629 : vector<16xi32>
      %or3A_1631 = arith.ori %shift_left3A_1627, %shift_right_logical3A_1630 : vector<16xi32>
      %xor3A_1632 = arith.xori %or3A_1631, %add3A_1624 : vector<16xi32>
      %add3A_1633 = arith.addi %add3A_1624, %xor3A_1632 : vector<16xi32>
      %shift_left3A_1634 = arith.constant 16 : i32
      %shift_left3A_1635 = vector.broadcast %shift_left3A_1634 : i32 to vector<16xi32>
      %shift_left3A_1636 = arith.shli %xor3A_1632, %shift_left3A_1635 : vector<16xi32>
      %shift_right_logical3A_1637 = arith.constant 16 : i32
      %shift_right_logical3A_1638 = vector.broadcast %shift_right_logical3A_1637 : i32 to vector<16xi32>
      %shift_right_logical3A_1639 = arith.shrui %xor3A_1632, %shift_right_logical3A_1638 : vector<16xi32>
      %or3A_1640 = arith.ori %shift_left3A_1636, %shift_right_logical3A_1639 : vector<16xi32>
      %xor3A_1641 = arith.xori %or3A_1640, %add3A_1633 : vector<16xi32>
      %add3A_1642 = arith.addi %add3A_1633, %xor3A_1641 : vector<16xi32>
      %shift_left3A_1643 = arith.constant 24 : i32
      %shift_left3A_1644 = vector.broadcast %shift_left3A_1643 : i32 to vector<16xi32>
      %shift_left3A_1645 = arith.shli %xor3A_1641, %shift_left3A_1644 : vector<16xi32>
      %shift_right_logical3A_1646 = arith.constant 8 : i32
      %shift_right_logical3A_1647 = vector.broadcast %shift_right_logical3A_1646 : i32 to vector<16xi32>
      %shift_right_logical3A_1648 = arith.shrui %xor3A_1641, %shift_right_logical3A_1647 : vector<16xi32>
      %or3A_1649 = arith.ori %shift_left3A_1645, %shift_right_logical3A_1648 : vector<16xi32>
      %xor3A_1650 = arith.xori %or3A_1649, %add3A_1642 : vector<16xi32>
      %add3A_1651 = arith.constant 42 : i32
      %add3A_1652 = vector.broadcast %add3A_1651 : i32 to vector<16xi32>
      %add3A_1653 = arith.addi %add3A_1642, %add3A_1652 : vector<16xi32>
      %add3A_1654 = arith.constant 466689008 : i32
      %add3A_1655 = vector.broadcast %add3A_1654 : i32 to vector<16xi32>
      %add3A_1656 = arith.addi %xor3A_1650, %add3A_1655 : vector<16xi32>
      %add3A_1657 = arith.constant 4 : i32
      %add3A_1658 = vector.broadcast %add3A_1657 : i32 to vector<16xi32>
      %add3A_1659 = arith.addi %add3A_1656, %add3A_1658 : vector<16xi32>
      %add3A_1660 = arith.addi %add3A_1653, %add3A_1659 : vector<16xi32>
      %shift_left3A_1661 = arith.constant 13 : i32
      %shift_left3A_1662 = vector.broadcast %shift_left3A_1661 : i32 to vector<16xi32>
      %shift_left3A_1663 = arith.shli %add3A_1659, %shift_left3A_1662 : vector<16xi32>
      %shift_right_logical3A_1664 = arith.constant 19 : i32
      %shift_right_logical3A_1665 = vector.broadcast %shift_right_logical3A_1664 : i32 to vector<16xi32>
      %shift_right_logical3A_1666 = arith.shrui %add3A_1659, %shift_right_logical3A_1665 : vector<16xi32>
      %or3A_1667 = arith.ori %shift_left3A_1663, %shift_right_logical3A_1666 : vector<16xi32>
      %xor3A_1668 = arith.xori %or3A_1667, %add3A_1660 : vector<16xi32>
      %add3A_1669 = arith.addi %add3A_1660, %xor3A_1668 : vector<16xi32>
      %shift_left3A_1670 = arith.constant 15 : i32
      %shift_left3A_1671 = vector.broadcast %shift_left3A_1670 : i32 to vector<16xi32>
      %shift_left3A_1672 = arith.shli %xor3A_1668, %shift_left3A_1671 : vector<16xi32>
      %shift_right_logical3A_1673 = arith.constant 17 : i32
      %shift_right_logical3A_1674 = vector.broadcast %shift_right_logical3A_1673 : i32 to vector<16xi32>
      %shift_right_logical3A_1675 = arith.shrui %xor3A_1668, %shift_right_logical3A_1674 : vector<16xi32>
      %or3A_1676 = arith.ori %shift_left3A_1672, %shift_right_logical3A_1675 : vector<16xi32>
      %xor3A_1677 = arith.xori %or3A_1676, %add3A_1669 : vector<16xi32>
      %add3A_1678 = arith.addi %add3A_1669, %xor3A_1677 : vector<16xi32>
      %shift_left3A_1679 = arith.constant 26 : i32
      %shift_left3A_1680 = vector.broadcast %shift_left3A_1679 : i32 to vector<16xi32>
      %shift_left3A_1681 = arith.shli %xor3A_1677, %shift_left3A_1680 : vector<16xi32>
      %shift_right_logical3A_1682 = arith.constant 6 : i32
      %shift_right_logical3A_1683 = vector.broadcast %shift_right_logical3A_1682 : i32 to vector<16xi32>
      %shift_right_logical3A_1684 = arith.shrui %xor3A_1677, %shift_right_logical3A_1683 : vector<16xi32>
      %or3A_1685 = arith.ori %shift_left3A_1681, %shift_right_logical3A_1684 : vector<16xi32>
      %xor3A_1686 = arith.xori %or3A_1685, %add3A_1678 : vector<16xi32>
      %add3A_1687 = arith.addi %add3A_1678, %xor3A_1686 : vector<16xi32>
      %shift_left3A_1688 = arith.constant 6 : i32
      %shift_left3A_1689 = vector.broadcast %shift_left3A_1688 : i32 to vector<16xi32>
      %shift_left3A_1690 = arith.shli %xor3A_1686, %shift_left3A_1689 : vector<16xi32>
      %shift_right_logical3A_1691 = arith.constant 26 : i32
      %shift_right_logical3A_1692 = vector.broadcast %shift_right_logical3A_1691 : i32 to vector<16xi32>
      %shift_right_logical3A_1693 = arith.shrui %xor3A_1686, %shift_right_logical3A_1692 : vector<16xi32>
      %or3A_1694 = arith.ori %shift_left3A_1690, %shift_right_logical3A_1693 : vector<16xi32>
      %xor3A_1695 = arith.xori %or3A_1694, %add3A_1687 : vector<16xi32>
      %add3A_1696 = arith.constant 466689008 : i32
      %add3A_1697 = vector.broadcast %add3A_1696 : i32 to vector<16xi32>
      %add3A_1698 = arith.addi %add3A_1687, %add3A_1697 : vector<16xi32>
      %add3A_1699 = arith.constant 0 : i32
      %add3A_1700 = vector.broadcast %add3A_1699 : i32 to vector<16xi32>
      %add3A_1701 = arith.addi %xor3A_1695, %add3A_1700 : vector<16xi32>
      %add3A_1702 = arith.constant 5 : i32
      %add3A_1703 = vector.broadcast %add3A_1702 : i32 to vector<16xi32>
      %add3A_1704 = arith.addi %add3A_1701, %add3A_1703 : vector<16xi32>
      %xor3A_1705 = arith.xori %add3A_1698, %add3A_1704 : vector<16xi32>
      %shift_right_logical3A_1706 = arith.constant 9 : i32
      %shift_right_logical3A_1707 = vector.broadcast %shift_right_logical3A_1706 : i32 to vector<16xi32>
      %shift_right_logical3A_1708 = arith.shrui %xor3A_1705, %shift_right_logical3A_1707 : vector<16xi32>
      %lt3A_1709 = arith.cmpi ult, %shift_right_logical3A_1708, %get3A_16 : vector<16xi32>
      %jit3A_1710 = arith.constant 1.000000e+00 : f32
      %jit3A_1711 = arith.constant 0.000000e+00 : f32
      %broadcast_in_dim3A_1712 = vector.broadcast %jit3A_1710 : f32 to vector<16xf32>
      %broadcast_in_dim3A_1713 = vector.broadcast %jit3A_1711 : f32 to vector<16xf32>
      %select_n3A_1714 = arith.select %lt3A_1709, %broadcast_in_dim3A_1712, %broadcast_in_dim3A_1713 : vector<16xi1>, vector<16xf32>
      %add3A_1715 = arith.constant 96 : i32
      %add3A_1716 = arith.addi %mul3A_21, %add3A_1715 : i32
      %swap3A_1717 = arith.index_cast %add3A_1716 : i32 to index
      %swap3A_1718 = tpu.vector_load %arg5[%swap3A_1717] {strides = array<i32>} : memref<32768xf32, #tpu.memory_space<vmem>>, vector<16xf32>,
      %swap3A_1719 = vector.shape_cast %swap3A_1718 : vector<16xf32> to vector<16xf32>
      %swap3A_1720 = vector.shape_cast %select_n3A_1714 : vector<16xf32> to vector<16xf32>
      tpu.vector_store %arg5[%swap3A_1717], %swap3A_1720 {strides = array<i32>} : memref<32768xf32, #tpu.memory_space<vmem>>, vector<16xf32>,
      %add3A_1721 = arith.constant 154 : i32
      %add3A_1722 = arith.addi %mul3A_19, %add3A_1721 : i32
      %add3A_1723 = vector.broadcast %add3A_1722 : i32 to vector<16xi32>
      %add3A_1724 = arith.addi %iota3A, %add3A_1723 : vector<16xi32>
      %shift_left3A_1725 = arith.constant 13 : i32
      %shift_left3A_1726 = vector.broadcast %shift_left3A_1725 : i32 to vector<16xi32>
      %shift_left3A_1727 = arith.shli %add3A_1724, %shift_left3A_1726 : vector<16xi32>
      %shift_right_logical3A_1728 = arith.constant 19 : i32
      %shift_right_logical3A_1729 = vector.broadcast %shift_right_logical3A_1728 : i32 to vector<16xi32>
      %shift_right_logical3A_1730 = arith.shrui %add3A_1724, %shift_right_logical3A_1729 : vector<16xi32>
      %or3A_1731 = arith.ori %shift_left3A_1727, %shift_right_logical3A_1730 : vector<16xi32>
      %xor3A_1732 = arith.xori %or3A_1731, %add3A_1724 : vector<16xi32>
      %add3A_1733 = arith.addi %add3A_1724, %xor3A_1732 : vector<16xi32>
      %shift_left3A_1734 = arith.constant 15 : i32
      %shift_left3A_1735 = vector.broadcast %shift_left3A_1734 : i32 to vector<16xi32>
      %shift_left3A_1736 = arith.shli %xor3A_1732, %shift_left3A_1735 : vector<16xi32>
      %shift_right_logical3A_1737 = arith.constant 17 : i32
      %shift_right_logical3A_1738 = vector.broadcast %shift_right_logical3A_1737 : i32 to vector<16xi32>
      %shift_right_logical3A_1739 = arith.shrui %xor3A_1732, %shift_right_logical3A_1738 : vector<16xi32>
      %or3A_1740 = arith.ori %shift_left3A_1736, %shift_right_logical3A_1739 : vector<16xi32>
      %xor3A_1741 = arith.xori %or3A_1740, %add3A_1733 : vector<16xi32>
      %add3A_1742 = arith.addi %add3A_1733, %xor3A_1741 : vector<16xi32>
      %shift_left3A_1743 = arith.constant 26 : i32
      %shift_left3A_1744 = vector.broadcast %shift_left3A_1743 : i32 to vector<16xi32>
      %shift_left3A_1745 = arith.shli %xor3A_1741, %shift_left3A_1744 : vector<16xi32>
      %shift_right_logical3A_1746 = arith.constant 6 : i32
      %shift_right_logical3A_1747 = vector.broadcast %shift_right_logical3A_1746 : i32 to vector<16xi32>
      %shift_right_logical3A_1748 = arith.shrui %xor3A_1741, %shift_right_logical3A_1747 : vector<16xi32>
      %or3A_1749 = arith.ori %shift_left3A_1745, %shift_right_logical3A_1748 : vector<16xi32>
      %xor3A_1750 = arith.xori %or3A_1749, %add3A_1742 : vector<16xi32>
      %add3A_1751 = arith.addi %add3A_1742, %xor3A_1750 : vector<16xi32>
      %shift_left3A_1752 = arith.constant 6 : i32
      %shift_left3A_1753 = vector.broadcast %shift_left3A_1752 : i32 to vector<16xi32>
      %shift_left3A_1754 = arith.shli %xor3A_1750, %shift_left3A_1753 : vector<16xi32>
      %shift_right_logical3A_1755 = arith.constant 26 : i32
      %shift_right_logical3A_1756 = vector.broadcast %shift_right_logical3A_1755 : i32 to vector<16xi32>
      %shift_right_logical3A_1757 = arith.shrui %xor3A_1750, %shift_right_logical3A_1756 : vector<16xi32>
      %or3A_1758 = arith.ori %shift_left3A_1754, %shift_right_logical3A_1757 : vector<16xi32>
      %xor3A_1759 = arith.xori %or3A_1758, %add3A_1751 : vector<16xi32>
      %add3A_1760 = arith.constant 42 : i32
      %add3A_1761 = vector.broadcast %add3A_1760 : i32 to vector<16xi32>
      %add3A_1762 = arith.addi %add3A_1751, %add3A_1761 : vector<16xi32>
      %add3A_1763 = arith.constant 466689008 : i32
      %add3A_1764 = vector.broadcast %add3A_1763 : i32 to vector<16xi32>
      %add3A_1765 = arith.addi %xor3A_1759, %add3A_1764 : vector<16xi32>
      %add3A_1766 = arith.constant 1 : i32
      %add3A_1767 = vector.broadcast %add3A_1766 : i32 to vector<16xi32>
      %add3A_1768 = arith.addi %add3A_1765, %add3A_1767 : vector<16xi32>
      %add3A_1769 = arith.addi %add3A_1762, %add3A_1768 : vector<16xi32>
      %shift_left3A_1770 = arith.constant 17 : i32
      %shift_left3A_1771 = vector.broadcast %shift_left3A_1770 : i32 to vector<16xi32>
      %shift_left3A_1772 = arith.shli %add3A_1768, %shift_left3A_1771 : vector<16xi32>
      %shift_right_logical3A_1773 = arith.constant 15 : i32
      %shift_right_logical3A_1774 = vector.broadcast %shift_right_logical3A_1773 : i32 to vector<16xi32>
      %shift_right_logical3A_1775 = arith.shrui %add3A_1768, %shift_right_logical3A_1774 : vector<16xi32>
      %or3A_1776 = arith.ori %shift_left3A_1772, %shift_right_logical3A_1775 : vector<16xi32>
      %xor3A_1777 = arith.xori %or3A_1776, %add3A_1769 : vector<16xi32>
      %add3A_1778 = arith.addi %add3A_1769, %xor3A_1777 : vector<16xi32>
      %shift_left3A_1779 = arith.constant 29 : i32
      %shift_left3A_1780 = vector.broadcast %shift_left3A_1779 : i32 to vector<16xi32>
      %shift_left3A_1781 = arith.shli %xor3A_1777, %shift_left3A_1780 : vector<16xi32>
      %shift_right_logical3A_1782 = arith.constant 3 : i32
      %shift_right_logical3A_1783 = vector.broadcast %shift_right_logical3A_1782 : i32 to vector<16xi32>
      %shift_right_logical3A_1784 = arith.shrui %xor3A_1777, %shift_right_logical3A_1783 : vector<16xi32>
      %or3A_1785 = arith.ori %shift_left3A_1781, %shift_right_logical3A_1784 : vector<16xi32>
      %xor3A_1786 = arith.xori %or3A_1785, %add3A_1778 : vector<16xi32>
      %add3A_1787 = arith.addi %add3A_1778, %xor3A_1786 : vector<16xi32>
      %shift_left3A_1788 = arith.constant 16 : i32
      %shift_left3A_1789 = vector.broadcast %shift_left3A_1788 : i32 to vector<16xi32>
      %shift_left3A_1790 = arith.shli %xor3A_1786, %shift_left3A_1789 : vector<16xi32>
      %shift_right_logical3A_1791 = arith.constant 16 : i32
      %shift_right_logical3A_1792 = vector.broadcast %shift_right_logical3A_1791 : i32 to vector<16xi32>
      %shift_right_logical3A_1793 = arith.shrui %xor3A_1786, %shift_right_logical3A_1792 : vector<16xi32>
      %or3A_1794 = arith.ori %shift_left3A_1790, %shift_right_logical3A_1793 : vector<16xi32>
      %xor3A_1795 = arith.xori %or3A_1794, %add3A_1787 : vector<16xi32>
      %add3A_1796 = arith.addi %add3A_1787, %xor3A_1795 : vector<16xi32>
      %shift_left3A_1797 = arith.constant 24 : i32
      %shift_left3A_1798 = vector.broadcast %shift_left3A_1797 : i32 to vector<16xi32>
      %shift_left3A_1799 = arith.shli %xor3A_1795, %shift_left3A_1798 : vector<16xi32>
      %shift_right_logical3A_1800 = arith.constant 8 : i32
      %shift_right_logical3A_1801 = vector.broadcast %shift_right_logical3A_1800 : i32 to vector<16xi32>
      %shift_right_logical3A_1802 = arith.shrui %xor3A_1795, %shift_right_logical3A_1801 : vector<16xi32>
      %or3A_1803 = arith.ori %shift_left3A_1799, %shift_right_logical3A_1802 : vector<16xi32>
      %xor3A_1804 = arith.xori %or3A_1803, %add3A_1796 : vector<16xi32>
      %add3A_1805 = arith.constant 466689008 : i32
      %add3A_1806 = vector.broadcast %add3A_1805 : i32 to vector<16xi32>
      %add3A_1807 = arith.addi %add3A_1796, %add3A_1806 : vector<16xi32>
      %add3A_1808 = arith.constant 0 : i32
      %add3A_1809 = vector.broadcast %add3A_1808 : i32 to vector<16xi32>
      %add3A_1810 = arith.addi %xor3A_1804, %add3A_1809 : vector<16xi32>
      %add3A_1811 = arith.constant 2 : i32
      %add3A_1812 = vector.broadcast %add3A_1811 : i32 to vector<16xi32>
      %add3A_1813 = arith.addi %add3A_1810, %add3A_1812 : vector<16xi32>
      %add3A_1814 = arith.addi %add3A_1807, %add3A_1813 : vector<16xi32>
      %shift_left3A_1815 = arith.constant 13 : i32
      %shift_left3A_1816 = vector.broadcast %shift_left3A_1815 : i32 to vector<16xi32>
      %shift_left3A_1817 = arith.shli %add3A_1813, %shift_left3A_1816 : vector<16xi32>
      %shift_right_logical3A_1818 = arith.constant 19 : i32
      %shift_right_logical3A_1819 = vector.broadcast %shift_right_logical3A_1818 : i32 to vector<16xi32>
      %shift_right_logical3A_1820 = arith.shrui %add3A_1813, %shift_right_logical3A_1819 : vector<16xi32>
      %or3A_1821 = arith.ori %shift_left3A_1817, %shift_right_logical3A_1820 : vector<16xi32>
      %xor3A_1822 = arith.xori %or3A_1821, %add3A_1814 : vector<16xi32>
      %add3A_1823 = arith.addi %add3A_1814, %xor3A_1822 : vector<16xi32>
      %shift_left3A_1824 = arith.constant 15 : i32
      %shift_left3A_1825 = vector.broadcast %shift_left3A_1824 : i32 to vector<16xi32>
      %shift_left3A_1826 = arith.shli %xor3A_1822, %shift_left3A_1825 : vector<16xi32>
      %shift_right_logical3A_1827 = arith.constant 17 : i32
      %shift_right_logical3A_1828 = vector.broadcast %shift_right_logical3A_1827 : i32 to vector<16xi32>
      %shift_right_logical3A_1829 = arith.shrui %xor3A_1822, %shift_right_logical3A_1828 : vector<16xi32>
      %or3A_1830 = arith.ori %shift_left3A_1826, %shift_right_logical3A_1829 : vector<16xi32>
      %xor3A_1831 = arith.xori %or3A_1830, %add3A_1823 : vector<16xi32>
      %add3A_1832 = arith.addi %add3A_1823, %xor3A_1831 : vector<16xi32>
      %shift_left3A_1833 = arith.constant 26 : i32
      %shift_left3A_1834 = vector.broadcast %shift_left3A_1833 : i32 to vector<16xi32>
      %shift_left3A_1835 = arith.shli %xor3A_1831, %shift_left3A_1834 : vector<16xi32>
      %shift_right_logical3A_1836 = arith.constant 6 : i32
      %shift_right_logical3A_1837 = vector.broadcast %shift_right_logical3A_1836 : i32 to vector<16xi32>
      %shift_right_logical3A_1838 = arith.shrui %xor3A_1831, %shift_right_logical3A_1837 : vector<16xi32>
      %or3A_1839 = arith.ori %shift_left3A_1835, %shift_right_logical3A_1838 : vector<16xi32>
      %xor3A_1840 = arith.xori %or3A_1839, %add3A_1832 : vector<16xi32>
      %add3A_1841 = arith.addi %add3A_1832, %xor3A_1840 : vector<16xi32>
      %shift_left3A_1842 = arith.constant 6 : i32
      %shift_left3A_1843 = vector.broadcast %shift_left3A_1842 : i32 to vector<16xi32>
      %shift_left3A_1844 = arith.shli %xor3A_1840, %shift_left3A_1843 : vector<16xi32>
      %shift_right_logical3A_1845 = arith.constant 26 : i32
      %shift_right_logical3A_1846 = vector.broadcast %shift_right_logical3A_1845 : i32 to vector<16xi32>
      %shift_right_logical3A_1847 = arith.shrui %xor3A_1840, %shift_right_logical3A_1846 : vector<16xi32>
      %or3A_1848 = arith.ori %shift_left3A_1844, %shift_right_logical3A_1847 : vector<16xi32>
      %xor3A_1849 = arith.xori %or3A_1848, %add3A_1841 : vector<16xi32>
      %add3A_1850 = arith.constant 0 : i32
      %add3A_1851 = vector.broadcast %add3A_1850 : i32 to vector<16xi32>
      %add3A_1852 = arith.addi %add3A_1841, %add3A_1851 : vector<16xi32>
      %add3A_1853 = arith.constant 42 : i32
      %add3A_1854 = vector.broadcast %add3A_1853 : i32 to vector<16xi32>
      %add3A_1855 = arith.addi %xor3A_1849, %add3A_1854 : vector<16xi32>
      %add3A_1856 = arith.constant 3 : i32
      %add3A_1857 = vector.broadcast %add3A_1856 : i32 to vector<16xi32>
      %add3A_1858 = arith.addi %add3A_1855, %add3A_1857 : vector<16xi32>
      %add3A_1859 = arith.addi %add3A_1852, %add3A_1858 : vector<16xi32>
      %shift_left3A_1860 = arith.constant 17 : i32
      %shift_left3A_1861 = vector.broadcast %shift_left3A_1860 : i32 to vector<16xi32>
      %shift_left3A_1862 = arith.shli %add3A_1858, %shift_left3A_1861 : vector<16xi32>
      %shift_right_logical3A_1863 = arith.constant 15 : i32
      %shift_right_logical3A_1864 = vector.broadcast %shift_right_logical3A_1863 : i32 to vector<16xi32>
      %shift_right_logical3A_1865 = arith.shrui %add3A_1858, %shift_right_logical3A_1864 : vector<16xi32>
      %or3A_1866 = arith.ori %shift_left3A_1862, %shift_right_logical3A_1865 : vector<16xi32>
      %xor3A_1867 = arith.xori %or3A_1866, %add3A_1859 : vector<16xi32>
      %add3A_1868 = arith.addi %add3A_1859, %xor3A_1867 : vector<16xi32>
      %shift_left3A_1869 = arith.constant 29 : i32
      %shift_left3A_1870 = vector.broadcast %shift_left3A_1869 : i32 to vector<16xi32>
      %shift_left3A_1871 = arith.shli %xor3A_1867, %shift_left3A_1870 : vector<16xi32>
      %shift_right_logical3A_1872 = arith.constant 3 : i32
      %shift_right_logical3A_1873 = vector.broadcast %shift_right_logical3A_1872 : i32 to vector<16xi32>
      %shift_right_logical3A_1874 = arith.shrui %xor3A_1867, %shift_right_logical3A_1873 : vector<16xi32>
      %or3A_1875 = arith.ori %shift_left3A_1871, %shift_right_logical3A_1874 : vector<16xi32>
      %xor3A_1876 = arith.xori %or3A_1875, %add3A_1868 : vector<16xi32>
      %add3A_1877 = arith.addi %add3A_1868, %xor3A_1876 : vector<16xi32>
      %shift_left3A_1878 = arith.constant 16 : i32
      %shift_left3A_1879 = vector.broadcast %shift_left3A_1878 : i32 to vector<16xi32>
      %shift_left3A_1880 = arith.shli %xor3A_1876, %shift_left3A_1879 : vector<16xi32>
      %shift_right_logical3A_1881 = arith.constant 16 : i32
      %shift_right_logical3A_1882 = vector.broadcast %shift_right_logical3A_1881 : i32 to vector<16xi32>
      %shift_right_logical3A_1883 = arith.shrui %xor3A_1876, %shift_right_logical3A_1882 : vector<16xi32>
      %or3A_1884 = arith.ori %shift_left3A_1880, %shift_right_logical3A_1883 : vector<16xi32>
      %xor3A_1885 = arith.xori %or3A_1884, %add3A_1877 : vector<16xi32>
      %add3A_1886 = arith.addi %add3A_1877, %xor3A_1885 : vector<16xi32>
      %shift_left3A_1887 = arith.constant 24 : i32
      %shift_left3A_1888 = vector.broadcast %shift_left3A_1887 : i32 to vector<16xi32>
      %shift_left3A_1889 = arith.shli %xor3A_1885, %shift_left3A_1888 : vector<16xi32>
      %shift_right_logical3A_1890 = arith.constant 8 : i32
      %shift_right_logical3A_1891 = vector.broadcast %shift_right_logical3A_1890 : i32 to vector<16xi32>
      %shift_right_logical3A_1892 = arith.shrui %xor3A_1885, %shift_right_logical3A_1891 : vector<16xi32>
      %or3A_1893 = arith.ori %shift_left3A_1889, %shift_right_logical3A_1892 : vector<16xi32>
      %xor3A_1894 = arith.xori %or3A_1893, %add3A_1886 : vector<16xi32>
      %add3A_1895 = arith.constant 42 : i32
      %add3A_1896 = vector.broadcast %add3A_1895 : i32 to vector<16xi32>
      %add3A_1897 = arith.addi %add3A_1886, %add3A_1896 : vector<16xi32>
      %add3A_1898 = arith.constant 466689008 : i32
      %add3A_1899 = vector.broadcast %add3A_1898 : i32 to vector<16xi32>
      %add3A_1900 = arith.addi %xor3A_1894, %add3A_1899 : vector<16xi32>
      %add3A_1901 = arith.constant 4 : i32
      %add3A_1902 = vector.broadcast %add3A_1901 : i32 to vector<16xi32>
      %add3A_1903 = arith.addi %add3A_1900, %add3A_1902 : vector<16xi32>
      %add3A_1904 = arith.addi %add3A_1897, %add3A_1903 : vector<16xi32>
      %shift_left3A_1905 = arith.constant 13 : i32
      %shift_left3A_1906 = vector.broadcast %shift_left3A_1905 : i32 to vector<16xi32>
      %shift_left3A_1907 = arith.shli %add3A_1903, %shift_left3A_1906 : vector<16xi32>
      %shift_right_logical3A_1908 = arith.constant 19 : i32
      %shift_right_logical3A_1909 = vector.broadcast %shift_right_logical3A_1908 : i32 to vector<16xi32>
      %shift_right_logical3A_1910 = arith.shrui %add3A_1903, %shift_right_logical3A_1909 : vector<16xi32>
      %or3A_1911 = arith.ori %shift_left3A_1907, %shift_right_logical3A_1910 : vector<16xi32>
      %xor3A_1912 = arith.xori %or3A_1911, %add3A_1904 : vector<16xi32>
      %add3A_1913 = arith.addi %add3A_1904, %xor3A_1912 : vector<16xi32>
      %shift_left3A_1914 = arith.constant 15 : i32
      %shift_left3A_1915 = vector.broadcast %shift_left3A_1914 : i32 to vector<16xi32>
      %shift_left3A_1916 = arith.shli %xor3A_1912, %shift_left3A_1915 : vector<16xi32>
      %shift_right_logical3A_1917 = arith.constant 17 : i32
      %shift_right_logical3A_1918 = vector.broadcast %shift_right_logical3A_1917 : i32 to vector<16xi32>
      %shift_right_logical3A_1919 = arith.shrui %xor3A_1912, %shift_right_logical3A_1918 : vector<16xi32>
      %or3A_1920 = arith.ori %shift_left3A_1916, %shift_right_logical3A_1919 : vector<16xi32>
      %xor3A_1921 = arith.xori %or3A_1920, %add3A_1913 : vector<16xi32>
      %add3A_1922 = arith.addi %add3A_1913, %xor3A_1921 : vector<16xi32>
      %shift_left3A_1923 = arith.constant 26 : i32
      %shift_left3A_1924 = vector.broadcast %shift_left3A_1923 : i32 to vector<16xi32>
      %shift_left3A_1925 = arith.shli %xor3A_1921, %shift_left3A_1924 : vector<16xi32>
      %shift_right_logical3A_1926 = arith.constant 6 : i32
      %shift_right_logical3A_1927 = vector.broadcast %shift_right_logical3A_1926 : i32 to vector<16xi32>
      %shift_right_logical3A_1928 = arith.shrui %xor3A_1921, %shift_right_logical3A_1927 : vector<16xi32>
      %or3A_1929 = arith.ori %shift_left3A_1925, %shift_right_logical3A_1928 : vector<16xi32>
      %xor3A_1930 = arith.xori %or3A_1929, %add3A_1922 : vector<16xi32>
      %add3A_1931 = arith.addi %add3A_1922, %xor3A_1930 : vector<16xi32>
      %shift_left3A_1932 = arith.constant 6 : i32
      %shift_left3A_1933 = vector.broadcast %shift_left3A_1932 : i32 to vector<16xi32>
      %shift_left3A_1934 = arith.shli %xor3A_1930, %shift_left3A_1933 : vector<16xi32>
      %shift_right_logical3A_1935 = arith.constant 26 : i32
      %shift_right_logical3A_1936 = vector.broadcast %shift_right_logical3A_1935 : i32 to vector<16xi32>
      %shift_right_logical3A_1937 = arith.shrui %xor3A_1930, %shift_right_logical3A_1936 : vector<16xi32>
      %or3A_1938 = arith.ori %shift_left3A_1934, %shift_right_logical3A_1937 : vector<16xi32>
      %xor3A_1939 = arith.xori %or3A_1938, %add3A_1931 : vector<16xi32>
      %add3A_1940 = arith.constant 466689008 : i32
      %add3A_1941 = vector.broadcast %add3A_1940 : i32 to vector<16xi32>
      %add3A_1942 = arith.addi %add3A_1931, %add3A_1941 : vector<16xi32>
      %add3A_1943 = arith.constant 0 : i32
      %add3A_1944 = vector.broadcast %add3A_1943 : i32 to vector<16xi32>
      %add3A_1945 = arith.addi %xor3A_1939, %add3A_1944 : vector<16xi32>
      %add3A_1946 = arith.constant 5 : i32
      %add3A_1947 = vector.broadcast %add3A_1946 : i32 to vector<16xi32>
      %add3A_1948 = arith.addi %add3A_1945, %add3A_1947 : vector<16xi32>
      %xor3A_1949 = arith.xori %add3A_1942, %add3A_1948 : vector<16xi32>
      %shift_right_logical3A_1950 = arith.constant 9 : i32
      %shift_right_logical3A_1951 = vector.broadcast %shift_right_logical3A_1950 : i32 to vector<16xi32>
      %shift_right_logical3A_1952 = arith.shrui %xor3A_1949, %shift_right_logical3A_1951 : vector<16xi32>
      %lt3A_1953 = arith.cmpi ult, %shift_right_logical3A_1952, %get3A_16 : vector<16xi32>
      %jit3A_1954 = arith.constant 1.000000e+00 : f32
      %jit3A_1955 = arith.constant 0.000000e+00 : f32
      %broadcast_in_dim3A_1956 = vector.broadcast %jit3A_1954 : f32 to vector<16xf32>
      %broadcast_in_dim3A_1957 = vector.broadcast %jit3A_1955 : f32 to vector<16xf32>
      %select_n3A_1958 = arith.select %lt3A_1953, %broadcast_in_dim3A_1956, %broadcast_in_dim3A_1957 : vector<16xi1>, vector<16xf32>
      %add3A_1959 = arith.constant 112 : i32
      %add3A_1960 = arith.addi %mul3A_21, %add3A_1959 : i32
      %swap3A_1961 = arith.index_cast %add3A_1960 : i32 to index
      %swap3A_1962 = tpu.vector_load %arg5[%swap3A_1961] {strides = array<i32>} : memref<32768xf32, #tpu.memory_space<vmem>>, vector<16xf32>,
      %swap3A_1963 = vector.shape_cast %swap3A_1962 : vector<16xf32> to vector<16xf32>
      %swap3A_1964 = vector.shape_cast %select_n3A_1958 : vector<16xf32> to vector<16xf32>
      tpu.vector_store %arg5[%swap3A_1961], %swap3A_1964 {strides = array<i32>} : memref<32768xf32, #tpu.memory_space<vmem>>, vector<16xf32>,
    }
    %scan3A_9 = arith.constant 256 : i32
    %mul3A_10 = arith.constant 128 : i32
    %mul3A_11 = arith.muli %mul3A_2, %mul3A_10 : i32
    "tpu.region"() ({
      %run_scoped3A = tpu.sem_alloc : memref<!tpu.dma_semaphore, #tpu.memory_space<semaphore_mem>>
      %dma_start3A = tpu.memref_slice %arg3[%mul3A_11] : memref<1048576xf32, #tpu.memory_space<hbm>> -> memref<32768xf32, #tpu.memory_space<hbm>>
      %dma_start3A_12 = tpu.memref_slice %arg3[%mul3A_11] : memref<1048576xf32, #tpu.memory_space<hbm>> -> memref<32768xf32, #tpu.memory_space<hbm>>
      tpu.enqueue_dma source(%arg5 : memref<32768xf32, #tpu.memory_space<vmem>>) target(%dma_start3A_12 : memref<32768xf32, #tpu.memory_space<hbm>>) target_semaphore(%run_scoped3A : memref<!tpu.dma_semaphore, #tpu.memory_space<semaphore_mem>>)
      %dma_wait3A = tpu.memref_slice %arg3[%mul3A_11] : memref<1048576xf32, #tpu.memory_space<hbm>> -> memref<32768xf32, #tpu.memory_space<hbm>>
      %dma_wait3A_13 = tpu.memref_slice %arg3[%mul3A_11] : memref<1048576xf32, #tpu.memory_space<hbm>> -> memref<32768xf32, #tpu.memory_space<hbm>>
      tpu.wait_dma2 semaphore(%run_scoped3A : memref<!tpu.dma_semaphore, #tpu.memory_space<semaphore_mem>>) src(%arg5 : memref<32768xf32, #tpu.memory_space<vmem>>) dst(%dma_wait3A_13 : memref<32768xf32, #tpu.memory_space<hbm>>)
      tpu.yield
    }) : () -> ()
    return
  }
}

module attributes {stable_mosaic.version = 14 : i64} {
  func.func @_tc_kernel(%arg0: i32, %arg1: memref<2048x1xi32, #tpu.memory_space<vmem>>, %arg2: memref<2048x128xf32, #tpu.memory_space<vmem>>, %arg3: memref<2048x128xi32, #tpu.memory_space<vmem>>) attributes {dimension_semantics = [#tpu.dimension_semantics<arbitrary>], iteration_bounds = array<i64: 4>, scalar_prefetch = 0 : i64, scratch_operands = 1 : i64, tpu.core_type = #tpu.core_type<tc>, window_params = [{transform_indices = @transform_0, window_bounds = array<i64: 2048, 1>}, {transform_indices = @transform_1, window_bounds = array<i64: 2048, 128>}]} {
    %eq3A = arith.constant 0 : i32
    %eq3A_0 = arith.cmpi eq, %arg0, %eq3A : i32
    %convert_element_type3A = arith.extui %eq3A_0 : i1 to i32
    %cond3A = arith.constant 0 : i32
    %cond3A_1 = arith.cmpi ne, %convert_element_type3A, %cond3A : i32
    scf.if %cond3A_1 {
      %iota3A = tpu.iota {dimensions = array<i32: 0>} : vector<2048x128xi32>
      %iota3A_242 = tpu.iota {dimensions = array<i32: 1>} : vector<2048x128xi32>
      %mul3A_243 = arith.constant 128 : i32
      %mul3A_244 = vector.broadcast %mul3A_243 : i32 to vector<2048x128xi32>
      %mul3A_245 = arith.muli %iota3A, %mul3A_244 : vector<2048x128xi32>
      %add3A_246 = arith.addi %mul3A_245, %iota3A_242 : vector<2048x128xi32>
      %add3A_247 = arith.constant 42 : i32
      %add3A_248 = vector.broadcast %add3A_247 : i32 to vector<2048x128xi32>
      %add3A_249 = arith.addi %add3A_246, %add3A_248 : vector<2048x128xi32>
      %swap3A_250 = arith.constant 0 : index
      %swap3A_251 = arith.constant 0 : index
      %swap3A_252 = vector.load %arg3[%swap3A_250, %swap3A_251] : memref<2048x128xi32, #tpu.memory_space<vmem>>, vector<2048x128xi32>
      tpu.vector_store %arg3[%swap3A_250, %swap3A_251], %add3A_249 {strides = array<i32>} : memref<2048x128xi32, #tpu.memory_space<vmem>>, vector<2048x128xi32>,
    } else {
    }
    %mul3A = arith.constant 2048 : i32
    %mul3A_2 = arith.muli %arg0, %mul3A : i32
    %add3A = arith.constant 8192 : i32
    %add3A_3 = arith.addi %add3A, %mul3A_2 : i32
    %mul3A_4 = arith.constant 128 : i32
    %mul3A_5 = arith.muli %add3A_3, %mul3A_4 : i32
    %get3A = arith.constant 0 : index
    %get3A_6 = arith.constant 0 : index
    %get3A_7 = vector.load %arg3[%get3A, %get3A_6] : memref<2048x128xi32, #tpu.memory_space<vmem>>, vector<2048x128xi32>
    %add3A_8 = vector.broadcast %mul3A_5 : i32 to vector<2048x128xi32>
    %add3A_9 = arith.addi %add3A_8, %get3A_7 : vector<2048x128xi32>
    %shift_left3A = arith.constant 13 : i32
    %shift_left3A_10 = vector.broadcast %shift_left3A : i32 to vector<2048x128xi32>
    %shift_left3A_11 = arith.shli %add3A_9, %shift_left3A_10 : vector<2048x128xi32>
    %shift_right_logical3A = arith.constant 19 : i32
    %shift_right_logical3A_12 = vector.broadcast %shift_right_logical3A : i32 to vector<2048x128xi32>
    %shift_right_logical3A_13 = arith.shrui %add3A_9, %shift_right_logical3A_12 : vector<2048x128xi32>
    %or3A = arith.ori %shift_left3A_11, %shift_right_logical3A_13 : vector<2048x128xi32>
    %xor3A = arith.xori %or3A, %add3A_9 : vector<2048x128xi32>
    %add3A_14 = arith.addi %add3A_9, %xor3A : vector<2048x128xi32>
    %shift_left3A_15 = arith.constant 15 : i32
    %shift_left3A_16 = vector.broadcast %shift_left3A_15 : i32 to vector<2048x128xi32>
    %shift_left3A_17 = arith.shli %xor3A, %shift_left3A_16 : vector<2048x128xi32>
    %shift_right_logical3A_18 = arith.constant 17 : i32
    %shift_right_logical3A_19 = vector.broadcast %shift_right_logical3A_18 : i32 to vector<2048x128xi32>
    %shift_right_logical3A_20 = arith.shrui %xor3A, %shift_right_logical3A_19 : vector<2048x128xi32>
    %or3A_21 = arith.ori %shift_left3A_17, %shift_right_logical3A_20 : vector<2048x128xi32>
    %xor3A_22 = arith.xori %or3A_21, %add3A_14 : vector<2048x128xi32>
    %add3A_23 = arith.addi %add3A_14, %xor3A_22 : vector<2048x128xi32>
    %shift_left3A_24 = arith.constant 26 : i32
    %shift_left3A_25 = vector.broadcast %shift_left3A_24 : i32 to vector<2048x128xi32>
    %shift_left3A_26 = arith.shli %xor3A_22, %shift_left3A_25 : vector<2048x128xi32>
    %shift_right_logical3A_27 = arith.constant 6 : i32
    %shift_right_logical3A_28 = vector.broadcast %shift_right_logical3A_27 : i32 to vector<2048x128xi32>
    %shift_right_logical3A_29 = arith.shrui %xor3A_22, %shift_right_logical3A_28 : vector<2048x128xi32>
    %or3A_30 = arith.ori %shift_left3A_26, %shift_right_logical3A_29 : vector<2048x128xi32>
    %xor3A_31 = arith.xori %or3A_30, %add3A_23 : vector<2048x128xi32>
    %add3A_32 = arith.addi %add3A_23, %xor3A_31 : vector<2048x128xi32>
    %shift_left3A_33 = arith.constant 6 : i32
    %shift_left3A_34 = vector.broadcast %shift_left3A_33 : i32 to vector<2048x128xi32>
    %shift_left3A_35 = arith.shli %xor3A_31, %shift_left3A_34 : vector<2048x128xi32>
    %shift_right_logical3A_36 = arith.constant 26 : i32
    %shift_right_logical3A_37 = vector.broadcast %shift_right_logical3A_36 : i32 to vector<2048x128xi32>
    %shift_right_logical3A_38 = arith.shrui %xor3A_31, %shift_right_logical3A_37 : vector<2048x128xi32>
    %or3A_39 = arith.ori %shift_left3A_35, %shift_right_logical3A_38 : vector<2048x128xi32>
    %xor3A_40 = arith.xori %or3A_39, %add3A_32 : vector<2048x128xi32>
    %add3A_41 = arith.constant 42 : i32
    %add3A_42 = vector.broadcast %add3A_41 : i32 to vector<2048x128xi32>
    %add3A_43 = arith.addi %add3A_32, %add3A_42 : vector<2048x128xi32>
    %add3A_44 = arith.constant 466689008 : i32
    %add3A_45 = vector.broadcast %add3A_44 : i32 to vector<2048x128xi32>
    %add3A_46 = arith.addi %xor3A_40, %add3A_45 : vector<2048x128xi32>
    %add3A_47 = arith.constant 1 : i32
    %add3A_48 = vector.broadcast %add3A_47 : i32 to vector<2048x128xi32>
    %add3A_49 = arith.addi %add3A_46, %add3A_48 : vector<2048x128xi32>
    %add3A_50 = arith.addi %add3A_43, %add3A_49 : vector<2048x128xi32>
    %shift_left3A_51 = arith.constant 17 : i32
    %shift_left3A_52 = vector.broadcast %shift_left3A_51 : i32 to vector<2048x128xi32>
    %shift_left3A_53 = arith.shli %add3A_49, %shift_left3A_52 : vector<2048x128xi32>
    %shift_right_logical3A_54 = arith.constant 15 : i32
    %shift_right_logical3A_55 = vector.broadcast %shift_right_logical3A_54 : i32 to vector<2048x128xi32>
    %shift_right_logical3A_56 = arith.shrui %add3A_49, %shift_right_logical3A_55 : vector<2048x128xi32>
    %or3A_57 = arith.ori %shift_left3A_53, %shift_right_logical3A_56 : vector<2048x128xi32>
    %xor3A_58 = arith.xori %or3A_57, %add3A_50 : vector<2048x128xi32>
    %add3A_59 = arith.addi %add3A_50, %xor3A_58 : vector<2048x128xi32>
    %shift_left3A_60 = arith.constant 29 : i32
    %shift_left3A_61 = vector.broadcast %shift_left3A_60 : i32 to vector<2048x128xi32>
    %shift_left3A_62 = arith.shli %xor3A_58, %shift_left3A_61 : vector<2048x128xi32>
    %shift_right_logical3A_63 = arith.constant 3 : i32
    %shift_right_logical3A_64 = vector.broadcast %shift_right_logical3A_63 : i32 to vector<2048x128xi32>
    %shift_right_logical3A_65 = arith.shrui %xor3A_58, %shift_right_logical3A_64 : vector<2048x128xi32>
    %or3A_66 = arith.ori %shift_left3A_62, %shift_right_logical3A_65 : vector<2048x128xi32>
    %xor3A_67 = arith.xori %or3A_66, %add3A_59 : vector<2048x128xi32>
    %add3A_68 = arith.addi %add3A_59, %xor3A_67 : vector<2048x128xi32>
    %shift_left3A_69 = arith.constant 16 : i32
    %shift_left3A_70 = vector.broadcast %shift_left3A_69 : i32 to vector<2048x128xi32>
    %shift_left3A_71 = arith.shli %xor3A_67, %shift_left3A_70 : vector<2048x128xi32>
    %shift_right_logical3A_72 = arith.constant 16 : i32
    %shift_right_logical3A_73 = vector.broadcast %shift_right_logical3A_72 : i32 to vector<2048x128xi32>
    %shift_right_logical3A_74 = arith.shrui %xor3A_67, %shift_right_logical3A_73 : vector<2048x128xi32>
    %or3A_75 = arith.ori %shift_left3A_71, %shift_right_logical3A_74 : vector<2048x128xi32>
    %xor3A_76 = arith.xori %or3A_75, %add3A_68 : vector<2048x128xi32>
    %add3A_77 = arith.addi %add3A_68, %xor3A_76 : vector<2048x128xi32>
    %shift_left3A_78 = arith.constant 24 : i32
    %shift_left3A_79 = vector.broadcast %shift_left3A_78 : i32 to vector<2048x128xi32>
    %shift_left3A_80 = arith.shli %xor3A_76, %shift_left3A_79 : vector<2048x128xi32>
    %shift_right_logical3A_81 = arith.constant 8 : i32
    %shift_right_logical3A_82 = vector.broadcast %shift_right_logical3A_81 : i32 to vector<2048x128xi32>
    %shift_right_logical3A_83 = arith.shrui %xor3A_76, %shift_right_logical3A_82 : vector<2048x128xi32>
    %or3A_84 = arith.ori %shift_left3A_80, %shift_right_logical3A_83 : vector<2048x128xi32>
    %xor3A_85 = arith.xori %or3A_84, %add3A_77 : vector<2048x128xi32>
    %add3A_86 = arith.constant 466689008 : i32
    %add3A_87 = vector.broadcast %add3A_86 : i32 to vector<2048x128xi32>
    %add3A_88 = arith.addi %add3A_77, %add3A_87 : vector<2048x128xi32>
    %add3A_89 = arith.constant 0 : i32
    %add3A_90 = vector.broadcast %add3A_89 : i32 to vector<2048x128xi32>
    %add3A_91 = arith.addi %xor3A_85, %add3A_90 : vector<2048x128xi32>
    %add3A_92 = arith.constant 2 : i32
    %add3A_93 = vector.broadcast %add3A_92 : i32 to vector<2048x128xi32>
    %add3A_94 = arith.addi %add3A_91, %add3A_93 : vector<2048x128xi32>
    %add3A_95 = arith.addi %add3A_88, %add3A_94 : vector<2048x128xi32>
    %shift_left3A_96 = arith.constant 13 : i32
    %shift_left3A_97 = vector.broadcast %shift_left3A_96 : i32 to vector<2048x128xi32>
    %shift_left3A_98 = arith.shli %add3A_94, %shift_left3A_97 : vector<2048x128xi32>
    %shift_right_logical3A_99 = arith.constant 19 : i32
    %shift_right_logical3A_100 = vector.broadcast %shift_right_logical3A_99 : i32 to vector<2048x128xi32>
    %shift_right_logical3A_101 = arith.shrui %add3A_94, %shift_right_logical3A_100 : vector<2048x128xi32>
    %or3A_102 = arith.ori %shift_left3A_98, %shift_right_logical3A_101 : vector<2048x128xi32>
    %xor3A_103 = arith.xori %or3A_102, %add3A_95 : vector<2048x128xi32>
    %add3A_104 = arith.addi %add3A_95, %xor3A_103 : vector<2048x128xi32>
    %shift_left3A_105 = arith.constant 15 : i32
    %shift_left3A_106 = vector.broadcast %shift_left3A_105 : i32 to vector<2048x128xi32>
    %shift_left3A_107 = arith.shli %xor3A_103, %shift_left3A_106 : vector<2048x128xi32>
    %shift_right_logical3A_108 = arith.constant 17 : i32
    %shift_right_logical3A_109 = vector.broadcast %shift_right_logical3A_108 : i32 to vector<2048x128xi32>
    %shift_right_logical3A_110 = arith.shrui %xor3A_103, %shift_right_logical3A_109 : vector<2048x128xi32>
    %or3A_111 = arith.ori %shift_left3A_107, %shift_right_logical3A_110 : vector<2048x128xi32>
    %xor3A_112 = arith.xori %or3A_111, %add3A_104 : vector<2048x128xi32>
    %add3A_113 = arith.addi %add3A_104, %xor3A_112 : vector<2048x128xi32>
    %shift_left3A_114 = arith.constant 26 : i32
    %shift_left3A_115 = vector.broadcast %shift_left3A_114 : i32 to vector<2048x128xi32>
    %shift_left3A_116 = arith.shli %xor3A_112, %shift_left3A_115 : vector<2048x128xi32>
    %shift_right_logical3A_117 = arith.constant 6 : i32
    %shift_right_logical3A_118 = vector.broadcast %shift_right_logical3A_117 : i32 to vector<2048x128xi32>
    %shift_right_logical3A_119 = arith.shrui %xor3A_112, %shift_right_logical3A_118 : vector<2048x128xi32>
    %or3A_120 = arith.ori %shift_left3A_116, %shift_right_logical3A_119 : vector<2048x128xi32>
    %xor3A_121 = arith.xori %or3A_120, %add3A_113 : vector<2048x128xi32>
    %add3A_122 = arith.addi %add3A_113, %xor3A_121 : vector<2048x128xi32>
    %shift_left3A_123 = arith.constant 6 : i32
    %shift_left3A_124 = vector.broadcast %shift_left3A_123 : i32 to vector<2048x128xi32>
    %shift_left3A_125 = arith.shli %xor3A_121, %shift_left3A_124 : vector<2048x128xi32>
    %shift_right_logical3A_126 = arith.constant 26 : i32
    %shift_right_logical3A_127 = vector.broadcast %shift_right_logical3A_126 : i32 to vector<2048x128xi32>
    %shift_right_logical3A_128 = arith.shrui %xor3A_121, %shift_right_logical3A_127 : vector<2048x128xi32>
    %or3A_129 = arith.ori %shift_left3A_125, %shift_right_logical3A_128 : vector<2048x128xi32>
    %xor3A_130 = arith.xori %or3A_129, %add3A_122 : vector<2048x128xi32>
    %add3A_131 = arith.constant 0 : i32
    %add3A_132 = vector.broadcast %add3A_131 : i32 to vector<2048x128xi32>
    %add3A_133 = arith.addi %add3A_122, %add3A_132 : vector<2048x128xi32>
    %add3A_134 = arith.constant 42 : i32
    %add3A_135 = vector.broadcast %add3A_134 : i32 to vector<2048x128xi32>
    %add3A_136 = arith.addi %xor3A_130, %add3A_135 : vector<2048x128xi32>
    %add3A_137 = arith.constant 3 : i32
    %add3A_138 = vector.broadcast %add3A_137 : i32 to vector<2048x128xi32>
    %add3A_139 = arith.addi %add3A_136, %add3A_138 : vector<2048x128xi32>
    %add3A_140 = arith.addi %add3A_133, %add3A_139 : vector<2048x128xi32>
    %shift_left3A_141 = arith.constant 17 : i32
    %shift_left3A_142 = vector.broadcast %shift_left3A_141 : i32 to vector<2048x128xi32>
    %shift_left3A_143 = arith.shli %add3A_139, %shift_left3A_142 : vector<2048x128xi32>
    %shift_right_logical3A_144 = arith.constant 15 : i32
    %shift_right_logical3A_145 = vector.broadcast %shift_right_logical3A_144 : i32 to vector<2048x128xi32>
    %shift_right_logical3A_146 = arith.shrui %add3A_139, %shift_right_logical3A_145 : vector<2048x128xi32>
    %or3A_147 = arith.ori %shift_left3A_143, %shift_right_logical3A_146 : vector<2048x128xi32>
    %xor3A_148 = arith.xori %or3A_147, %add3A_140 : vector<2048x128xi32>
    %add3A_149 = arith.addi %add3A_140, %xor3A_148 : vector<2048x128xi32>
    %shift_left3A_150 = arith.constant 29 : i32
    %shift_left3A_151 = vector.broadcast %shift_left3A_150 : i32 to vector<2048x128xi32>
    %shift_left3A_152 = arith.shli %xor3A_148, %shift_left3A_151 : vector<2048x128xi32>
    %shift_right_logical3A_153 = arith.constant 3 : i32
    %shift_right_logical3A_154 = vector.broadcast %shift_right_logical3A_153 : i32 to vector<2048x128xi32>
    %shift_right_logical3A_155 = arith.shrui %xor3A_148, %shift_right_logical3A_154 : vector<2048x128xi32>
    %or3A_156 = arith.ori %shift_left3A_152, %shift_right_logical3A_155 : vector<2048x128xi32>
    %xor3A_157 = arith.xori %or3A_156, %add3A_149 : vector<2048x128xi32>
    %add3A_158 = arith.addi %add3A_149, %xor3A_157 : vector<2048x128xi32>
    %shift_left3A_159 = arith.constant 16 : i32
    %shift_left3A_160 = vector.broadcast %shift_left3A_159 : i32 to vector<2048x128xi32>
    %shift_left3A_161 = arith.shli %xor3A_157, %shift_left3A_160 : vector<2048x128xi32>
    %shift_right_logical3A_162 = arith.constant 16 : i32
    %shift_right_logical3A_163 = vector.broadcast %shift_right_logical3A_162 : i32 to vector<2048x128xi32>
    %shift_right_logical3A_164 = arith.shrui %xor3A_157, %shift_right_logical3A_163 : vector<2048x128xi32>
    %or3A_165 = arith.ori %shift_left3A_161, %shift_right_logical3A_164 : vector<2048x128xi32>
    %xor3A_166 = arith.xori %or3A_165, %add3A_158 : vector<2048x128xi32>
    %add3A_167 = arith.addi %add3A_158, %xor3A_166 : vector<2048x128xi32>
    %shift_left3A_168 = arith.constant 24 : i32
    %shift_left3A_169 = vector.broadcast %shift_left3A_168 : i32 to vector<2048x128xi32>
    %shift_left3A_170 = arith.shli %xor3A_166, %shift_left3A_169 : vector<2048x128xi32>
    %shift_right_logical3A_171 = arith.constant 8 : i32
    %shift_right_logical3A_172 = vector.broadcast %shift_right_logical3A_171 : i32 to vector<2048x128xi32>
    %shift_right_logical3A_173 = arith.shrui %xor3A_166, %shift_right_logical3A_172 : vector<2048x128xi32>
    %or3A_174 = arith.ori %shift_left3A_170, %shift_right_logical3A_173 : vector<2048x128xi32>
    %xor3A_175 = arith.xori %or3A_174, %add3A_167 : vector<2048x128xi32>
    %add3A_176 = arith.constant 42 : i32
    %add3A_177 = vector.broadcast %add3A_176 : i32 to vector<2048x128xi32>
    %add3A_178 = arith.addi %add3A_167, %add3A_177 : vector<2048x128xi32>
    %add3A_179 = arith.constant 466689008 : i32
    %add3A_180 = vector.broadcast %add3A_179 : i32 to vector<2048x128xi32>
    %add3A_181 = arith.addi %xor3A_175, %add3A_180 : vector<2048x128xi32>
    %add3A_182 = arith.constant 4 : i32
    %add3A_183 = vector.broadcast %add3A_182 : i32 to vector<2048x128xi32>
    %add3A_184 = arith.addi %add3A_181, %add3A_183 : vector<2048x128xi32>
    %add3A_185 = arith.addi %add3A_178, %add3A_184 : vector<2048x128xi32>
    %shift_left3A_186 = arith.constant 13 : i32
    %shift_left3A_187 = vector.broadcast %shift_left3A_186 : i32 to vector<2048x128xi32>
    %shift_left3A_188 = arith.shli %add3A_184, %shift_left3A_187 : vector<2048x128xi32>
    %shift_right_logical3A_189 = arith.constant 19 : i32
    %shift_right_logical3A_190 = vector.broadcast %shift_right_logical3A_189 : i32 to vector<2048x128xi32>
    %shift_right_logical3A_191 = arith.shrui %add3A_184, %shift_right_logical3A_190 : vector<2048x128xi32>
    %or3A_192 = arith.ori %shift_left3A_188, %shift_right_logical3A_191 : vector<2048x128xi32>
    %xor3A_193 = arith.xori %or3A_192, %add3A_185 : vector<2048x128xi32>
    %add3A_194 = arith.addi %add3A_185, %xor3A_193 : vector<2048x128xi32>
    %shift_left3A_195 = arith.constant 15 : i32
    %shift_left3A_196 = vector.broadcast %shift_left3A_195 : i32 to vector<2048x128xi32>
    %shift_left3A_197 = arith.shli %xor3A_193, %shift_left3A_196 : vector<2048x128xi32>
    %shift_right_logical3A_198 = arith.constant 17 : i32
    %shift_right_logical3A_199 = vector.broadcast %shift_right_logical3A_198 : i32 to vector<2048x128xi32>
    %shift_right_logical3A_200 = arith.shrui %xor3A_193, %shift_right_logical3A_199 : vector<2048x128xi32>
    %or3A_201 = arith.ori %shift_left3A_197, %shift_right_logical3A_200 : vector<2048x128xi32>
    %xor3A_202 = arith.xori %or3A_201, %add3A_194 : vector<2048x128xi32>
    %add3A_203 = arith.addi %add3A_194, %xor3A_202 : vector<2048x128xi32>
    %shift_left3A_204 = arith.constant 26 : i32
    %shift_left3A_205 = vector.broadcast %shift_left3A_204 : i32 to vector<2048x128xi32>
    %shift_left3A_206 = arith.shli %xor3A_202, %shift_left3A_205 : vector<2048x128xi32>
    %shift_right_logical3A_207 = arith.constant 6 : i32
    %shift_right_logical3A_208 = vector.broadcast %shift_right_logical3A_207 : i32 to vector<2048x128xi32>
    %shift_right_logical3A_209 = arith.shrui %xor3A_202, %shift_right_logical3A_208 : vector<2048x128xi32>
    %or3A_210 = arith.ori %shift_left3A_206, %shift_right_logical3A_209 : vector<2048x128xi32>
    %xor3A_211 = arith.xori %or3A_210, %add3A_203 : vector<2048x128xi32>
    %add3A_212 = arith.addi %add3A_203, %xor3A_211 : vector<2048x128xi32>
    %shift_left3A_213 = arith.constant 6 : i32
    %shift_left3A_214 = vector.broadcast %shift_left3A_213 : i32 to vector<2048x128xi32>
    %shift_left3A_215 = arith.shli %xor3A_211, %shift_left3A_214 : vector<2048x128xi32>
    %shift_right_logical3A_216 = arith.constant 26 : i32
    %shift_right_logical3A_217 = vector.broadcast %shift_right_logical3A_216 : i32 to vector<2048x128xi32>
    %shift_right_logical3A_218 = arith.shrui %xor3A_211, %shift_right_logical3A_217 : vector<2048x128xi32>
    %or3A_219 = arith.ori %shift_left3A_215, %shift_right_logical3A_218 : vector<2048x128xi32>
    %xor3A_220 = arith.xori %or3A_219, %add3A_212 : vector<2048x128xi32>
    %add3A_221 = arith.constant 466689008 : i32
    %add3A_222 = vector.broadcast %add3A_221 : i32 to vector<2048x128xi32>
    %add3A_223 = arith.addi %add3A_212, %add3A_222 : vector<2048x128xi32>
    %add3A_224 = arith.constant 0 : i32
    %add3A_225 = vector.broadcast %add3A_224 : i32 to vector<2048x128xi32>
    %add3A_226 = arith.addi %xor3A_220, %add3A_225 : vector<2048x128xi32>
    %add3A_227 = arith.constant 5 : i32
    %add3A_228 = vector.broadcast %add3A_227 : i32 to vector<2048x128xi32>
    %add3A_229 = arith.addi %add3A_226, %add3A_228 : vector<2048x128xi32>
    %xor3A_230 = arith.xori %add3A_223, %add3A_229 : vector<2048x128xi32>
    %shift_right_logical3A_231 = arith.constant 9 : i32
    %shift_right_logical3A_232 = vector.broadcast %shift_right_logical3A_231 : i32 to vector<2048x128xi32>
    %shift_right_logical3A_233 = arith.shrui %xor3A_230, %shift_right_logical3A_232 : vector<2048x128xi32>
    %get3A_234 = arith.constant 0 : index
    %get3A_235 = arith.constant 0 : index
    %get3A_236 = vector.load %arg1[%get3A_234, %get3A_235] : memref<2048x1xi32, #tpu.memory_space<vmem>>, vector<2048x1xi32>
    %lt3A = vector.broadcast %get3A_236 : vector<2048x1xi32> to vector<2048x128xi32>
    %lt3A_237 = arith.cmpi ult, %shift_right_logical3A_233, %lt3A : vector<2048x128xi32>
    %jit3A = arith.constant 1.000000e+00 : f32
    %jit3A_238 = arith.constant 0.000000e+00 : f32
    %broadcast_in_dim3A = vector.broadcast %jit3A : f32 to vector<2048x128xf32>
    %broadcast_in_dim3A_239 = vector.broadcast %jit3A_238 : f32 to vector<2048x128xf32>
    %select_n3A = arith.select %lt3A_237, %broadcast_in_dim3A, %broadcast_in_dim3A_239 : vector<2048x128xi1>, vector<2048x128xf32>
    %swap3A = arith.constant 0 : index
    %swap3A_240 = arith.constant 0 : index
    %swap3A_241 = vector.load %arg2[%swap3A, %swap3A_240] : memref<2048x128xf32, #tpu.memory_space<vmem>>, vector<2048x128xf32>
    tpu.vector_store %arg2[%swap3A, %swap3A_240], %select_n3A {strides = array<i32>} : memref<2048x128xf32, #tpu.memory_space<vmem>>, vector<2048x128xf32>,
    return
  }
  func.func @transform_0(%arg0: i32) -> (i32, i32) {
    %c0_i32 = arith.constant 0 : i32
    %c0_i32_0 = arith.constant 0 : i32
    return %arg0, %c0_i32 : i32, i32
  }
  func.func @transform_1(%arg0: i32) -> (i32, i32) {
    %c0_i32 = arith.constant 0 : i32
    %c0_i32_0 = arith.constant 0 : i32
    return %arg0, %c0_i32 : i32, i32
  }
}

</mosaic_0001>

<sc_bundles>
// kernel: kernel.4.cloned.1.call-start
scs
__scs_entry_jumppad:
0x0: {  	(pc) =	sbr.rel $0x88, $3  }
0x1: {  	(tag) =	ssettag $0x0;
	lr =	simm.s32 $0x1  }
0x2: {  	[smem:$0x3FA0] =	sst lr;
	_ =	strace $0xD0000000  }
0x3: {  	_ = 	snop  }
0x4: {  	_ = 	snop  }
0x5: {  	_ = 	snop  }
0x6: {  	_ = 	snop  }
0x7: {  	_ = 	snop  }
__scs_overlays_trampoline_lowered:
0x8: {  	[smem:$0x3FAF] =	sst s0  }
0x9: {  	[smem:$0x3FB0] =	sst s1  }
0xa: {  	[smem:$0x3FB1] =	sst s2  }
0xb: {  	[smem:$0x3FB2] =	sst s3  }
0xc: {  	[smem:$0x3FB3] =	sst s4  }
0xd: {  	[smem:$0x3FB4] =	sst s5  }
0xe: {  	[smem:$0x3FB5] =	sst s6  }
0xf: {  	[smem:$0x3FB6] =	sst s7  }
0x10: {  	[smem:$0x3FB7] =	sst s8  }
0x11: {  	[smem:$0x3FB8] =	sst s9;
	s0 =	simm.s32 @!p0 $0x0  }
0x12: {  	s1 =	sld [smem:$0x3F9E];
	s0 =	simm.s32 @p0 $0x1  }
0x13: {  	[smem:$0x3FB9] =	sst s0;
	s0 =	simm.s32 @!p1 $0x0  }
0x14: {  	s2 =	sld [smem:$0x3F9D];
	s0 =	simm.s32 @p1 $0x1  }
0x15: {  	[smem:$0x3FBA] =	sst s0;
	s0 =	simm.s32 @!p2 $0x0  }
0x16: {  	s3 =	sld [smem:$0x3FDB];
	s0 =	simm.s32 @p2 $0x1  }
0x17: {  	s4 =	simm.s32 $0x1BF5;
	[smem:$0x3FBC] =	sst s0  }
0x18: {  	s0 =	sld [smem:$0x3F9F];
	_ =	swait.ge [sflag:s4], $0x0  }
0x19: {  	s7 =	sld [smem:$0x3FA0]  }
0x1a: {  	s8 =	sadd.s32 $0xFFFFE003, lr  }
0x1b: {  	s9 =	sadd.s32 $0xFFFFFEF7, lr;
	s5 =	simm.s32 $0xFFFFFFFF;
	p2 =	slt.u32 s8, $0xFFFFF086  }
0x1c: {  	p1 =	slt.u32 s9, $0xF7A;
	s5 =	simm.s32 @!p2 $0x0  }
0x1d: {  	s5 =	simm.s32 @p1 $0x1;
	p0 =	seq.s32 s7, s2  }
0x1e: {  	s7 =	smul.u32 @!p0 $0xF7A, s2;
	p2 =	seq.s32 @!p0 s5, $0x0  }
0x1f: {  	s9 =	smul.u32 $0xF7A, s1;
	s8 =	simm.s32 @!p0 $0x1BF5;
	p2 =	por !p2, p0  }
0x20: {  	[sflag:s8] =	ssyncset.s32 @!p0 $0xFFFFF086;
	s6 =	sadd.s32 @!p0 s3, s7;
	s7 =	simm.s32 @!p0 $0x108  }
0x21: {  	s3 =	sadd.s32 s3, s9;
	s6 =	sadd.s32 @!p0 $0x88, s6;
	s7 =	simm.s32 @p2 $0x1082  }
0x22: {  	[simem:s7], [sflag:s8] =	dma.local @!p0 [hbm:s6], $0xF7A  }
0x23: {  	s9 =	sor.u32 $0xD0000000, s2;
	s6 =	simm.s32 $0x108;
	_ =	swait.ge @!p0 [sflag:s8], $0x0  }
0x24: {  	s3 =	sadd.s32 $0x88, s3;
	s6 =	simm.s32 @!p1 $0x1082;
	[sflag:s4] =	ssyncset.s32 $0xFFFFF086  }
0x25: {  	[simem:s6], [sflag:s4] =	dma.local [hbm:s3], $0xF7A  }
0x26: {  	[smem:$0x3FA0] =	sst s1;
	(tag) =	ssettag s2;
	_ =	strace s9  }
0x27: {  	s1 =	sld [smem:$0x3FB0]  }
0x28: {  	s2 =	sld [smem:$0x3FB1]  }
0x29: {  	s4 =	sld [smem:$0x3FB3]  }
0x2a: {  	p0 =	seq.s32 s5, $0x0;
	s5 =	sld [smem:$0x3FB4]  }
0x2b: {  	s6 =	sld [smem:$0x3FB5]  }
0x2c: {  	s7 =	sld [smem:$0x3FB6]  }
0x2d: {  	s3 =	simm.s32 $0x108;
	s8 =	sld [smem:$0x3FB7]  }
0x2e: {  	s3 =	simm.s32 @!p0 $0x1082;
	s9 =	sld [smem:$0x3FB8]  }
0x2f: {  	lr =	sadd.s32 s0, s3;
	s0 =	sld [smem:$0x3FAF]  }
0x30: {  	s3 =	sld [smem:$0x3FB2]  }
0x31: {  	[smem:$0x3FBB] =	sst s10  }
0x32: {  	s10 =	sld [smem:$0x3FB9];
	_ =	sdelay $0x3  }
0x33: {  	p0 =	seq.s32 s10, $0x1;
	s10 =	sld [smem:$0x3FBB];
	_ =	sdelay $0x3  }
0x34: {  	[smem:$0x3FBB] =	sst s10  }
0x35: {  	s10 =	sld [smem:$0x3FBA];
	_ =	sdelay $0x3  }
0x36: {  	p1 =	seq.s32 s10, $0x1;
	s10 =	sld [smem:$0x3FBB];
	_ =	sdelay $0x3  }
0x37: {  	[smem:$0x3FBB] =	sst s10  }
0x38: {  	s10 =	sld [smem:$0x3FBC]  }
0x39: {  	_ = 	snop;
	(pc) =	sbr.ind lr, $3  }
0x3a: {  	_ = 	snop  }
0x3b: {  	_ = 	snop  }
0x3c: {  	p2 =	seq.s32 s10, $0x1;
	s10 =	sld [smem:$0x3FBB]  }
0x3d: {  	_ =	shalt  }
0x3e: {  	_ =	shalt  }
0x3f: {  	_ =	shalt  }
0x40: {  	_ =	shalt  }
0x41: {  	_ =	shalt  }
0x42: {  	_ =	shalt  }
0x43: {  	_ =	shalt  }
0x44: {  	_ =	shalt  }
0x45: {  	_ =	shalt  }
0x46: {  	_ =	shalt  }
0x47: {  	_ =	shalt  }
0x48: {  	_ =	shalt  }
0x49: {  	_ =	shalt  }
0x4a: {  	_ =	shalt  }
0x4b: {  	_ =	shalt  }
0x4c: {  	_ =	shalt  }
0x4d: {  	_ =	shalt  }
0x4e: {  	_ =	shalt  }
0x4f: {  	_ =	shalt  }
0x50: {  	_ =	shalt  }
0x51: {  	_ =	shalt  }
0x52: {  	_ =	shalt  }
0x53: {  	_ =	shalt  }
0x54: {  	_ =	shalt  }
0x55: {  	_ =	shalt  }
0x56: {  	_ =	shalt  }
0x57: {  	_ =	shalt  }
0x58: {  	_ =	shalt  }
0x59: {  	_ =	shalt  }
0x5a: {  	_ =	shalt  }
0x5b: {  	_ =	shalt  }
0x5c: {  	_ =	shalt  }
0x5d: {  	_ =	shalt  }
0x5e: {  	_ =	shalt  }
0x5f: {  	_ =	shalt  }
0x60: {  	_ =	shalt  }
0x61: {  	_ =	shalt  }
0x62: {  	_ =	shalt  }
0x63: {  	_ =	shalt  }
0x64: {  	_ =	shalt  }
0x65: {  	_ =	shalt  }
0x66: {  	_ =	shalt  }
0x67: {  	_ =	shalt  }
0x68: {  	_ =	shalt  }
0x69: {  	_ =	shalt  }
0x6a: {  	_ =	shalt  }
0x6b: {  	_ =	shalt  }
0x6c: {  	_ =	shalt  }
0x6d: {  	_ =	shalt  }
0x6e: {  	_ =	shalt  }
0x6f: {  	_ =	shalt  }
0x70: {  	_ =	shalt  }
0x71: {  	_ =	shalt  }
0x72: {  	_ =	shalt  }
0x73: {  	_ =	shalt  }
0x74: {  	_ =	shalt  }
0x75: {  	_ =	shalt  }
0x76: {  	_ =	shalt  }
0x77: {  	_ =	shalt  }
0x78: {  	_ =	shalt  }
0x79: {  	_ =	shalt  }
0x7a: {  	_ =	shalt  }
0x7b: {  	_ =	shalt  }
0x7c: {  	_ =	shalt  }
0x7d: {  	_ =	shalt  }
0x7e: {  	_ =	shalt  }
0x7f: {  	_ =	shalt  }
0x80: {  	_ =	shalt  }
0x81: {  	_ =	shalt  }
0x82: {  	_ =	shalt  }
0x83: {  	_ =	shalt  }
0x84: {  	_ =	shalt  }
0x85: {  	_ =	shalt  }
0x86: {  	_ =	shalt  }
0x87: {  	_ =	shalt  }
.Lfunc_end0:
.L_simem_size_0:
called_computation_lowered:
.L_overlay_start_0:
0x88: {  	s2 =	sld [smem:$0x3FD9]  }
0x89: {  	s3 =	sld [smem:$0x3FFE];
	_ =	sdelay $0x1  }
0x8a: {  	s1 =	srdreg.scid  }
0x8b: {  	s0 =	sand.u32 $0x1, s1  }
0x8c: {  	s17 =	sshll.u32 s0, $0xA;
	s2 =	sadd.s32 s3, s2  }
0x8d: {  	s2 =	sadd.s32 s2, s17  }
0x8e: {  	[smem:$0x3FC7] =	sst s2  }
0x8f: {  	_ = 	snop  }
0x90: {  	s2 =	sld [smem:$0x3FD0];
	(tm) =	ssettm $0x1  }
0x91: {  	s18 =	sld [smem:$0x3FFB];
	_ =	sdelay $0x3  }
0x92: {  	_ =	strace s18  }
0x93: {  	s3 =	sld [smem:$0x3FFC];
	_ =	sdelay $0x3  }
0x94: {  	_ =	strace s3  }
0x95: {  	s3 =	sld [smem:$0x3FFD];
	_ =	sdelay $0x3  }
0x96: {  	_ =	strace s3  }
0x97: {  	_ =	strace $0x8FFFFFFF  }
0x98: {  	s19 =	sld [smem:$0x3FDB];
	_ =	sdelay $0x1  }
0x99: {  	s4 =	simm.s32 $_scs_section_size  }
0x9a: {  	s5 =	simm.s32 $_size__tile_overlayer_lowered;
	s6 =	simm.s32 $_tile_overlayer_lowered  }
0x9b: {  	s22 =	simm.s32 $0x1BFF;
	s21 =	sshll.u32 s6, $0x1;
	s3 =	sadd.s32 s4, s19  }
0x9c: {  	s7 =	simm.s32 $0x0;
	s20 =	sshll.u32 s5, $0x1;
	s5 =	sadd.s32 s21, s3  }
0x9d: {  	[timem:s7], [sflag:s22] =	dma.local [hbm:s5], s20  }
0x9e: {  	_ =	swait.ge [sflag:s22], s20  }
0x9f: {  	s4 =	ssub.s32 $0x0, s20;
	[sflag:s22] =	ssyncset.done $0x0  }
0xa0: {  	[sflag:s22] =	ssyncadd.s32 s4;
	_ =	sdelay $0x1  }
0xa1: {  	s23 =	simm.s32 $0x1B8B  }
0xa2: {  	_ =	swait.ge [sflag:s23], $0x1  }
0xa3: {  	[sflag:s23] =	ssyncset.done $0x0  }
0xa4: {  	s25 =	simm.s32 $0x1B8E;
	s24 =	sld [smem:$0x3FFE];
	[sflag:s23] =	ssyncadd.s32 $0xFFFFFFFF  }
0xa5: {  	s26 =	simm.s32 $execute0_lowered;
	[smem:$0x3FD2] =	sst s25  }
0xa6: {  	s5 =	sshll.u32 s26, $0x1;
	_ =	strace $0x80000046;
	[dreg:$0x1] =	wrdreg $0xFFFFFFFF  }
0xa7: {  	s28 =	simm.s32 $_size_execute0_lowered;
	s3 =	sadd.s32 s3, s5;
	[dreg:$0x0] =	wrdreg $0x0  }
0xa8: {  	s5 =	sshll.u32 s28, $0x1;
	[dreg:$0x2] =	wrdreg s3  }
0xa9: {  	[dreg:$0x3] =	wrdreg s5  }
0xaa: {  	[dreg:$0x4] =	wrdreg $0xC0  }
0xab: {  	_ =	task [dreg:s7], $0x5FFFF  }
0xac: {  	[dreg:$0x1] =	wrdreg $0xFFFFFFFF  }
0xad: {  	[dreg:$0x0] =	wrdreg $0x60  }
0xae: {  	[dreg:$0x2] =	wrdreg s2  }
0xaf: {  	[dreg:$0x3] =	wrdreg s24  }
0xb0: {  	[dreg:$0x4] =	wrdreg $0x9  }
0xb1: {  	_ =	task.clear_ibuf [dreg:s7], $0x5FFFF;
	_ =	strace $0x90000046  }
0xb2: {  	s29 =	simm.s32 $0x9;
	_ =	strace $0x80000048  }
0xb3: {  	_ =	swait.ge [sflag:s29], $0x1  }
0xb4: {  	[sflag:s29] =	ssyncadd.s32 $0xFFFFFFFF  }
0xb5: {  	_ =	strace $0x90000048  }
0xb6: {  	_ =	sfence  }
0xb7: {  	s30 =	sld [smem:$0x0];
	_ =	sdelay $0x2  }
0xb8: {  	s31 =	sshll.u32 s1, $0xD;
	s1 =	sshrl.u32 s1, $0x2  }
0xb9: {  	s3 =	sand.u32 $0x4000, s31;
	s1 =	sadd.s32 s1, s30  }
0xba: {  	s0 =	sor.u32 s3, s0;
	s1 =	sshll.u32 s1, $0x11  }
0xbb: {  	s0 =	sor.u32 s1, s0  }
0xbc: {  	s0 =	sadd.s32 $0x8F2B, s0  }
0xbd: {  	[sflag:s0] =	ssyncadd.remote.s32 $0x1  }
0xbe: {  	_ =	sfence.sel $0xFFFF  }
0xbf: {  	[dreg:$0x0] =	wrdreg $0xFFFFFFFF;
	(pc) =	sbr.abs _section_cstart, $3  }
0xc0: {  	[dreg:$0x1] =	wrdreg $0xFFFFFFFF  }
0xc1: {  	_ =	task.clear_ibuf [dreg:s7], $0x2FFFF;
	_ =	strace $0x9FFFFFFF  }
0xc2: {  	(tm) =	ssettm $0x7FFFFFFF  }
0xc3: {  	_ =	shalt  }
tec
execute0_lowered:
.L_overlay_start_1:
0x0: {  	(tag) =	ssettag $0x1  }
0x1: {  	s3 =	rddreg [dreg:$0x0]  }
0x2: {  	s4 =	rddreg [dreg:$0x1]  }
0x3: {  	s1 =	srdreg.scid;
	s0 =	rddreg [dreg:$0x2];
	s2 =	simm.s32 $0x0  }
0x4: {  	s5 =	sand.u32 $0x1, s1;
	s1 =	stileid.u32;
	[smem:$0x7FF] =	sst s2  }
0x5: {  	s6 =	sshll.u32 s5, $0x4;
	s7 =	ssub.s32 $0x2, s5;
	_ =	strace $0x80000047  }
0x6: {  	s30 =	sshll.u32 s5, $0x13;
	s6 =	sor.u32 s1, s6;
	s9 =	sshrl.u32 s7, $0x1  }
0x7: {  	s31 =	sshll.u32 s1, $0xF;
	s8 =	sshll.u32 s6, $0xC;
	s7 =	ssub.s32 s7, s9  }
0x8: {  	s6 =	sshll.u32 s6, $0x9;
	s9 =	simm.s32 $0x0;
	s4 =	sadd.s32 s8, s4  }
0x9: {  	s3 =	sadd.s32 s3, s6;
	s5 =	smax.u32 s7, $0x1;
	s6 =	sor.u32 s31, s30  }
0xa: {  	v0 =	vlaneseq.u32;
	v1 =	vimm.f32 $0.0e+00;
	s7 =	simm.s32 $0x1;
	s8 =	simm.s32 $0x1000;
	s4 =	sadd.s32 $0x600, s4  }
.LBB2_1:
0xb: {  	s10 =	sadd.s32 $0x0, s6  }
0xc: {  	s11 =	sadd.s32 $0x2A, s10  }
0xd: {  	s12 =	sadd.s32 $0x3A, s10;
	s13 =	sadd.s32 $0x4A, s10;
	s19 =	sadd.s32 $0x5A, s10;
	v2 =	vadd.s32 s11, v0  }
0xe: {  	s20 =	sadd.s32 $0x6A, s10;
	s21 =	sadd.s32 $0x7A, s10;
	s22 =	sadd.s32 $0x8A, s10;
	v3 =	vadd.s32 s12, v0;
	v4 =	vadd.s32 s13, v0;
	v5 =	vadd.s32 s19, v0  }
0xf: {  	s10 =	sadd.s32 $0x9A, s10;
	v6 =	vadd.s32 s20, v0;
	v7 =	vadd.s32 s21, v0;
	v9 =	vadd.s32 s22, v0  }
0x10: {  	v10 =	vadd.s32 s10, v0;
	v8 =	vshrl.u32 v2, $0x13;
	v11 =	vshll.u32 v2, $0xD  }
0x11: {  	v12 =	vshrl.u32 v3, $0x13;
	v13 =	vshll.u32 v3, $0xD;
	v14 =	vshrl.u32 v4, $0x13  }
0x12: {  	v15 =	vshll.u32 v4, $0xD;
	v16 =	vshrl.u32 v5, $0x13;
	v17 =	vshll.u32 v5, $0xD  }
0x13: {  	v18 =	vshrl.u32 v6, $0x13;
	v19 =	vshll.u32 v6, $0xD;
	v20 =	vshrl.u32 v7, $0x13  }
0x14: {  	v21 =	vshll.u32 v7, $0xD;
	v22 =	vshrl.u32 v9, $0x13;
	v23 =	vshll.u32 v9, $0xD  }
0x15: {  	v24 =	vshrl.u32 v10, $0x13;
	v25 =	vshll.u32 v10, $0xD;
	v8 =	vor.u32 v8, v11  }
0x16: {  	v11 =	vor.u32 v12, v13;
	v12 =	vor.u32 v14, v15;
	v13 =	vor.u32 v16, v17  }
0x17: {  	v14 =	vor.u32 v18, v19;
	v15 =	vor.u32 v20, v21;
	v16 =	vor.u32 v22, v23  }
0x18: {  	v17 =	vor.u32 v24, v25;
	v8 =	vxor.u32 v2, v8;
	v11 =	vxor.u32 v3, v11  }
0x19: {  	v12 =	vxor.u32 v4, v12;
	v13 =	vxor.u32 v5, v13;
	v14 =	vxor.u32 v6, v14  }
0x1a: {  	v15 =	vxor.u32 v7, v15;
	v16 =	vxor.u32 v9, v16;
	v17 =	vxor.u32 v10, v17  }
0x1b: {  	v2 =	vadd.s32 v2, v8;
	v3 =	vadd.s32 v3, v11;
	v4 =	vadd.s32 v4, v12  }
0x1c: {  	v5 =	vadd.s32 v5, v13;
	v6 =	vadd.s32 v6, v14;
	v7 =	vadd.s32 v7, v15  }
0x1d: {  	v9 =	vadd.s32 v9, v16;
	v10 =	vadd.s32 v10, v17;
	v18 =	vshrl.u32 v8, $0x11  }
0x1e: {  	v8 =	vshll.u32 v8, $0xF;
	v19 =	vshrl.u32 v11, $0x11;
	v11 =	vshll.u32 v11, $0xF  }
0x1f: {  	v60 =	vshrl.u32 v12, $0x11;
	v12 =	vshll.u32 v12, $0xF;
	v61 =	vshrl.u32 v13, $0x11  }
0x20: {  	v13 =	vshll.u32 v13, $0xF;
	v62 =	vshrl.u32 v14, $0x11;
	v14 =	vshll.u32 v14, $0xF  }
0x21: {  	v63 =	vshrl.u32 v15, $0x11;
	v15 =	vshll.u32 v15, $0xF;
	v28 =	vshrl.u32 v16, $0x11  }
0x22: {  	v16 =	vshll.u32 v16, $0xF;
	v29 =	vshrl.u32 v17, $0x11;
	v17 =	vshll.u32 v17, $0xF  }
0x23: {  	v8 =	vor.u32 v18, v8;
	v11 =	vor.u32 v19, v11;
	v12 =	vor.u32 v60, v12  }
0x24: {  	v13 =	vor.u32 v61, v13;
	v14 =	vor.u32 v62, v14;
	v15 =	vor.u32 v63, v15  }
0x25: {  	v16 =	vor.u32 v28, v16;
	v17 =	vor.u32 v29, v17;
	v8 =	vxor.u32 v2, v8  }
0x26: {  	v11 =	vxor.u32 v3, v11;
	v12 =	vxor.u32 v4, v12;
	v13 =	vxor.u32 v5, v13  }
0x27: {  	v14 =	vxor.u32 v6, v14;
	v15 =	vxor.u32 v7, v15;
	v16 =	vxor.u32 v9, v16  }
0x28: {  	v17 =	vxor.u32 v10, v17;
	v2 =	vadd.s32 v2, v8;
	v3 =	vadd.s32 v3, v11  }
0x29: {  	v4 =	vadd.s32 v4, v12;
	v5 =	vadd.s32 v5, v13;
	v6 =	vadd.s32 v6, v14  }
0x2a: {  	v7 =	vadd.s32 v7, v15;
	v9 =	vadd.s32 v9, v16;
	v18 =	vshrl.u32 v8, $0x6  }
0x2b: {  	v8 =	vshll.u32 v8, $0x1A;
	v10 =	vadd.s32 v10, v17;
	v19 =	vshrl.u32 v11, $0x6  }
0x2c: {  	v11 =	vshll.u32 v11, $0x1A;
	v30 =	vshrl.u32 v12, $0x6;
	v12 =	vshll.u32 v12, $0x1A  }
0x2d: {  	v31 =	vshrl.u32 v13, $0x6;
	v13 =	vshll.u32 v13, $0x1A;
	v32 =	vshrl.u32 v14, $0x6  }
0x2e: {  	v14 =	vshll.u32 v14, $0x1A;
	v33 =	vshrl.u32 v15, $0x6;
	v15 =	vshll.u32 v15, $0x1A  }
0x2f: {  	v34 =	vshrl.u32 v16, $0x6;
	v16 =	vshll.u32 v16, $0x1A;
	v8 =	vor.u32 v18, v8  }
0x30: {  	v18 =	vshrl.u32 v17, $0x6;
	v17 =	vshll.u32 v17, $0x1A;
	v11 =	vor.u32 v19, v11  }
0x31: {  	v12 =	vor.u32 v30, v12;
	v13 =	vor.u32 v31, v13;
	v14 =	vor.u32 v32, v14  }
0x32: {  	v15 =	vor.u32 v33, v15;
	v16 =	vor.u32 v34, v16;
	v8 =	vxor.u32 v2, v8  }
0x33: {  	v11 =	vxor.u32 v3, v11;
	v17 =	vor.u32 v18, v17;
	v12 =	vxor.u32 v4, v12  }
0x34: {  	v13 =	vxor.u32 v5, v13;
	v14 =	vxor.u32 v6, v14;
	v15 =	vxor.u32 v7, v15  }
0x35: {  	v16 =	vxor.u32 v9, v16;
	v17 =	vxor.u32 v10, v17;
	v2 =	vadd.s32 v2, v8  }
0x36: {  	v3 =	vadd.s32 v3, v11;
	v4 =	vadd.s32 v4, v12;
	v5 =	vadd.s32 v5, v13  }
0x37: {  	v6 =	vadd.s32 v6, v14;
	v7 =	vadd.s32 v7, v15;
	v18 =	vshrl.u32 v8, $0x1A  }
0x38: {  	v9 =	vadd.s32 v9, v16;
	v8 =	vshll.u32 v8, $0x6;
	v19 =	vshrl.u32 v11, $0x1A  }
0x39: {  	v11 =	vshll.u32 v11, $0x6;
	v35 =	vshrl.u32 v12, $0x1A;
	v12 =	vshll.u32 v12, $0x6  }
0x3a: {  	v36 =	vshrl.u32 v13, $0x1A;
	v13 =	vshll.u32 v13, $0x6;
	v37 =	vshrl.u32 v14, $0x1A  }
0x3b: {  	v14 =	vshll.u32 v14, $0x6;
	v38 =	vshrl.u32 v15, $0x1A;
	v15 =	vshll.u32 v15, $0x6  }
0x3c: {  	v39 =	vshrl.u32 v16, $0x1A;
	v16 =	vshll.u32 v16, $0x6;
	v10 =	vadd.s32 v10, v17  }
0x3d: {  	v40 =	vshrl.u32 v17, $0x1A;
	v17 =	vshll.u32 v17, $0x6;
	v8 =	vor.u32 v18, v8  }
0x3e: {  	v11 =	vor.u32 v19, v11;
	v12 =	vor.u32 v35, v12;
	v13 =	vor.u32 v36, v13  }
0x3f: {  	v14 =	vor.u32 v37, v14;
	v15 =	vor.u32 v38, v15;
	v16 =	vor.u32 v39, v16  }
0x40: {  	v8 =	vxor.u32 v2, v8;
	v17 =	vor.u32 v40, v17;
	v11 =	vxor.u32 v3, v11  }
0x41: {  	v12 =	vxor.u32 v4, v12;
	v13 =	vxor.u32 v5, v13;
	v14 =	vxor.u32 v6, v14  }
0x42: {  	v15 =	vxor.u32 v7, v15;
	v16 =	vxor.u32 v9, v16;
	v8 =	vadd.s32 $0x1BD11BF1, v8  }
0x43: {  	v11 =	vadd.s32 $0x1BD11BF1, v11;
	v17 =	vxor.u32 v10, v17;
	v12 =	vadd.s32 $0x1BD11BF1, v12  }
0x44: {  	v13 =	vadd.s32 $0x1BD11BF1, v13;
	v14 =	vadd.s32 $0x1BD11BF1, v14;
	v15 =	vadd.s32 $0x1BD11BF1, v15  }
0x45: {  	v16 =	vadd.s32 $0x1BD11BF1, v16;
	v17 =	vadd.s32 $0x1BD11BF1, v17;
	v2 =	vadd.s32 v8, v2  }
0x46: {  	v18 =	vshrl.u32 v8, $0xF;
	v8 =	vshll.u32 v8, $0x11;
	v3 =	vadd.s32 v11, v3  }
0x47: {  	v19 =	vshrl.u32 v11, $0xF;
	v11 =	vshll.u32 v11, $0x11;
	v4 =	vadd.s32 v12, v4  }
0x48: {  	v41 =	vshrl.u32 v12, $0xF;
	v12 =	vshll.u32 v12, $0x11;
	v5 =	vadd.s32 v13, v5  }
0x49: {  	v42 =	vshrl.u32 v13, $0xF;
	v13 =	vshll.u32 v13, $0x11;
	v6 =	vadd.s32 v14, v6  }
0x4a: {  	v43 =	vshrl.u32 v14, $0xF;
	v14 =	vshll.u32 v14, $0x11;
	v7 =	vadd.s32 v15, v7  }
0x4b: {  	v44 =	vshrl.u32 v15, $0xF;
	v15 =	vshll.u32 v15, $0x11;
	v9 =	vadd.s32 v16, v9  }
0x4c: {  	v45 =	vshrl.u32 v16, $0xF;
	v16 =	vshll.u32 v16, $0x11;
	v10 =	vadd.s32 v17, v10  }
0x4d: {  	v46 =	vshrl.u32 v17, $0xF;
	v17 =	vshll.u32 v17, $0x11;
	v2 =	vadd.s32 $0x2A, v2  }
0x4e: {  	v8 =	vor.u32 v18, v8;
	v3 =	vadd.s32 $0x2A, v3;
	v11 =	vor.u32 v19, v11  }
0x4f: {  	v4 =	vadd.s32 $0x2A, v4;
	v12 =	vor.u32 v41, v12;
	v5 =	vadd.s32 $0x2A, v5  }
0x50: {  	v13 =	vor.u32 v42, v13;
	v6 =	vadd.s32 $0x2A, v6;
	v14 =	vor.u32 v43, v14  }
0x51: {  	v7 =	vadd.s32 $0x2A, v7;
	v15 =	vor.u32 v44, v15;
	v9 =	vadd.s32 $0x2A, v9  }
0x52: {  	v16 =	vor.u32 v45, v16;
	v10 =	vadd.s32 $0x2A, v10;
	v8 =	vxor.u32 v2, v8  }
0x53: {  	v11 =	vxor.u32 v3, v11;
	v17 =	vor.u32 v46, v17;
	v12 =	vxor.u32 v4, v12  }
0x54: {  	v13 =	vxor.u32 v5, v13;
	v14 =	vxor.u32 v6, v14;
	v15 =	vxor.u32 v7, v15  }
0x55: {  	v16 =	vxor.u32 v9, v16;
	v17 =	vxor.u32 v10, v17;
	v2 =	vadd.s32 v2, v8  }
0x56: {  	v3 =	vadd.s32 v3, v11;
	v4 =	vadd.s32 v4, v12;
	v5 =	vadd.s32 v5, v13  }
0x57: {  	v6 =	vadd.s32 v6, v14;
	v7 =	vadd.s32 v7, v15;
	v18 =	vshrl.u32 v8, $0x3  }
0x58: {  	v9 =	vadd.s32 v9, v16;
	v8 =	vshll.u32 v8, $0x1D;
	v19 =	vshrl.u32 v11, $0x3  }
0x59: {  	v11 =	vshll.u32 v11, $0x1D;
	v47 =	vshrl.u32 v12, $0x3;
	v12 =	vshll.u32 v12, $0x1D  }
0x5a: {  	v48 =	vshrl.u32 v13, $0x3;
	v13 =	vshll.u32 v13, $0x1D;
	v49 =	vshrl.u32 v14, $0x3  }
0x5b: {  	v14 =	vshll.u32 v14, $0x1D;
	v50 =	vshrl.u32 v15, $0x3;
	v15 =	vshll.u32 v15, $0x1D  }
0x5c: {  	v51 =	vshrl.u32 v16, $0x3;
	v16 =	vshll.u32 v16, $0x1D;
	v10 =	vadd.s32 v10, v17  }
0x5d: {  	v52 =	vshrl.u32 v17, $0x3;
	v17 =	vshll.u32 v17, $0x1D;
	v8 =	vor.u32 v18, v8  }
0x5e: {  	v11 =	vor.u32 v19, v11;
	v12 =	vor.u32 v47, v12;
	v13 =	vor.u32 v48, v13  }
0x5f: {  	v14 =	vor.u32 v49, v14;
	v15 =	vor.u32 v50, v15;
	v16 =	vor.u32 v51, v16  }
0x60: {  	v8 =	vxor.u32 v2, v8;
	v17 =	vor.u32 v52, v17;
	v11 =	vxor.u32 v3, v11  }
0x61: {  	v12 =	vxor.u32 v4, v12;
	v13 =	vxor.u32 v5, v13;
	v14 =	vxor.u32 v6, v14  }
0x62: {  	v15 =	vxor.u32 v7, v15;
	v16 =	vxor.u32 v9, v16;
	v2 =	vadd.s32 v2, v8  }
0x63: {  	v3 =	vadd.s32 v3, v11;
	v17 =	vxor.u32 v10, v17;
	v4 =	vadd.s32 v4, v12  }
0x64: {  	v5 =	vadd.s32 v5, v13;
	v6 =	vadd.s32 v6, v14;
	v7 =	vadd.s32 v7, v15  }
0x65: {  	v9 =	vadd.s32 v9, v16;
	v18 =	vshrl.u32 v8, $0x10;
	v8 =	vshll.u32 v8, $0x10  }
0x66: {  	v19 =	vshrl.u32 v11, $0x10;
	v11 =	vshll.u32 v11, $0x10;
	v53 =	vshrl.u32 v12, $0x10  }
0x67: {  	v12 =	vshll.u32 v12, $0x10;
	v54 =	vshrl.u32 v13, $0x10;
	v13 =	vshll.u32 v13, $0x10  }
0x68: {  	v55 =	vshrl.u32 v14, $0x10;
	v14 =	vshll.u32 v14, $0x10;
	v56 =	vshrl.u32 v15, $0x10  }
0x69: {  	v15 =	vshll.u32 v15, $0x10;
	v57 =	vshrl.u32 v16, $0x10;
	v16 =	vshll.u32 v16, $0x10  }
0x6a: {  	v10 =	vadd.s32 v10, v17;
	v58 =	vshrl.u32 v17, $0x10;
	v8 =	vor.u32 v18, v8  }
0x6b: {  	v11 =	vor.u32 v19, v11;
	v17 =	vshll.u32 v17, $0x10;
	v12 =	vor.u32 v53, v12  }
0x6c: {  	v13 =	vor.u32 v54, v13;
	v14 =	vor.u32 v55, v14;
	v15 =	vor.u32 v56, v15  }
0x6d: {  	v16 =	vor.u32 v57, v16;
	v17 =	vor.u32 v58, v17;
	v8 =	vxor.u32 v2, v8  }
0x6e: {  	v11 =	vxor.u32 v3, v11;
	v12 =	vxor.u32 v4, v12;
	v13 =	vxor.u32 v5, v13  }
0x6f: {  	v14 =	vxor.u32 v6, v14;
	v15 =	vxor.u32 v7, v15;
	v16 =	vxor.u32 v9, v16  }
0x70: {  	v2 =	vadd.s32 v2, v8;
	v17 =	vxor.u32 v10, v17;
	v3 =	vadd.s32 v3, v11  }
0x71: {  	v4 =	vadd.s32 v4, v12;
	v5 =	vadd.s32 v5, v13;
	v6 =	vadd.s32 v6, v14  }
0x72: {  	v7 =	vadd.s32 v7, v15;
	v9 =	vadd.s32 v9, v16;
	v18 =	vshrl.u32 v8, $0x8  }
0x73: {  	v8 =	vshll.u32 v8, $0x18;
	v19 =	vshrl.u32 v11, $0x8;
	v11 =	vshll.u32 v11, $0x18  }
0x74: {  	v59 =	vshrl.u32 v12, $0x8;
	v12 =	vshll.u32 v12, $0x18;
	v60 =	vshrl.u32 v13, $0x8  }
0x75: {  	v13 =	vshll.u32 v13, $0x18;
	v61 =	vshrl.u32 v14, $0x8;
	v14 =	vshll.u32 v14, $0x18  }
0x76: {  	v62 =	vshrl.u32 v15, $0x8;
	v15 =	vshll.u32 v15, $0x18;
	v63 =	vshrl.u32 v16, $0x8  }
0x77: {  	v16 =	vshll.u32 v16, $0x18;
	v10 =	vadd.s32 v10, v17;
	v8 =	vor.u32 v18, v8  }
0x78: {  	v18 =	vshrl.u32 v17, $0x8;
	v17 =	vshll.u32 v17, $0x18;
	v11 =	vor.u32 v19, v11  }
0x79: {  	v12 =	vor.u32 v59, v12;
	v13 =	vor.u32 v60, v13;
	v14 =	vor.u32 v61, v14  }
0x7a: {  	v15 =	vor.u32 v62, v15;
	v16 =	vor.u32 v63, v16;
	v8 =	vxor.u32 v2, v8  }
0x7b: {  	v11 =	vxor.u32 v3, v11;
	v17 =	vor.u32 v18, v17;
	v12 =	vxor.u32 v4, v12  }
0x7c: {  	v13 =	vxor.u32 v5, v13;
	v14 =	vxor.u32 v6, v14;
	v15 =	vxor.u32 v7, v15  }
0x7d: {  	v16 =	vxor.u32 v9, v16;
	v17 =	vxor.u32 v10, v17;
	v8 =	vadd.s32 $0x2, v8  }
0x7e: {  	v11 =	vadd.s32 $0x2, v11;
	v12 =	vadd.s32 $0x2, v12;
	v13 =	vadd.s32 $0x2, v13  }
0x7f: {  	v14 =	vadd.s32 $0x2, v14;
	v15 =	vadd.s32 $0x2, v15;
	v16 =	vadd.s32 $0x2, v16  }
0x80: {  	v2 =	vadd.s32 v8, v2;
	v17 =	vadd.s32 $0x2, v17;
	v18 =	vshrl.u32 v8, $0x13  }
0x81: {  	v8 =	vshll.u32 v8, $0xD;
	v3 =	vadd.s32 v11, v3;
	v19 =	vshrl.u32 v11, $0x13  }
0x82: {  	v11 =	vshll.u32 v11, $0xD;
	v4 =	vadd.s32 v12, v4;
	v28 =	vshrl.u32 v12, $0x13  }
0x83: {  	v12 =	vshll.u32 v12, $0xD;
	v5 =	vadd.s32 v13, v5;
	v29 =	vshrl.u32 v13, $0x13  }
0x84: {  	v13 =	vshll.u32 v13, $0xD;
	v6 =	vadd.s32 v14, v6;
	v30 =	vshrl.u32 v14, $0x13  }
0x85: {  	v14 =	vshll.u32 v14, $0xD;
	v7 =	vadd.s32 v15, v7;
	v31 =	vshrl.u32 v15, $0x13  }
0x86: {  	v15 =	vshll.u32 v15, $0xD;
	v9 =	vadd.s32 v16, v9;
	v32 =	vshrl.u32 v16, $0x13  }
0x87: {  	v16 =	vshll.u32 v16, $0xD;
	v10 =	vadd.s32 v17, v10;
	v2 =	vadd.s32 $0x1BD11BF0, v2  }
0x88: {  	v33 =	vshrl.u32 v17, $0x13;
	v17 =	vshll.u32 v17, $0xD;
	v8 =	vor.u32 v18, v8  }
0x89: {  	v3 =	vadd.s32 $0x1BD11BF0, v3;
	v11 =	vor.u32 v19, v11;
	v4 =	vadd.s32 $0x1BD11BF0, v4  }
0x8a: {  	v12 =	vor.u32 v28, v12;
	v5 =	vadd.s32 $0x1BD11BF0, v5;
	v13 =	vor.u32 v29, v13  }
0x8b: {  	v6 =	vadd.s32 $0x1BD11BF0, v6;
	v14 =	vor.u32 v30, v14;
	v7 =	vadd.s32 $0x1BD11BF0, v7  }
0x8c: {  	v15 =	vor.u32 v31, v15;
	v9 =	vadd.s32 $0x1BD11BF0, v9;
	v16 =	vor.u32 v32, v16  }
0x8d: {  	v10 =	vadd.s32 $0x1BD11BF0, v10;
	v17 =	vor.u32 v33, v17;
	v8 =	vxor.u32 v2, v8  }
0x8e: {  	v11 =	vxor.u32 v3, v11;
	v12 =	vxor.u32 v4, v12;
	v13 =	vxor.u32 v5, v13  }
0x8f: {  	v14 =	vxor.u32 v6, v14;
	v15 =	vxor.u32 v7, v15;
	v16 =	vxor.u32 v9, v16  }
0x90: {  	v2 =	vadd.s32 v2, v8;
	v17 =	vxor.u32 v10, v17;
	v3 =	vadd.s32 v3, v11  }
0x91: {  	v4 =	vadd.s32 v4, v12;
	v5 =	vadd.s32 v5, v13;
	v6 =	vadd.s32 v6, v14  }
0x92: {  	v7 =	vadd.s32 v7, v15;
	v9 =	vadd.s32 v9, v16;
	v18 =	vshrl.u32 v8, $0x11  }
0x93: {  	v8 =	vshll.u32 v8, $0xF;
	v19 =	vshrl.u32 v11, $0x11;
	v11 =	vshll.u32 v11, $0xF  }
0x94: {  	v34 =	vshrl.u32 v12, $0x11;
	v12 =	vshll.u32 v12, $0xF;
	v35 =	vshrl.u32 v13, $0x11  }
0x95: {  	v13 =	vshll.u32 v13, $0xF;
	v36 =	vshrl.u32 v14, $0x11;
	v14 =	vshll.u32 v14, $0xF  }
0x96: {  	v37 =	vshrl.u32 v15, $0x11;
	v15 =	vshll.u32 v15, $0xF;
	v38 =	vshrl.u32 v16, $0x11  }
0x97: {  	v16 =	vshll.u32 v16, $0xF;
	v10 =	vadd.s32 v10, v17;
	v8 =	vor.u32 v18, v8  }
0x98: {  	v18 =	vshrl.u32 v17, $0x11;
	v17 =	vshll.u32 v17, $0xF;
	v11 =	vor.u32 v19, v11  }
0x99: {  	v12 =	vor.u32 v34, v12;
	v13 =	vor.u32 v35, v13;
	v14 =	vor.u32 v36, v14  }
0x9a: {  	v15 =	vor.u32 v37, v15;
	v16 =	vor.u32 v38, v16;
	v8 =	vxor.u32 v2, v8  }
0x9b: {  	v11 =	vxor.u32 v3, v11;
	v17 =	vor.u32 v18, v17;
	v12 =	vxor.u32 v4, v12  }
0x9c: {  	v13 =	vxor.u32 v5, v13;
	v14 =	vxor.u32 v6, v14;
	v15 =	vxor.u32 v7, v15  }
0x9d: {  	v16 =	vxor.u32 v9, v16;
	v17 =	vxor.u32 v10, v17;
	v2 =	vadd.s32 v2, v8  }
0x9e: {  	v3 =	vadd.s32 v3, v11;
	v4 =	vadd.s32 v4, v12;
	v5 =	vadd.s32 v5, v13  }
0x9f: {  	v6 =	vadd.s32 v6, v14;
	v7 =	vadd.s32 v7, v15;
	v18 =	vshrl.u32 v8, $0x6  }
0xa0: {  	v9 =	vadd.s32 v9, v16;
	v8 =	vshll.u32 v8, $0x1A;
	v19 =	vshrl.u32 v11, $0x6  }
0xa1: {  	v11 =	vshll.u32 v11, $0x1A;
	v39 =	vshrl.u32 v12, $0x6;
	v12 =	vshll.u32 v12, $0x1A  }
0xa2: {  	v40 =	vshrl.u32 v13, $0x6;
	v13 =	vshll.u32 v13, $0x1A;
	v41 =	vshrl.u32 v14, $0x6  }
0xa3: {  	v14 =	vshll.u32 v14, $0x1A;
	v42 =	vshrl.u32 v15, $0x6;
	v15 =	vshll.u32 v15, $0x1A  }
0xa4: {  	v43 =	vshrl.u32 v16, $0x6;
	v16 =	vshll.u32 v16, $0x1A;
	v10 =	vadd.s32 v10, v17  }
0xa5: {  	v44 =	vshrl.u32 v17, $0x6;
	v17 =	vshll.u32 v17, $0x1A;
	v8 =	vor.u32 v18, v8  }
0xa6: {  	v11 =	vor.u32 v19, v11;
	v12 =	vor.u32 v39, v12;
	v13 =	vor.u32 v40, v13  }
0xa7: {  	v14 =	vor.u32 v41, v14;
	v15 =	vor.u32 v42, v15;
	v16 =	vor.u32 v43, v16  }
0xa8: {  	v8 =	vxor.u32 v2, v8;
	v17 =	vor.u32 v44, v17;
	v11 =	vxor.u32 v3, v11  }
0xa9: {  	v12 =	vxor.u32 v4, v12;
	v13 =	vxor.u32 v5, v13;
	v14 =	vxor.u32 v6, v14  }
0xaa: {  	v15 =	vxor.u32 v7, v15;
	v16 =	vxor.u32 v9, v16;
	v2 =	vadd.s32 v2, v8  }
0xab: {  	v3 =	vadd.s32 v3, v11;
	v17 =	vxor.u32 v10, v17;
	v4 =	vadd.s32 v4, v12  }
0xac: {  	v5 =	vadd.s32 v5, v13;
	v6 =	vadd.s32 v6, v14;
	v7 =	vadd.s32 v7, v15  }
0xad: {  	v9 =	vadd.s32 v9, v16;
	v18 =	vshrl.u32 v8, $0x1A;
	v8 =	vshll.u32 v8, $0x6  }
0xae: {  	v19 =	vshrl.u32 v11, $0x1A;
	v11 =	vshll.u32 v11, $0x6;
	v45 =	vshrl.u32 v12, $0x1A  }
0xaf: {  	v12 =	vshll.u32 v12, $0x6;
	v46 =	vshrl.u32 v13, $0x1A;
	v13 =	vshll.u32 v13, $0x6  }
0xb0: {  	v47 =	vshrl.u32 v14, $0x1A;
	v14 =	vshll.u32 v14, $0x6;
	v48 =	vshrl.u32 v15, $0x1A  }
0xb1: {  	v15 =	vshll.u32 v15, $0x6;
	v49 =	vshrl.u32 v16, $0x1A;
	v16 =	vshll.u32 v16, $0x6  }
0xb2: {  	v10 =	vadd.s32 v10, v17;
	v50 =	vshrl.u32 v17, $0x1A;
	v8 =	vor.u32 v18, v8  }
0xb3: {  	v11 =	vor.u32 v19, v11;
	v17 =	vshll.u32 v17, $0x6;
	v12 =	vor.u32 v45, v12  }
0xb4: {  	v13 =	vor.u32 v46, v13;
	v14 =	vor.u32 v47, v14;
	v15 =	vor.u32 v48, v15  }
0xb5: {  	v16 =	vor.u32 v49, v16;
	v17 =	vor.u32 v50, v17;
	v8 =	vxor.u32 v2, v8  }
0xb6: {  	v11 =	vxor.u32 v3, v11;
	v12 =	vxor.u32 v4, v12;
	v13 =	vxor.u32 v5, v13  }
0xb7: {  	v14 =	vxor.u32 v6, v14;
	v15 =	vxor.u32 v7, v15;
	v16 =	vxor.u32 v9, v16  }
0xb8: {  	v8 =	vadd.s32 $0x2D, v8;
	v17 =	vxor.u32 v10, v17;
	v11 =	vadd.s32 $0x2D, v11  }
0xb9: {  	v12 =	vadd.s32 $0x2D, v12;
	v13 =	vadd.s32 $0x2D, v13;
	v14 =	vadd.s32 $0x2D, v14  }
0xba: {  	v15 =	vadd.s32 $0x2D, v15;
	v16 =	vadd.s32 $0x2D, v16;
	v2 =	vadd.s32 v2, v8  }
0xbb: {  	v3 =	vadd.s32 v3, v11;
	v17 =	vadd.s32 $0x2D, v17;
	v4 =	vadd.s32 v4, v12  }
0xbc: {  	v5 =	vadd.s32 v5, v13;
	v6 =	vadd.s32 v6, v14;
	v7 =	vadd.s32 v7, v15  }
0xbd: {  	v9 =	vadd.s32 v9, v16;
	v18 =	vshrl.u32 v8, $0xF;
	v8 =	vshll.u32 v8, $0x11  }
0xbe: {  	v19 =	vshrl.u32 v11, $0xF;
	v11 =	vshll.u32 v11, $0x11;
	v51 =	vshrl.u32 v12, $0xF  }
0xbf: {  	v12 =	vshll.u32 v12, $0x11;
	v52 =	vshrl.u32 v13, $0xF;
	v13 =	vshll.u32 v13, $0x11  }
0xc0: {  	v53 =	vshrl.u32 v14, $0xF;
	v14 =	vshll.u32 v14, $0x11;
	v54 =	vshrl.u32 v15, $0xF  }
0xc1: {  	v15 =	vshll.u32 v15, $0x11;
	v55 =	vshrl.u32 v16, $0xF;
	v16 =	vshll.u32 v16, $0x11  }
0xc2: {  	v10 =	vadd.s32 v10, v17;
	v56 =	vshrl.u32 v17, $0xF;
	v8 =	vor.u32 v18, v8  }
0xc3: {  	v11 =	vor.u32 v19, v11;
	v17 =	vshll.u32 v17, $0x11;
	v12 =	vor.u32 v51, v12  }
0xc4: {  	v13 =	vor.u32 v52, v13;
	v14 =	vor.u32 v53, v14;
	v15 =	vor.u32 v54, v15  }
0xc5: {  	v16 =	vor.u32 v55, v16;
	v17 =	vor.u32 v56, v17;
	v8 =	vxor.u32 v2, v8  }
0xc6: {  	v11 =	vxor.u32 v3, v11;
	v12 =	vxor.u32 v4, v12;
	v13 =	vxor.u32 v5, v13  }
0xc7: {  	v14 =	vxor.u32 v6, v14;
	v15 =	vxor.u32 v7, v15;
	v16 =	vxor.u32 v9, v16  }
0xc8: {  	v2 =	vadd.s32 v2, v8;
	v17 =	vxor.u32 v10, v17;
	v3 =	vadd.s32 v3, v11  }
0xc9: {  	v4 =	vadd.s32 v4, v12;
	v5 =	vadd.s32 v5, v13;
	v6 =	vadd.s32 v6, v14  }
0xca: {  	v7 =	vadd.s32 v7, v15;
	v9 =	vadd.s32 v9, v16;
	v18 =	vshrl.u32 v8, $0x3  }
0xcb: {  	v8 =	vshll.u32 v8, $0x1D;
	v19 =	vshrl.u32 v11, $0x3;
	v11 =	vshll.u32 v11, $0x1D  }
0xcc: {  	v57 =	vshrl.u32 v12, $0x3;
	v12 =	vshll.u32 v12, $0x1D;
	v58 =	vshrl.u32 v13, $0x3  }
0xcd: {  	v13 =	vshll.u32 v13, $0x1D;
	v59 =	vshrl.u32 v14, $0x3;
	v14 =	vshll.u32 v14, $0x1D  }
0xce: {  	v60 =	vshrl.u32 v15, $0x3;
	v15 =	vshll.u32 v15, $0x1D;
	v61 =	vshrl.u32 v16, $0x3  }
0xcf: {  	v16 =	vshll.u32 v16, $0x1D;
	v10 =	vadd.s32 v10, v17;
	v8 =	vor.u32 v18, v8  }
0xd0: {  	v18 =	vshrl.u32 v17, $0x3;
	v17 =	vshll.u32 v17, $0x1D;
	v11 =	vor.u32 v19, v11  }
0xd1: {  	v12 =	vor.u32 v57, v12;
	v13 =	vor.u32 v58, v13;
	v14 =	vor.u32 v59, v14  }
0xd2: {  	v15 =	vor.u32 v60, v15;
	v16 =	vor.u32 v61, v16;
	v8 =	vxor.u32 v2, v8  }
0xd3: {  	v11 =	vxor.u32 v3, v11;
	v17 =	vor.u32 v18, v17;
	v12 =	vxor.u32 v4, v12  }
0xd4: {  	v13 =	vxor.u32 v5, v13;
	v14 =	vxor.u32 v6, v14;
	v15 =	vxor.u32 v7, v15  }
0xd5: {  	v16 =	vxor.u32 v9, v16;
	v17 =	vxor.u32 v10, v17;
	v2 =	vadd.s32 v2, v8  }
0xd6: {  	v3 =	vadd.s32 v3, v11;
	v4 =	vadd.s32 v4, v12;
	v5 =	vadd.s32 v5, v13  }
0xd7: {  	v6 =	vadd.s32 v6, v14;
	v7 =	vadd.s32 v7, v15;
	v18 =	vshrl.u32 v8, $0x10  }
0xd8: {  	v9 =	vadd.s32 v9, v16;
	v8 =	vshll.u32 v8, $0x10;
	v19 =	vshrl.u32 v11, $0x10  }
0xd9: {  	v11 =	vshll.u32 v11, $0x10;
	v62 =	vshrl.u32 v12, $0x10;
	v12 =	vshll.u32 v12, $0x10  }
0xda: {  	v63 =	vshrl.u32 v13, $0x10;
	v13 =	vshll.u32 v13, $0x10;
	v28 =	vshrl.u32 v14, $0x10  }
0xdb: {  	v14 =	vshll.u32 v14, $0x10;
	v29 =	vshrl.u32 v15, $0x10;
	v15 =	vshll.u32 v15, $0x10  }
0xdc: {  	v30 =	vshrl.u32 v16, $0x10;
	v16 =	vshll.u32 v16, $0x10;
	v10 =	vadd.s32 v10, v17  }
0xdd: {  	v31 =	vshrl.u32 v17, $0x10;
	v17 =	vshll.u32 v17, $0x10;
	v8 =	vor.u32 v18, v8  }
0xde: {  	v11 =	vor.u32 v19, v11;
	v12 =	vor.u32 v62, v12;
	v13 =	vor.u32 v63, v13  }
0xdf: {  	v14 =	vor.u32 v28, v14;
	v15 =	vor.u32 v29, v15;
	v16 =	vor.u32 v30, v16  }
0xe0: {  	v8 =	vxor.u32 v2, v8;
	v17 =	vor.u32 v31, v17;
	v11 =	vxor.u32 v3, v11  }
0xe1: {  	v12 =	vxor.u32 v4, v12;
	v13 =	vxor.u32 v5, v13;
	v14 =	vxor.u32 v6, v14  }
0xe2: {  	v15 =	vxor.u32 v7, v15;
	v16 =	vxor.u32 v9, v16;
	v2 =	vadd.s32 v2, v8  }
0xe3: {  	v3 =	vadd.s32 v3, v11;
	v17 =	vxor.u32 v10, v17;
	v4 =	vadd.s32 v4, v12  }
0xe4: {  	v5 =	vadd.s32 v5, v13;
	v6 =	vadd.s32 v6, v14;
	v7 =	vadd.s32 v7, v15  }
0xe5: {  	v9 =	vadd.s32 v9, v16;
	v18 =	vshrl.u32 v8, $0x8;
	v8 =	vshll.u32 v8, $0x18  }
0xe6: {  	v19 =	vshrl.u32 v11, $0x8;
	v11 =	vshll.u32 v11, $0x18;
	v32 =	vshrl.u32 v12, $0x8  }
0xe7: {  	v12 =	vshll.u32 v12, $0x18;
	v33 =	vshrl.u32 v13, $0x8;
	v13 =	vshll.u32 v13, $0x18  }
0xe8: {  	v34 =	vshrl.u32 v14, $0x8;
	v14 =	vshll.u32 v14, $0x18;
	v35 =	vshrl.u32 v15, $0x8  }
0xe9: {  	v15 =	vshll.u32 v15, $0x18;
	v36 =	vshrl.u32 v16, $0x8;
	v16 =	vshll.u32 v16, $0x18  }
0xea: {  	v10 =	vadd.s32 v10, v17;
	v37 =	vshrl.u32 v17, $0x8;
	v8 =	vor.u32 v18, v8  }
0xeb: {  	v11 =	vor.u32 v19, v11;
	v17 =	vshll.u32 v17, $0x18;
	v12 =	vor.u32 v32, v12  }
0xec: {  	v13 =	vor.u32 v33, v13;
	v14 =	vor.u32 v34, v14;
	v15 =	vor.u32 v35, v15  }
0xed: {  	v16 =	vor.u32 v36, v16;
	v17 =	vor.u32 v37, v17;
	v8 =	vxor.u32 v2, v8  }
0xee: {  	v11 =	vxor.u32 v3, v11;
	v12 =	vxor.u32 v4, v12;
	v13 =	vxor.u32 v5, v13  }
0xef: {  	v14 =	vxor.u32 v6, v14;
	v15 =	vxor.u32 v7, v15;
	v16 =	vxor.u32 v9, v16  }
0xf0: {  	v8 =	vadd.s32 $0x1BD11BF4, v8;
	v17 =	vxor.u32 v10, v17;
	v11 =	vadd.s32 $0x1BD11BF4, v11  }
0xf1: {  	v12 =	vadd.s32 $0x1BD11BF4, v12;
	v13 =	vadd.s32 $0x1BD11BF4, v13;
	v14 =	vadd.s32 $0x1BD11BF4, v14  }
0xf2: {  	v15 =	vadd.s32 $0x1BD11BF4, v15;
	v16 =	vadd.s32 $0x1BD11BF4, v16;
	v2 =	vadd.s32 v8, v2  }
0xf3: {  	v18 =	vshrl.u32 v8, $0x13;
	v17 =	vadd.s32 $0x1BD11BF4, v17;
	v8 =	vshll.u32 v8, $0xD  }
0xf4: {  	v3 =	vadd.s32 v11, v3;
	v19 =	vshrl.u32 v11, $0x13;
	v11 =	vshll.u32 v11, $0xD  }
0xf5: {  	v4 =	vadd.s32 v12, v4;
	v38 =	vshrl.u32 v12, $0x13;
	v12 =	vshll.u32 v12, $0xD  }
0xf6: {  	v5 =	vadd.s32 v13, v5;
	v39 =	vshrl.u32 v13, $0x13;
	v13 =	vshll.u32 v13, $0xD  }
0xf7: {  	v6 =	vadd.s32 v14, v6;
	v40 =	vshrl.u32 v14, $0x13;
	v14 =	vshll.u32 v14, $0xD  }
0xf8: {  	v7 =	vadd.s32 v15, v7;
	v41 =	vshrl.u32 v15, $0x13;
	v15 =	vshll.u32 v15, $0xD  }
0xf9: {  	v9 =	vadd.s32 v16, v9;
	v42 =	vshrl.u32 v16, $0x13;
	v16 =	vshll.u32 v16, $0xD  }
0xfa: {  	v10 =	vadd.s32 v17, v10;
	v43 =	vshrl.u32 v17, $0x13;
	v2 =	vadd.s32 $0x2A, v2  }
0xfb: {  	v8 =	vor.u32 v18, v8;
	v17 =	vshll.u32 v17, $0xD;
	v3 =	vadd.s32 $0x2A, v3  }
0xfc: {  	v11 =	vor.u32 v19, v11;
	v4 =	vadd.s32 $0x2A, v4;
	v12 =	vor.u32 v38, v12  }
0xfd: {  	v5 =	vadd.s32 $0x2A, v5;
	v13 =	vor.u32 v39, v13;
	v6 =	vadd.s32 $0x2A, v6  }
0xfe: {  	v14 =	vor.u32 v40, v14;
	v7 =	vadd.s32 $0x2A, v7;
	v15 =	vor.u32 v41, v15  }
0xff: {  	v9 =	vadd.s32 $0x2A, v9;
	v16 =	vor.u32 v42, v16;
	v8 =	vxor.u32 v2, v8  }
0x100: {  	v10 =	vadd.s32 $0x2A, v10;
	v17 =	vor.u32 v43, v17;
	v11 =	vxor.u32 v3, v11  }
0x101: {  	v12 =	vxor.u32 v4, v12;
	v13 =	vxor.u32 v5, v13;
	v14 =	vxor.u32 v6, v14  }
0x102: {  	v15 =	vxor.u32 v7, v15;
	v16 =	vxor.u32 v9, v16;
	v2 =	vadd.s32 v2, v8  }
0x103: {  	v3 =	vadd.s32 v3, v11;
	v17 =	vxor.u32 v10, v17;
	v4 =	vadd.s32 v4, v12  }
0x104: {  	v5 =	vadd.s32 v5, v13;
	v6 =	vadd.s32 v6, v14;
	v7 =	vadd.s32 v7, v15  }
0x105: {  	v9 =	vadd.s32 v9, v16;
	v18 =	vshrl.u32 v8, $0x11;
	v8 =	vshll.u32 v8, $0xF  }
0x106: {  	v19 =	vshrl.u32 v11, $0x11;
	v11 =	vshll.u32 v11, $0xF;
	v44 =	vshrl.u32 v12, $0x11  }
0x107: {  	v12 =	vshll.u32 v12, $0xF;
	v45 =	vshrl.u32 v13, $0x11;
	v13 =	vshll.u32 v13, $0xF  }
0x108: {  	v46 =	vshrl.u32 v14, $0x11;
	v14 =	vshll.u32 v14, $0xF;
	v47 =	vshrl.u32 v15, $0x11  }
0x109: {  	v15 =	vshll.u32 v15, $0xF;
	v48 =	vshrl.u32 v16, $0x11;
	v16 =	vshll.u32 v16, $0xF  }
0x10a: {  	v10 =	vadd.s32 v10, v17;
	v49 =	vshrl.u32 v17, $0x11;
	v8 =	vor.u32 v18, v8  }
0x10b: {  	v11 =	vor.u32 v19, v11;
	v17 =	vshll.u32 v17, $0xF;
	v12 =	vor.u32 v44, v12  }
0x10c: {  	v13 =	vor.u32 v45, v13;
	v14 =	vor.u32 v46, v14;
	v15 =	vor.u32 v47, v15  }
0x10d: {  	v16 =	vor.u32 v48, v16;
	v17 =	vor.u32 v49, v17;
	v8 =	vxor.u32 v2, v8  }
0x10e: {  	v11 =	vxor.u32 v3, v11;
	v12 =	vxor.u32 v4, v12;
	v13 =	vxor.u32 v5, v13  }
0x10f: {  	v14 =	vxor.u32 v6, v14;
	v15 =	vxor.u32 v7, v15;
	v16 =	vxor.u32 v9, v16  }
0x110: {  	v2 =	vadd.s32 v2, v8;
	v17 =	vxor.u32 v10, v17;
	v3 =	vadd.s32 v3, v11  }
0x111: {  	v4 =	vadd.s32 v4, v12;
	v5 =	vadd.s32 v5, v13;
	v6 =	vadd.s32 v6, v14  }
0x112: {  	v7 =	vadd.s32 v7, v15;
	v9 =	vadd.s32 v9, v16;
	v18 =	vshrl.u32 v8, $0x6  }
0x113: {  	v8 =	vshll.u32 v8, $0x1A;
	v19 =	vshrl.u32 v11, $0x6;
	v11 =	vshll.u32 v11, $0x1A  }
0x114: {  	v50 =	vshrl.u32 v12, $0x6;
	v12 =	vshll.u32 v12, $0x1A;
	v51 =	vshrl.u32 v13, $0x6  }
0x115: {  	v13 =	vshll.u32 v13, $0x1A;
	v52 =	vshrl.u32 v14, $0x6;
	v14 =	vshll.u32 v14, $0x1A  }
0x116: {  	v53 =	vshrl.u32 v15, $0x6;
	v15 =	vshll.u32 v15, $0x1A;
	v54 =	vshrl.u32 v16, $0x6  }
0x117: {  	v16 =	vshll.u32 v16, $0x1A;
	v10 =	vadd.s32 v10, v17;
	v8 =	vor.u32 v18, v8  }
0x118: {  	v18 =	vshrl.u32 v17, $0x6;
	v17 =	vshll.u32 v17, $0x1A;
	v11 =	vor.u32 v19, v11  }
0x119: {  	v12 =	vor.u32 v50, v12;
	v13 =	vor.u32 v51, v13;
	v14 =	vor.u32 v52, v14  }
0x11a: {  	v15 =	vor.u32 v53, v15;
	v16 =	vor.u32 v54, v16;
	v8 =	vxor.u32 v2, v8  }
0x11b: {  	v11 =	vxor.u32 v3, v11;
	v17 =	vor.u32 v18, v17;
	v12 =	vxor.u32 v4, v12  }
0x11c: {  	v13 =	vxor.u32 v5, v13;
	v14 =	vxor.u32 v6, v14;
	v15 =	vxor.u32 v7, v15  }
0x11d: {  	v16 =	vxor.u32 v9, v16;
	v17 =	vxor.u32 v10, v17;
	v2 =	vadd.s32 v2, v8  }
0x11e: {  	v3 =	vadd.s32 v3, v11;
	v4 =	vadd.s32 v4, v12;
	v5 =	vadd.s32 v5, v13  }
0x11f: {  	v6 =	vadd.s32 v6, v14;
	v7 =	vadd.s32 v7, v15;
	v18 =	vshrl.u32 v8, $0x1A  }
0x120: {  	v9 =	vadd.s32 v9, v16;
	v8 =	vshll.u32 v8, $0x6;
	v19 =	vshrl.u32 v11, $0x1A  }
0x121: {  	v11 =	vshll.u32 v11, $0x6;
	v55 =	vshrl.u32 v12, $0x1A;
	v12 =	vshll.u32 v12, $0x6  }
0x122: {  	v56 =	vshrl.u32 v13, $0x1A;
	v13 =	vshll.u32 v13, $0x6;
	v57 =	vshrl.u32 v14, $0x1A  }
0x123: {  	v14 =	vshll.u32 v14, $0x6;
	v58 =	vshrl.u32 v15, $0x1A;
	v15 =	vshll.u32 v15, $0x6  }
0x124: {  	v59 =	vshrl.u32 v16, $0x1A;
	v16 =	vshll.u32 v16, $0x6;
	v10 =	vadd.s32 v10, v17  }
0x125: {  	v60 =	vshrl.u32 v17, $0x1A;
	v17 =	vshll.u32 v17, $0x6;
	v26 =	vadd.s32 $0x1BD11BF0, v2  }
0x126: {  	v27 =	vadd.s32 $0x1BD11BF0, v3;
	v28 =	vadd.s32 $0x1BD11BF0, v4;
	v29 =	vadd.s32 $0x1BD11BF0, v5  }
0x127: {  	v30 =	vadd.s32 $0x1BD11BF0, v6;
	v31 =	vadd.s32 $0x1BD11BF0, v7;
	v8 =	vor.u32 v18, v8  }
0x128: {  	v18 =	vadd.s32 $0x1BD11BF0, v9;
	v11 =	vor.u32 v19, v11;
	v12 =	vor.u32 v55, v12  }
0x129: {  	v13 =	vor.u32 v56, v13;
	v14 =	vor.u32 v57, v14;
	v15 =	vor.u32 v58, v15  }
0x12a: {  	v16 =	vor.u32 v59, v16;
	v32 =	vadd.s32 $0x1BD11BF0, v10;
	v2 =	vxor.u32 v2, v8  }
0x12b: {  	s23 =	sadd.s32 $0x80, s6;
	v3 =	vxor.u32 v3, v11;
	v8 =	vor.u32 v60, v17;
	v4 =	vxor.u32 v4, v12  }
0x12c: {  	s29 =	sadd.s32 $0x6A, s23;
	s30 =	sadd.s32 $0x7A, s23;
	v5 =	vxor.u32 v5, v13;
	v6 =	vxor.u32 v6, v14;
	v7 =	vxor.u32 v7, v15  }
0x12d: {  	s31 =	sadd.s32 $0x8A, s23;
	v9 =	vxor.u32 v9, v16;
	v14 =	vadd.s32 s29, v0;
	v15 =	vadd.s32 s30, v0  }
0x12e: {  	v17 =	vadd.s32 s31, v0;
	v8 =	vxor.u32 v10, v8;
	v2 =	vadd.s32 $0x5, v2  }
0x12f: {  	v3 =	vadd.s32 $0x5, v3;
	v4 =	vadd.s32 $0x5, v4;
	v5 =	vadd.s32 $0x5, v5  }
0x130: {  	v6 =	vadd.s32 $0x5, v6;
	v7 =	vadd.s32 $0x5, v7;
	v9 =	vadd.s32 $0x5, v9  }
0x131: {  	v39 =	vshrl.u32 v14, $0x13;
	v40 =	vshll.u32 v14, $0xD;
	v41 =	vshrl.u32 v15, $0x13  }
0x132: {  	v42 =	vshll.u32 v15, $0xD;
	v43 =	vshrl.u32 v17, $0x13;
	v44 =	vshll.u32 v17, $0xD  }
0x133: {  	v2 =	vxor.u32 v26, v2;
	v8 =	vadd.s32 $0x5, v8;
	v3 =	vxor.u32 v27, v3  }
0x134: {  	s10 =	sadd.s32 $0x9A, s23;
	v4 =	vxor.u32 v28, v4;
	v5 =	vxor.u32 v29, v5;
	v6 =	vxor.u32 v30, v6  }
0x135: {  	v7 =	vxor.u32 v31, v7;
	v9 =	vxor.u32 v18, v9;
	v18 =	vadd.s32 s10, v0  }
0x136: {  	[tilespmem:s2], [sflag:$0x1] =	stream.linear.gather [hbm4b:s3+s2], $0x1000, $0x38;
	v48 =	vor.u32 v39, v40;
	v49 =	vor.u32 v41, v42;
	v50 =	vor.u32 v43, v44;
	[tilespmem:$0x9000] =	vst v63  }
0x137: {  	_ =	swait.ge [sflag:s7], $0x1000;
	v2 =	vshrl.u32 v2, $0x9;
	v3 =	vshrl.u32 v3, $0x9;
	v8 =	vxor.u32 v32, v8  }
0x138: {  	[sflag:s7] =	ssyncset.done $0x0;
	v4 =	vshrl.u32 v4, $0x9;
	v5 =	vshrl.u32 v5, $0x9;
	v11 =	vshrl.u32 v6, $0x9  }
0x139: {  	[sflag:s7] =	ssyncadd.s32 $0xFFFFF000;
	v7 =	vshrl.u32 v7, $0x9;
	v12 =	vshrl.u32 v9, $0x9;
	v45 =	vshrl.u32 v18, $0x13  }
0x13a: {  	v10 =	vld [tilespmem:s2+$0x0];
	v23 =	vxor.u32 v14, v48;
	v24 =	vxor.u32 v15, v49;
	v25 =	vxor.u32 v17, v50  }
0x13b: {  	v13 =	vshrl.u32 v8, $0x9;
	v14 =	vadd.s32 v14, v23;
	v15 =	vadd.s32 v15, v24  }
0x13c: {  	v17 =	vadd.s32 v17, v25;
	v55 =	vshrl.u32 v23, $0x11;
	v23 =	vshll.u32 v23, $0xF  }
0x13d: {  	v56 =	vshrl.u32 v24, $0x11;
	v24 =	vshll.u32 v24, $0xF;
	v57 =	vshrl.u32 v25, $0x11  }
0x13e: {  	v25 =	vshll.u32 v25, $0xF;
	v23 =	vor.u32 v55, v23;
	v24 =	vor.u32 v56, v24  }
0x13f: {  	v25 =	vor.u32 v57, v25;
	vm0 =	vlt.u32 v2, v10;
	vm1 =	vlt.u32 v3, v10  }
0x140: {  	vm2 =	vlt.u32 v4, v10;
	vm11 =	vlt.u32 v5, v10;
	vm12 =	vlt.u32 v11, v10  }
0x141: {  	s24 =	sadd.s32 $0x2A, s23;
	s25 =	sadd.s32 $0x3A, s23;
	s26 =	sadd.s32 $0x4A, s23;
	vm13 =	vlt.u32 v7, v10;
	vm14 =	vlt.u32 v12, v10;
	vm15 =	vlt.u32 v13, v10  }
0x142: {  	s28 =	sadd.s32 $0x5A, s23;
	v10 =	vadd.s32 s24, v0;
	v11 =	vadd.s32 s25, v0;
	v12 =	vadd.s32 s26, v0  }
0x143: {  	v13 =	vadd.s32 s28, v0;
	v23 =	vxor.u32 v14, v23;
	v24 =	vxor.u32 v15, v24  }
0x144: {  	v25 =	vxor.u32 v17, v25;
	v9 =	vsel vm0, $0x3F800000, v1;
	v8 =	vsel vm1, $0x3F800000, v1  }
0x145: {  	v6 =	vsel vm2, $0x3F800000, v1;
	v7 =	vsel vm11, $0x3F800000, v1;
	v3 =	vsel vm12, $0x3F800000, v1  }
0x146: {  	v4 =	vsel vm13, $0x3F800000, v1;
	v5 =	vsel vm14, $0x3F800000, v1;
	v2 =	vsel vm15, $0x3F800000, v1  }
0x147: {  	v16 =	vshrl.u32 v10, $0x13;
	v19 =	vshll.u32 v10, $0xD;
	v61 =	vshrl.u32 v11, $0x13  }
0x148: {  	v62 =	vshll.u32 v11, $0xD;
	v63 =	vshrl.u32 v12, $0x13;
	v36 =	vshll.u32 v12, $0xD  }
0x149: {  	v37 =	vshrl.u32 v13, $0x13;
	v38 =	vshll.u32 v13, $0xD;
	v14 =	vadd.s32 v14, v23  }
0x14a: {  	v15 =	vadd.s32 v15, v24;
	v17 =	vadd.s32 v17, v25;
	v16 =	vor.u32 v16, v19  }
0x14b: {  	v19 =	vshll.u32 v18, $0xD;
	v20 =	vor.u32 v61, v62;
	v46 =	vor.u32 v63, v36  }
0x14c: {  	v47 =	vor.u32 v37, v38;
	v63 =	vshrl.u32 v23, $0x6;
	v23 =	vshll.u32 v23, $0x1A  }
0x14d: {  	v36 =	vshrl.u32 v24, $0x6;
	v24 =	vshll.u32 v24, $0x1A;
	v37 =	vshrl.u32 v25, $0x6  }
0x14e: {  	v25 =	vshll.u32 v25, $0x1A;
	v16 =	vxor.u32 v10, v16;
	v19 =	vor.u32 v45, v19  }
0x14f: {  	v20 =	vxor.u32 v11, v20;
	v21 =	vxor.u32 v12, v46;
	v22 =	vxor.u32 v13, v47  }
0x150: {  	v23 =	vor.u32 v63, v23;
	v24 =	vor.u32 v36, v24;
	v25 =	vor.u32 v37, v25  }
0x151: {  	v10 =	vadd.s32 v10, v16;
	v11 =	vadd.s32 v11, v20;
	v19 =	vxor.u32 v18, v19  }
0x152: {  	v12 =	vadd.s32 v12, v21;
	v13 =	vadd.s32 v13, v22;
	v51 =	vshrl.u32 v16, $0x11  }
0x153: {  	v16 =	vshll.u32 v16, $0xF;
	v52 =	vshrl.u32 v20, $0x11;
	v20 =	vshll.u32 v20, $0xF  }
0x154: {  	v53 =	vshrl.u32 v21, $0x11;
	v21 =	vshll.u32 v21, $0xF;
	v54 =	vshrl.u32 v22, $0x11  }
0x155: {  	v22 =	vshll.u32 v22, $0xF;
	v23 =	vxor.u32 v14, v23;
	v24 =	vxor.u32 v15, v24  }
0x156: {  	v25 =	vxor.u32 v17, v25;
	v18 =	vadd.s32 v18, v19;
	v16 =	vor.u32 v51, v16  }
0x157: {  	v58 =	vshrl.u32 v19, $0x11;
	v20 =	vor.u32 v52, v20;
	v19 =	vshll.u32 v19, $0xF  }
0x158: {  	v21 =	vor.u32 v53, v21;
	v22 =	vor.u32 v54, v22;
	v14 =	vadd.s32 v14, v23  }
0x159: {  	v15 =	vadd.s32 v15, v24;
	v17 =	vadd.s32 v17, v25;
	v43 =	vshrl.u32 v23, $0x1A  }
0x15a: {  	v23 =	vshll.u32 v23, $0x6;
	v44 =	vshrl.u32 v24, $0x1A;
	v24 =	vshll.u32 v24, $0x6  }
0x15b: {  	v45 =	vshrl.u32 v25, $0x1A;
	v25 =	vshll.u32 v25, $0x6;
	v19 =	vor.u32 v58, v19  }
0x15c: {  	v16 =	vxor.u32 v10, v16;
	v20 =	vxor.u32 v11, v20;
	v21 =	vxor.u32 v12, v21  }
0x15d: {  	v22 =	vxor.u32 v13, v22;
	v23 =	vor.u32 v43, v23;
	v24 =	vor.u32 v44, v24  }
0x15e: {  	v25 =	vor.u32 v45, v25;
	v10 =	vadd.s32 v10, v16;
	v19 =	vxor.u32 v18, v19  }
0x15f: {  	v11 =	vadd.s32 v11, v20;
	v12 =	vadd.s32 v12, v21;
	v13 =	vadd.s32 v13, v22  }
0x160: {  	v59 =	vshrl.u32 v16, $0x6;
	v16 =	vshll.u32 v16, $0x1A;
	v60 =	vshrl.u32 v20, $0x6  }
0x161: {  	v20 =	vshll.u32 v20, $0x1A;
	v61 =	vshrl.u32 v21, $0x6;
	v21 =	vshll.u32 v21, $0x1A  }
0x162: {  	v62 =	vshrl.u32 v22, $0x6;
	v22 =	vshll.u32 v22, $0x1A;
	v23 =	vxor.u32 v14, v23  }
0x163: {  	v24 =	vxor.u32 v15, v24;
	v25 =	vxor.u32 v17, v25;
	v18 =	vadd.s32 v18, v19  }
0x164: {  	v16 =	vor.u32 v59, v16;
	v38 =	vshrl.u32 v19, $0x6;
	v19 =	vshll.u32 v19, $0x1A  }
0x165: {  	v20 =	vor.u32 v60, v20;
	v21 =	vor.u32 v61, v21;
	v22 =	vor.u32 v62, v22  }
0x166: {  	v23 =	vadd.s32 $0x1BD11BF1, v23;
	v24 =	vadd.s32 $0x1BD11BF1, v24;
	v25 =	vadd.s32 $0x1BD11BF1, v25  }
0x167: {  	v16 =	vxor.u32 v10, v16;
	v20 =	vxor.u32 v11, v20;
	v19 =	vor.u32 v38, v19  }
0x168: {  	v21 =	vxor.u32 v12, v21;
	v22 =	vxor.u32 v13, v22;
	v14 =	vadd.s32 v23, v14  }
0x169: {  	v51 =	vshrl.u32 v23, $0xF;
	v23 =	vshll.u32 v23, $0x11;
	v15 =	vadd.s32 v24, v15  }
0x16a: {  	v52 =	vshrl.u32 v24, $0xF;
	v24 =	vshll.u32 v24, $0x11;
	v17 =	vadd.s32 v25, v17  }
0x16b: {  	v53 =	vshrl.u32 v25, $0xF;
	v25 =	vshll.u32 v25, $0x11;
	v19 =	vxor.u32 v18, v19  }
0x16c: {  	v10 =	vadd.s32 v10, v16;
	v11 =	vadd.s32 v11, v20;
	v12 =	vadd.s32 v12, v21  }
0x16d: {  	v13 =	vadd.s32 v13, v22;
	v39 =	vshrl.u32 v16, $0x1A;
	v16 =	vshll.u32 v16, $0x6  }
0x16e: {  	v40 =	vshrl.u32 v20, $0x1A;
	v20 =	vshll.u32 v20, $0x6;
	v41 =	vshrl.u32 v21, $0x1A  }
0x16f: {  	v21 =	vshll.u32 v21, $0x6;
	v42 =	vshrl.u32 v22, $0x1A;
	v22 =	vshll.u32 v22, $0x6  }
0x170: {  	v14 =	vadd.s32 $0x2A, v14;
	v23 =	vor.u32 v51, v23;
	v15 =	vadd.s32 $0x2A, v15  }
0x171: {  	v24 =	vor.u32 v52, v24;
	v17 =	vadd.s32 $0x2A, v17;
	v25 =	vor.u32 v53, v25  }
0x172: {  	v18 =	vadd.s32 v18, v19;
	v16 =	vor.u32 v39, v16;
	v46 =	vshrl.u32 v19, $0x1A  }
0x173: {  	v19 =	vshll.u32 v19, $0x6;
	v20 =	vor.u32 v40, v20;
	v21 =	vor.u32 v41, v21  }
0x174: {  	v22 =	vor.u32 v42, v22;
	v23 =	vxor.u32 v14, v23;
	v24 =	vxor.u32 v15, v24  }
0x175: {  	v25 =	vxor.u32 v17, v25;
	v16 =	vxor.u32 v10, v16;
	v19 =	vor.u32 v46, v19  }
0x176: {  	v20 =	vxor.u32 v11, v20;
	v21 =	vxor.u32 v12, v21;
	v22 =	vxor.u32 v13, v22  }
0x177: {  	v14 =	vadd.s32 v14, v23;
	v15 =	vadd.s32 v15, v24;
	v17 =	vadd.s32 v17, v25  }
0x178: {  	v59 =	vshrl.u32 v23, $0x3;
	v23 =	vshll.u32 v23, $0x1D;
	v60 =	vshrl.u32 v24, $0x3  }
0x179: {  	v24 =	vshll.u32 v24, $0x1D;
	v61 =	vshrl.u32 v25, $0x3;
	v25 =	vshll.u32 v25, $0x1D  }
0x17a: {  	v16 =	vadd.s32 $0x1BD11BF1, v16;
	v20 =	vadd.s32 $0x1BD11BF1, v20;
	v19 =	vxor.u32 v18, v19  }
0x17b: {  	v21 =	vadd.s32 $0x1BD11BF1, v21;
	v22 =	vadd.s32 $0x1BD11BF1, v22;
	v23 =	vor.u32 v59, v23  }
0x17c: {  	v24 =	vor.u32 v60, v24;
	v25 =	vor.u32 v61, v25;
	v19 =	vadd.s32 $0x1BD11BF1, v19  }
0x17d: {  	v10 =	vadd.s32 v16, v10;
	v47 =	vshrl.u32 v16, $0xF;
	v16 =	vshll.u32 v16, $0x11  }
0x17e: {  	v11 =	vadd.s32 v20, v11;
	v48 =	vshrl.u32 v20, $0xF;
	v20 =	vshll.u32 v20, $0x11  }
0x17f: {  	v12 =	vadd.s32 v21, v12;
	v49 =	vshrl.u32 v21, $0xF;
	v21 =	vshll.u32 v21, $0x11  }
0x180: {  	v13 =	vadd.s32 v22, v13;
	v50 =	vshrl.u32 v22, $0xF;
	v22 =	vshll.u32 v22, $0x11  }
0x181: {  	v23 =	vxor.u32 v14, v23;
	v24 =	vxor.u32 v15, v24;
	v25 =	vxor.u32 v17, v25  }
0x182: {  	v18 =	vadd.s32 v19, v18;
	v16 =	vor.u32 v47, v16;
	v54 =	vshrl.u32 v19, $0xF  }
0x183: {  	v19 =	vshll.u32 v19, $0x11;
	v10 =	vadd.s32 $0x2A, v10;
	v11 =	vadd.s32 $0x2A, v11  }
0x184: {  	v20 =	vor.u32 v48, v20;
	v12 =	vadd.s32 $0x2A, v12;
	v21 =	vor.u32 v49, v21  }
0x185: {  	v13 =	vadd.s32 $0x2A, v13;
	v22 =	vor.u32 v50, v22;
	v14 =	vadd.s32 v14, v23  }
0x186: {  	v15 =	vadd.s32 v15, v24;
	v17 =	vadd.s32 v17, v25;
	v39 =	vshrl.u32 v23, $0x10  }
0x187: {  	v23 =	vshll.u32 v23, $0x10;
	v40 =	vshrl.u32 v24, $0x10;
	v24 =	vshll.u32 v24, $0x10  }
0x188: {  	v41 =	vshrl.u32 v25, $0x10;
	v25 =	vshll.u32 v25, $0x10;
	v18 =	vadd.s32 $0x2A, v18  }
0x189: {  	v16 =	vxor.u32 v10, v16;
	v20 =	vxor.u32 v11, v20;
	v19 =	vor.u32 v54, v19  }
0x18a: {  	v21 =	vxor.u32 v12, v21;
	v22 =	vxor.u32 v13, v22;
	v23 =	vor.u32 v39, v23  }
0x18b: {  	v24 =	vor.u32 v40, v24;
	v25 =	vor.u32 v41, v25;
	v19 =	vxor.u32 v18, v19  }
0x18c: {  	v10 =	vadd.s32 v10, v16;
	v11 =	vadd.s32 v11, v20;
	v12 =	vadd.s32 v12, v21  }
0x18d: {  	v13 =	vadd.s32 v13, v22;
	v55 =	vshrl.u32 v16, $0x3;
	v16 =	vshll.u32 v16, $0x1D  }
0x18e: {  	v56 =	vshrl.u32 v20, $0x3;
	v20 =	vshll.u32 v20, $0x1D;
	v57 =	vshrl.u32 v21, $0x3  }
0x18f: {  	v21 =	vshll.u32 v21, $0x1D;
	v58 =	vshrl.u32 v22, $0x3;
	v22 =	vshll.u32 v22, $0x1D  }
0x190: {  	v23 =	vxor.u32 v14, v23;
	v24 =	vxor.u32 v15, v24;
	v25 =	vxor.u32 v17, v25  }
0x191: {  	v18 =	vadd.s32 v18, v19;
	v16 =	vor.u32 v55, v16;
	v62 =	vshrl.u32 v19, $0x3  }
0x192: {  	v19 =	vshll.u32 v19, $0x1D;
	v20 =	vor.u32 v56, v20;
	v21 =	vor.u32 v57, v21  }
0x193: {  	v22 =	vor.u32 v58, v22;
	v14 =	vadd.s32 v14, v23;
	v15 =	vadd.s32 v15, v24  }
0x194: {  	v17 =	vadd.s32 v17, v25;
	v47 =	vshrl.u32 v23, $0x8;
	v23 =	vshll.u32 v23, $0x18  }
0x195: {  	v48 =	vshrl.u32 v24, $0x8;
	v24 =	vshll.u32 v24, $0x18;
	v49 =	vshrl.u32 v25, $0x8  }
0x196: {  	v25 =	vshll.u32 v25, $0x18;
	v16 =	vxor.u32 v10, v16;
	v19 =	vor.u32 v62, v19  }
0x197: {  	v20 =	vxor.u32 v11, v20;
	v21 =	vxor.u32 v12, v21;
	v22 =	vxor.u32 v13, v22  }
0x198: {  	v23 =	vor.u32 v47, v23;
	v24 =	vor.u32 v48, v24;
	v25 =	vor.u32 v49, v25  }
0x199: {  	v10 =	vadd.s32 v10, v16;
	v11 =	vadd.s32 v11, v20;
	v19 =	vxor.u32 v18, v19  }
0x19a: {  	v12 =	vadd.s32 v12, v21;
	v13 =	vadd.s32 v13, v22;
	v63 =	vshrl.u32 v16, $0x10  }
0x19b: {  	v16 =	vshll.u32 v16, $0x10;
	v36 =	vshrl.u32 v20, $0x10;
	v20 =	vshll.u32 v20, $0x10  }
0x19c: {  	v37 =	vshrl.u32 v21, $0x10;
	v21 =	vshll.u32 v21, $0x10;
	v38 =	vshrl.u32 v22, $0x10  }
0x19d: {  	v22 =	vshll.u32 v22, $0x10;
	v23 =	vxor.u32 v14, v23;
	v24 =	vxor.u32 v15, v24  }
0x19e: {  	v25 =	vxor.u32 v17, v25;
	v18 =	vadd.s32 v18, v19;
	v16 =	vor.u32 v63, v16  }
0x19f: {  	v42 =	vshrl.u32 v19, $0x10;
	v20 =	vor.u32 v36, v20;
	v19 =	vshll.u32 v19, $0x10  }
0x1a0: {  	v21 =	vor.u32 v37, v21;
	v22 =	vor.u32 v38, v22;
	v23 =	vadd.s32 $0x2, v23  }
0x1a1: {  	v24 =	vadd.s32 $0x2, v24;
	v25 =	vadd.s32 $0x2, v25;
	v19 =	vor.u32 v42, v19  }
0x1a2: {  	v16 =	vxor.u32 v10, v16;
	v20 =	vxor.u32 v11, v20;
	v21 =	vxor.u32 v12, v21  }
0x1a3: {  	v22 =	vxor.u32 v13, v22;
	v14 =	vadd.s32 v23, v14;
	v55 =	vshrl.u32 v23, $0x13  }
0x1a4: {  	v23 =	vshll.u32 v23, $0xD;
	v15 =	vadd.s32 v24, v15;
	v56 =	vshrl.u32 v24, $0x13  }
0x1a5: {  	v24 =	vshll.u32 v24, $0xD;
	v17 =	vadd.s32 v25, v17;
	v57 =	vshrl.u32 v25, $0x13  }
0x1a6: {  	v25 =	vshll.u32 v25, $0xD;
	v10 =	vadd.s32 v10, v16;
	v19 =	vxor.u32 v18, v19  }
0x1a7: {  	v11 =	vadd.s32 v11, v20;
	v12 =	vadd.s32 v12, v21;
	v13 =	vadd.s32 v13, v22  }
0x1a8: {  	v43 =	vshrl.u32 v16, $0x8;
	v16 =	vshll.u32 v16, $0x18;
	v44 =	vshrl.u32 v20, $0x8  }
0x1a9: {  	v20 =	vshll.u32 v20, $0x18;
	v45 =	vshrl.u32 v21, $0x8;
	v21 =	vshll.u32 v21, $0x18  }
0x1aa: {  	v46 =	vshrl.u32 v22, $0x8;
	v22 =	vshll.u32 v22, $0x18;
	v14 =	vadd.s32 $0x1BD11BF0, v14  }
0x1ab: {  	v23 =	vor.u32 v55, v23;
	v15 =	vadd.s32 $0x1BD11BF0, v15;
	v24 =	vor.u32 v56, v24  }
0x1ac: {  	v17 =	vadd.s32 $0x1BD11BF0, v17;
	v25 =	vor.u32 v57, v25;
	v18 =	vadd.s32 v18, v19  }
0x1ad: {  	v16 =	vor.u32 v43, v16;
	v50 =	vshrl.u32 v19, $0x8;
	v19 =	vshll.u32 v19, $0x18  }
0x1ae: {  	v20 =	vor.u32 v44, v20;
	v21 =	vor.u32 v45, v21;
	v22 =	vor.u32 v46, v22  }
0x1af: {  	v23 =	vxor.u32 v14, v23;
	v24 =	vxor.u32 v15, v24;
	v25 =	vxor.u32 v17, v25  }
0x1b0: {  	v16 =	vxor.u32 v10, v16;
	v20 =	vxor.u32 v11, v20;
	v19 =	vor.u32 v50, v19  }
0x1b1: {  	v21 =	vxor.u32 v12, v21;
	v22 =	vxor.u32 v13, v22;
	v14 =	vadd.s32 v14, v23  }
0x1b2: {  	v15 =	vadd.s32 v15, v24;
	v17 =	vadd.s32 v17, v25;
	v63 =	vshrl.u32 v23, $0x11  }
0x1b3: {  	v23 =	vshll.u32 v23, $0xF;
	v36 =	vshrl.u32 v24, $0x11;
	v24 =	vshll.u32 v24, $0xF  }
0x1b4: {  	v37 =	vshrl.u32 v25, $0x11;
	v25 =	vshll.u32 v25, $0xF;
	v19 =	vxor.u32 v18, v19  }
0x1b5: {  	v16 =	vadd.s32 $0x2, v16;
	v20 =	vadd.s32 $0x2, v20;
	v21 =	vadd.s32 $0x2, v21  }
0x1b6: {  	v22 =	vadd.s32 $0x2, v22;
	v23 =	vor.u32 v63, v23;
	v24 =	vor.u32 v36, v24  }
0x1b7: {  	v25 =	vor.u32 v37, v25;
	v10 =	vadd.s32 v16, v10;
	v19 =	vadd.s32 $0x2, v19  }
0x1b8: {  	v51 =	vshrl.u32 v16, $0x13;
	v16 =	vshll.u32 v16, $0xD;
	v11 =	vadd.s32 v20, v11  }
0x1b9: {  	v52 =	vshrl.u32 v20, $0x13;
	v20 =	vshll.u32 v20, $0xD;
	v12 =	vadd.s32 v21, v12  }
0x1ba: {  	v53 =	vshrl.u32 v21, $0x13;
	v21 =	vshll.u32 v21, $0xD;
	v13 =	vadd.s32 v22, v13  }
0x1bb: {  	v54 =	vshrl.u32 v22, $0x13;
	v22 =	vshll.u32 v22, $0xD;
	v23 =	vxor.u32 v14, v23  }
0x1bc: {  	v24 =	vxor.u32 v15, v24;
	v25 =	vxor.u32 v17, v25;
	v18 =	vadd.s32 v19, v18  }
0x1bd: {  	v10 =	vadd.s32 $0x1BD11BF0, v10;
	v16 =	vor.u32 v51, v16;
	v58 =	vshrl.u32 v19, $0x13  }
0x1be: {  	v19 =	vshll.u32 v19, $0xD;
	v11 =	vadd.s32 $0x1BD11BF0, v11;
	v20 =	vor.u32 v52, v20  }
0x1bf: {  	v12 =	vadd.s32 $0x1BD11BF0, v12;
	v21 =	vor.u32 v53, v21;
	v13 =	vadd.s32 $0x1BD11BF0, v13  }
0x1c0: {  	v22 =	vor.u32 v54, v22;
	v14 =	vadd.s32 v14, v23;
	v15 =	vadd.s32 v15, v24  }
0x1c1: {  	v17 =	vadd.s32 v17, v25;
	v43 =	vshrl.u32 v23, $0x6;
	v23 =	vshll.u32 v23, $0x1A  }
0x1c2: {  	v44 =	vshrl.u32 v24, $0x6;
	v24 =	vshll.u32 v24, $0x1A;
	v45 =	vshrl.u32 v25, $0x6  }
0x1c3: {  	v25 =	vshll.u32 v25, $0x1A;
	v18 =	vadd.s32 $0x1BD11BF0, v18;
	v19 =	vor.u32 v58, v19  }
0x1c4: {  	v16 =	vxor.u32 v10, v16;
	v20 =	vxor.u32 v11, v20;
	v21 =	vxor.u32 v12, v21  }
0x1c5: {  	v22 =	vxor.u32 v13, v22;
	v23 =	vor.u32 v43, v23;
	v24 =	vor.u32 v44, v24  }
0x1c6: {  	v25 =	vor.u32 v45, v25;
	v10 =	vadd.s32 v10, v16;
	v19 =	vxor.u32 v18, v19  }
0x1c7: {  	v11 =	vadd.s32 v11, v20;
	v12 =	vadd.s32 v12, v21;
	v13 =	vadd.s32 v13, v22  }
0x1c8: {  	v59 =	vshrl.u32 v16, $0x11;
	v16 =	vshll.u32 v16, $0xF;
	v60 =	vshrl.u32 v20, $0x11  }
0x1c9: {  	v20 =	vshll.u32 v20, $0xF;
	v61 =	vshrl.u32 v21, $0x11;
	v21 =	vshll.u32 v21, $0xF  }
0x1ca: {  	v62 =	vshrl.u32 v22, $0x11;
	v22 =	vshll.u32 v22, $0xF;
	v23 =	vxor.u32 v14, v23  }
0x1cb: {  	v24 =	vxor.u32 v15, v24;
	v25 =	vxor.u32 v17, v25;
	v18 =	vadd.s32 v18, v19  }
0x1cc: {  	v16 =	vor.u32 v59, v16;
	v38 =	vshrl.u32 v19, $0x11;
	v19 =	vshll.u32 v19, $0xF  }
0x1cd: {  	v20 =	vor.u32 v60, v20;
	v21 =	vor.u32 v61, v21;
	v22 =	vor.u32 v62, v22  }
0x1ce: {  	v14 =	vadd.s32 v14, v23;
	v15 =	vadd.s32 v15, v24;
	v17 =	vadd.s32 v17, v25  }
0x1cf: {  	v51 =	vshrl.u32 v23, $0x1A;
	v23 =	vshll.u32 v23, $0x6;
	v52 =	vshrl.u32 v24, $0x1A  }
0x1d0: {  	v24 =	vshll.u32 v24, $0x6;
	v53 =	vshrl.u32 v25, $0x1A;
	v25 =	vshll.u32 v25, $0x6  }
0x1d1: {  	v16 =	vxor.u32 v10, v16;
	v20 =	vxor.u32 v11, v20;
	v19 =	vor.u32 v38, v19  }
0x1d2: {  	v21 =	vxor.u32 v12, v21;
	v22 =	vxor.u32 v13, v22;
	v23 =	vor.u32 v51, v23  }
0x1d3: {  	v24 =	vor.u32 v52, v24;
	v25 =	vor.u32 v53, v25;
	v19 =	vxor.u32 v18, v19  }
0x1d4: {  	v10 =	vadd.s32 v10, v16;
	v11 =	vadd.s32 v11, v20;
	v12 =	vadd.s32 v12, v21  }
0x1d5: {  	v13 =	vadd.s32 v13, v22;
	v39 =	vshrl.u32 v16, $0x6;
	v16 =	vshll.u32 v16, $0x1A  }
0x1d6: {  	v40 =	vshrl.u32 v20, $0x6;
	v20 =	vshll.u32 v20, $0x1A;
	v41 =	vshrl.u32 v21, $0x6  }
0x1d7: {  	v21 =	vshll.u32 v21, $0x1A;
	v42 =	vshrl.u32 v22, $0x6;
	v22 =	vshll.u32 v22, $0x1A  }
0x1d8: {  	v23 =	vxor.u32 v14, v23;
	v24 =	vxor.u32 v15, v24;
	v25 =	vxor.u32 v17, v25  }
0x1d9: {  	v18 =	vadd.s32 v18, v19;
	v16 =	vor.u32 v39, v16;
	v46 =	vshrl.u32 v19, $0x6  }
0x1da: {  	v19 =	vshll.u32 v19, $0x1A;
	v20 =	vor.u32 v40, v20;
	v21 =	vor.u32 v41, v21  }
0x1db: {  	v22 =	vor.u32 v42, v22;
	v23 =	vadd.s32 $0x2D, v23;
	v24 =	vadd.s32 $0x2D, v24  }
0x1dc: {  	v25 =	vadd.s32 $0x2D, v25;
	v16 =	vxor.u32 v10, v16;
	v19 =	vor.u32 v46, v19  }
0x1dd: {  	v20 =	vxor.u32 v11, v20;
	v21 =	vxor.u32 v12, v21;
	v22 =	vxor.u32 v13, v22  }
0x1de: {  	v14 =	vadd.s32 v14, v23;
	v15 =	vadd.s32 v15, v24;
	v17 =	vadd.s32 v17, v25  }
0x1df: {  	v59 =	vshrl.u32 v23, $0xF;
	v23 =	vshll.u32 v23, $0x11;
	v60 =	vshrl.u32 v24, $0xF  }
0x1e0: {  	v24 =	vshll.u32 v24, $0x11;
	v61 =	vshrl.u32 v25, $0xF;
	v25 =	vshll.u32 v25, $0x11  }
0x1e1: {  	v10 =	vadd.s32 v10, v16;
	v11 =	vadd.s32 v11, v20;
	v19 =	vxor.u32 v18, v19  }
0x1e2: {  	v12 =	vadd.s32 v12, v21;
	v13 =	vadd.s32 v13, v22;
	v47 =	vshrl.u32 v16, $0x1A  }
0x1e3: {  	v16 =	vshll.u32 v16, $0x6;
	v48 =	vshrl.u32 v20, $0x1A;
	v20 =	vshll.u32 v20, $0x6  }
0x1e4: {  	v49 =	vshrl.u32 v21, $0x1A;
	v21 =	vshll.u32 v21, $0x6;
	v50 =	vshrl.u32 v22, $0x1A  }
0x1e5: {  	v22 =	vshll.u32 v22, $0x6;
	v23 =	vor.u32 v59, v23;
	v24 =	vor.u32 v60, v24  }
0x1e6: {  	v25 =	vor.u32 v61, v25;
	v18 =	vadd.s32 v18, v19;
	v16 =	vor.u32 v47, v16  }
0x1e7: {  	v54 =	vshrl.u32 v19, $0x1A;
	v20 =	vor.u32 v48, v20;
	v19 =	vshll.u32 v19, $0x6  }
0x1e8: {  	v21 =	vor.u32 v49, v21;
	v22 =	vor.u32 v50, v22;
	v23 =	vxor.u32 v14, v23  }
0x1e9: {  	v24 =	vxor.u32 v15, v24;
	v25 =	vxor.u32 v17, v25;
	v19 =	vor.u32 v54, v19  }
0x1ea: {  	v16 =	vxor.u32 v10, v16;
	v20 =	vxor.u32 v11, v20;
	v21 =	vxor.u32 v12, v21  }
0x1eb: {  	v22 =	vxor.u32 v13, v22;
	v14 =	vadd.s32 v14, v23;
	v15 =	vadd.s32 v15, v24  }
0x1ec: {  	v17 =	vadd.s32 v17, v25;
	v39 =	vshrl.u32 v23, $0x3;
	v23 =	vshll.u32 v23, $0x1D  }
0x1ed: {  	v40 =	vshrl.u32 v24, $0x3;
	v24 =	vshll.u32 v24, $0x1D;
	v41 =	vshrl.u32 v25, $0x3  }
0x1ee: {  	v25 =	vshll.u32 v25, $0x1D;
	v16 =	vadd.s32 $0x2D, v16;
	v19 =	vxor.u32 v18, v19  }
0x1ef: {  	v20 =	vadd.s32 $0x2D, v20;
	v21 =	vadd.s32 $0x2D, v21;
	v22 =	vadd.s32 $0x2D, v22  }
0x1f0: {  	v23 =	vor.u32 v39, v23;
	v24 =	vor.u32 v40, v24;
	v25 =	vor.u32 v41, v25  }
0x1f1: {  	v10 =	vadd.s32 v10, v16;
	v11 =	vadd.s32 v11, v20;
	v19 =	vadd.s32 $0x2D, v19  }
0x1f2: {  	v12 =	vadd.s32 v12, v21;
	v13 =	vadd.s32 v13, v22;
	v55 =	vshrl.u32 v16, $0xF  }
0x1f3: {  	v16 =	vshll.u32 v16, $0x11;
	v56 =	vshrl.u32 v20, $0xF;
	v20 =	vshll.u32 v20, $0x11  }
0x1f4: {  	v57 =	vshrl.u32 v21, $0xF;
	v21 =	vshll.u32 v21, $0x11;
	v58 =	vshrl.u32 v22, $0xF  }
0x1f5: {  	v22 =	vshll.u32 v22, $0x11;
	v23 =	vxor.u32 v14, v23;
	v24 =	vxor.u32 v15, v24  }
0x1f6: {  	v25 =	vxor.u32 v17, v25;
	v18 =	vadd.s32 v18, v19;
	v16 =	vor.u32 v55, v16  }
0x1f7: {  	v62 =	vshrl.u32 v19, $0xF;
	v20 =	vor.u32 v56, v20;
	v19 =	vshll.u32 v19, $0x11  }
0x1f8: {  	v21 =	vor.u32 v57, v21;
	v22 =	vor.u32 v58, v22;
	v43 =	vadd.s32 v14, v23  }
0x1f9: {  	v44 =	vadd.s32 v15, v24;
	v45 =	vadd.s32 v17, v25;
	v48 =	vshrl.u32 v23, $0x10  }
0x1fa: {  	v23 =	vshll.u32 v23, $0x10;
	v49 =	vshrl.u32 v24, $0x10;
	v24 =	vshll.u32 v24, $0x10  }
0x1fb: {  	v50 =	vshrl.u32 v25, $0x10;
	v25 =	vshll.u32 v25, $0x10;
	v19 =	vor.u32 v62, v19  }
0x1fc: {  	v16 =	vxor.u32 v10, v16;
	v20 =	vxor.u32 v11, v20;
	v21 =	vxor.u32 v12, v21  }
0x1fd: {  	v22 =	vxor.u32 v13, v22;
	v52 =	vor.u32 v48, v23;
	v53 =	vor.u32 v49, v24  }
0x1fe: {  	v10 =	vadd.s32 v10, v16;
	v19 =	vxor.u32 v18, v19;
	v11 =	vadd.s32 v11, v20  }
0x1ff: {  	v12 =	vadd.s32 v12, v21;
	v13 =	vadd.s32 v13, v22;
	v63 =	vshrl.u32 v16, $0x3  }
0x200: {  	v16 =	vshll.u32 v16, $0x1D;
	v36 =	vshrl.u32 v20, $0x3;
	v20 =	vshll.u32 v20, $0x1D  }
0x201: {  	v37 =	vshrl.u32 v21, $0x3;
	v21 =	vshll.u32 v21, $0x1D;
	v38 =	vshrl.u32 v22, $0x3  }
0x202: {  	v22 =	vshll.u32 v22, $0x1D;
	v18 =	vadd.s32 v18, v19;
	v16 =	vor.u32 v63, v16  }
0x203: {  	v42 =	vshrl.u32 v19, $0x3;
	v19 =	vshll.u32 v19, $0x1D;
	v20 =	vor.u32 v36, v20  }
0x204: {  	v21 =	vor.u32 v37, v21;
	v22 =	vor.u32 v38, v22;
	v16 =	vxor.u32 v10, v16  }
0x205: {  	v20 =	vxor.u32 v11, v20;
	v19 =	vor.u32 v42, v19;
	v21 =	vxor.u32 v12, v21  }
0x206: {  	v22 =	vxor.u32 v13, v22;
	v19 =	vxor.u32 v18, v19;
	v10 =	vadd.s32 v10, v16  }
0x207: {  	v11 =	vadd.s32 v11, v20;
	v12 =	vadd.s32 v12, v21;
	v13 =	vadd.s32 v13, v22  }
0x208: {  	v14 =	vshrl.u32 v16, $0x10;
	v15 =	vshll.u32 v16, $0x10;
	v16 =	vshrl.u32 v20, $0x10  }
0x209: {  	v17 =	vshll.u32 v20, $0x10;
	v46 =	vshrl.u32 v21, $0x10;
	v21 =	vshll.u32 v21, $0x10  }
0x20a: {  	v47 =	vshrl.u32 v22, $0x10;
	v22 =	vshll.u32 v22, $0x10;
	v18 =	vadd.s32 v18, v19  }
0x20b: {  	v14 =	vor.u32 v14, v15;
	v15 =	vshrl.u32 v19, $0x10;
	v19 =	vshll.u32 v19, $0x10  }
0x20c: {  	v16 =	vor.u32 v16, v17;
	v17 =	vor.u32 v46, v21;
	v51 =	vor.u32 v47, v22  }
0x20d: {  	v21 =	vxor.u32 v43, v52;
	v22 =	vxor.u32 v44, v53;
	v54 =	vxor.u32 v10, v14  }
0x20e: {  	v14 =	vor.u32 v50, v25;
	v15 =	vor.u32 v15, v19;
	v19 =	vxor.u32 v11, v16  }
0x20f: {  	s10 =	simm.s32 $0x1040;
	v55 =	vxor.u32 v12, v17;
	v20 =	vxor.u32 v13, v51;
	v60 =	vshrl.u32 v21, $0x8  }
0x210: {  	[tilespmem:s10+$0xFFFFFFC0] =	vst v9;
	v9 =	vshll.u32 v21, $0x18;
	v61 =	vshrl.u32 v22, $0x8;
	v25 =	vxor.u32 v45, v14  }
0x211: {  	v17 =	vadd.s32 v10, v54;
	v16 =	vadd.s32 v11, v19;
	v56 =	vxor.u32 v18, v15  }
0x212: {  	v15 =	vadd.s32 v12, v55;
	v14 =	vadd.s32 v13, v20;
	v13 =	vadd.s32 v43, v21  }
0x213: {  	v12 =	vadd.s32 v44, v22;
	v23 =	vshll.u32 v54, $0x18;
	v57 =	vshrl.u32 v19, $0x8  }
0x214: {  	v19 =	vshll.u32 v19, $0x18;
	v58 =	vshrl.u32 v55, $0x8;
	v24 =	vshll.u32 v55, $0x18  }
0x215: {  	v59 =	vshrl.u32 v20, $0x8;
	v20 =	vshll.u32 v20, $0x18;
	v22 =	vshll.u32 v22, $0x18  }
0x216: {  	v9 =	vor.u32 v60, v9;
	v11 =	vadd.s32 v45, v25;
	v10 =	vadd.s32 v18, v56  }
0x217: {  	[tilespmem:s10+$0xFFFFFFD0] =	vst v8;
	v18 =	vshrl.u32 v54, $0x8;
	v8 =	vshrl.u32 v25, $0x8;
	v25 =	vshll.u32 v25, $0x18  }
0x218: {  	[tilespmem:s10+$0xFFFFFFF0] =	vst v7;
	v62 =	vshrl.u32 v56, $0x8;
	v7 =	vor.u32 v58, v24;
	v20 =	vor.u32 v59, v20  }
0x219: {  	[tilespmem:s10+$0xFFFFFFE0] =	vst v6;
	v21 =	vor.u32 v61, v22;
	v6 =	vor.u32 v18, v23;
	v18 =	vor.u32 v57, v19  }
0x21a: {  	[tilespmem:s10+$0x10] =	vst v4;
	v19 =	vshll.u32 v56, $0x18;
	v63 =	vor.u32 v8, v25;
	v4 =	vxor.u32 v15, v7  }
0x21b: {  	[tilespmem:s10+$0x0] =	vst v3;
	v8 =	vxor.u32 v14, v20;
	v7 =	vxor.u32 v12, v21;
	v19 =	vor.u32 v62, v19  }
0x21c: {  	[tilespmem:s10+$0x20] =	vst v5;
	v23 =	vxor.u32 v17, v6;
	v3 =	vxor.u32 v16, v18;
	v6 =	vxor.u32 v13, v9  }
0x21d: {  	s12 =	simm.s32 $0x100;
	s11 =	simm.s32 $0x0;
	[tilespmem:s10+$0x30] =	vst v2;
	v9 =	vxor.u32 v11, v63;
	v2 =	vadd.s32 $0x1BD11BF4, v23;
	v5 =	vxor.u32 v10, v19  }
.LBB2_2:
0x21e: {  	p0 =	sne.s32 s12, $0x7F80;
	v3 =	vadd.s32 $0x1BD11BF4, v3;
	v4 =	vadd.s32 $0x1BD11BF4, v4;
	v8 =	vadd.s32 $0x1BD11BF4, v8  }
0x21f: {  	v6 =	vadd.s32 $0x1BD11BF4, v6;
	v7 =	vadd.s32 $0x1BD11BF4, v7;
	v9 =	vadd.s32 $0x1BD11BF4, v9  }
0x220: {  	v17 =	vadd.s32 v2, v17;
	v18 =	vshrl.u32 v2, $0x13;
	v5 =	vadd.s32 $0x1BD11BF4, v5  }
0x221: {  	v2 =	vshll.u32 v2, $0xD;
	v16 =	vadd.s32 v3, v16;
	v19 =	vshrl.u32 v3, $0x13  }
0x222: {  	v3 =	vshll.u32 v3, $0xD;
	v15 =	vadd.s32 v4, v15;
	v20 =	vshrl.u32 v4, $0x13  }
0x223: {  	v4 =	vshll.u32 v4, $0xD;
	v14 =	vadd.s32 v8, v14;
	v21 =	vshrl.u32 v8, $0x13  }
0x224: {  	v8 =	vshll.u32 v8, $0xD;
	v13 =	vadd.s32 v6, v13;
	v22 =	vshrl.u32 v6, $0x13  }
0x225: {  	v6 =	vshll.u32 v6, $0xD;
	v12 =	vadd.s32 v7, v12;
	v23 =	vshrl.u32 v7, $0x13  }
0x226: {  	v7 =	vshll.u32 v7, $0xD;
	v11 =	vadd.s32 v9, v11;
	v24 =	vshrl.u32 v9, $0x13  }
0x227: {  	v9 =	vshll.u32 v9, $0xD;
	v10 =	vadd.s32 v5, v10;
	v25 =	vshrl.u32 v5, $0x13  }
0x228: {  	v17 =	vadd.s32 $0x2A, v17;
	v2 =	vor.u32 v18, v2;
	v5 =	vshll.u32 v5, $0xD  }
0x229: {  	v16 =	vadd.s32 $0x2A, v16;
	v3 =	vor.u32 v19, v3;
	v15 =	vadd.s32 $0x2A, v15  }
0x22a: {  	v4 =	vor.u32 v20, v4;
	v14 =	vadd.s32 $0x2A, v14;
	v8 =	vor.u32 v21, v8  }
0x22b: {  	v13 =	vadd.s32 $0x2A, v13;
	v6 =	vor.u32 v22, v6;
	v12 =	vadd.s32 $0x2A, v12  }
0x22c: {  	v7 =	vor.u32 v23, v7;
	v11 =	vadd.s32 $0x2A, v11;
	v9 =	vor.u32 v24, v9  }
0x22d: {  	v2 =	vxor.u32 v17, v2;
	v10 =	vadd.s32 $0x2A, v10;
	v5 =	vor.u32 v25, v5  }
0x22e: {  	v3 =	vxor.u32 v16, v3;
	v4 =	vxor.u32 v15, v4;
	v8 =	vxor.u32 v14, v8  }
0x22f: {  	v6 =	vxor.u32 v13, v6;
	v7 =	vxor.u32 v12, v7;
	v9 =	vxor.u32 v11, v9  }
0x230: {  	v17 =	vadd.s32 v17, v2;
	v5 =	vxor.u32 v10, v5;
	v16 =	vadd.s32 v16, v3  }
0x231: {  	v15 =	vadd.s32 v15, v4;
	v14 =	vadd.s32 v14, v8;
	v13 =	vadd.s32 v13, v6  }
0x232: {  	v12 =	vadd.s32 v12, v7;
	v11 =	vadd.s32 v11, v9;
	v10 =	vadd.s32 v10, v5  }
0x233: {  	v18 =	vshrl.u32 v2, $0x11;
	v2 =	vshll.u32 v2, $0xF;
	v19 =	vshrl.u32 v3, $0x11  }
0x234: {  	v3 =	vshll.u32 v3, $0xF;
	v20 =	vshrl.u32 v4, $0x11;
	v4 =	vshll.u32 v4, $0xF  }
0x235: {  	v21 =	vshrl.u32 v8, $0x11;
	v8 =	vshll.u32 v8, $0xF;
	v22 =	vshrl.u32 v6, $0x11  }
0x236: {  	v6 =	vshll.u32 v6, $0xF;
	v23 =	vshrl.u32 v7, $0x11;
	v7 =	vshll.u32 v7, $0xF  }
0x237: {  	v24 =	vshrl.u32 v9, $0x11;
	v9 =	vshll.u32 v9, $0xF;
	v25 =	vshrl.u32 v5, $0x11  }
0x238: {  	v2 =	vor.u32 v18, v2;
	v5 =	vshll.u32 v5, $0xF;
	v3 =	vor.u32 v19, v3  }
0x239: {  	v4 =	vor.u32 v20, v4;
	v8 =	vor.u32 v21, v8;
	v6 =	vor.u32 v22, v6  }
0x23a: {  	v7 =	vor.u32 v23, v7;
	v9 =	vor.u32 v24, v9;
	v5 =	vor.u32 v25, v5  }
0x23b: {  	v2 =	vxor.u32 v17, v2;
	v3 =	vxor.u32 v16, v3;
	v4 =	vxor.u32 v15, v4  }
0x23c: {  	v8 =	vxor.u32 v14, v8;
	v6 =	vxor.u32 v13, v6;
	v7 =	vxor.u32 v12, v7  }
0x23d: {  	v17 =	vadd.s32 v17, v2;
	v9 =	vxor.u32 v11, v9;
	v5 =	vxor.u32 v10, v5  }
0x23e: {  	v16 =	vadd.s32 v16, v3;
	v15 =	vadd.s32 v15, v4;
	v14 =	vadd.s32 v14, v8  }
0x23f: {  	v13 =	vadd.s32 v13, v6;
	v12 =	vadd.s32 v12, v7;
	v11 =	vadd.s32 v11, v9  }
0x240: {  	v18 =	vshrl.u32 v2, $0x6;
	v2 =	vshll.u32 v2, $0x1A;
	v10 =	vadd.s32 v10, v5  }
0x241: {  	v19 =	vshrl.u32 v3, $0x6;
	v3 =	vshll.u32 v3, $0x1A;
	v20 =	vshrl.u32 v4, $0x6  }
0x242: {  	v4 =	vshll.u32 v4, $0x1A;
	v21 =	vshrl.u32 v8, $0x6;
	v8 =	vshll.u32 v8, $0x1A  }
0x243: {  	v22 =	vshrl.u32 v6, $0x6;
	v6 =	vshll.u32 v6, $0x1A;
	v23 =	vshrl.u32 v7, $0x6  }
0x244: {  	v7 =	vshll.u32 v7, $0x1A;
	v24 =	vshrl.u32 v9, $0x6;
	v9 =	vshll.u32 v9, $0x1A  }
0x245: {  	v2 =	vor.u32 v18, v2;
	v18 =	vshrl.u32 v5, $0x6;
	v5 =	vshll.u32 v5, $0x1A  }
0x246: {  	v3 =	vor.u32 v19, v3;
	v4 =	vor.u32 v20, v4;
	v8 =	vor.u32 v21, v8  }
0x247: {  	v6 =	vor.u32 v22, v6;
	v7 =	vor.u32 v23, v7;
	v9 =	vor.u32 v24, v9  }
0x248: {  	v2 =	vxor.u32 v17, v2;
	v5 =	vor.u32 v18, v5;
	v3 =	vxor.u32 v16, v3  }
0x249: {  	v4 =	vxor.u32 v15, v4;
	v8 =	vxor.u32 v14, v8;
	v6 =	vxor.u32 v13, v6  }
0x24a: {  	v7 =	vxor.u32 v12, v7;
	v9 =	vxor.u32 v11, v9;
	v5 =	vxor.u32 v10, v5  }
0x24b: {  	v17 =	vadd.s32 v17, v2;
	v16 =	vadd.s32 v16, v3;
	v15 =	vadd.s32 v15, v4  }
0x24c: {  	v14 =	vadd.s32 v14, v8;
	v13 =	vadd.s32 v13, v6;
	v12 =	vadd.s32 v12, v7  }
0x24d: {  	v18 =	vshrl.u32 v2, $0x1A;
	v11 =	vadd.s32 v11, v9;
	v10 =	vadd.s32 v10, v5  }
0x24e: {  	v2 =	vshll.u32 v2, $0x6;
	v19 =	vshrl.u32 v3, $0x1A;
	v3 =	vshll.u32 v3, $0x6  }
0x24f: {  	v20 =	vshrl.u32 v4, $0x1A;
	v4 =	vshll.u32 v4, $0x6;
	v21 =	vshrl.u32 v8, $0x1A  }
0x250: {  	v8 =	vshll.u32 v8, $0x6;
	v22 =	vshrl.u32 v6, $0x1A;
	v6 =	vshll.u32 v6, $0x6  }
0x251: {  	v23 =	vshrl.u32 v7, $0x1A;
	v7 =	vshll.u32 v7, $0x6;
	v24 =	vshrl.u32 v9, $0x1A  }
0x252: {  	v9 =	vshll.u32 v9, $0x6;
	v25 =	vshrl.u32 v5, $0x1A;
	v5 =	vshll.u32 v5, $0x6  }
0x253: {  	v26 =	vadd.s32 $0x1BD11BF0, v17;
	v27 =	vadd.s32 $0x1BD11BF0, v16;
	v28 =	vadd.s32 $0x1BD11BF0, v15  }
0x254: {  	v29 =	vadd.s32 $0x1BD11BF0, v14;
	v30 =	vadd.s32 $0x1BD11BF0, v13;
	v31 =	vadd.s32 $0x1BD11BF0, v12  }
0x255: {  	v2 =	vor.u32 v18, v2;
	v18 =	vadd.s32 $0x1BD11BF0, v11;
	v32 =	vadd.s32 $0x1BD11BF0, v10  }
0x256: {  	v3 =	vor.u32 v19, v3;
	v4 =	vor.u32 v20, v4;
	v8 =	vor.u32 v21, v8  }
0x257: {  	v6 =	vor.u32 v22, v6;
	v7 =	vor.u32 v23, v7;
	v9 =	vor.u32 v24, v9  }
0x258: {  	v2 =	vxor.u32 v17, v2;
	v5 =	vor.u32 v25, v5;
	v3 =	vxor.u32 v16, v3  }
0x259: {  	v4 =	vxor.u32 v15, v4;
	v8 =	vxor.u32 v14, v8;
	v6 =	vxor.u32 v13, v6  }
0x25a: {  	v7 =	vxor.u32 v12, v7;
	v9 =	vxor.u32 v11, v9;
	v5 =	vxor.u32 v10, v5  }
0x25b: {  	v2 =	vadd.s32 $0x5, v2;
	v3 =	vadd.s32 $0x5, v3;
	v4 =	vadd.s32 $0x5, v4  }
0x25c: {  	v8 =	vadd.s32 $0x5, v8;
	v6 =	vadd.s32 $0x5, v6;
	v7 =	vadd.s32 $0x5, v7  }
0x25d: {  	s11 =	sadd.s32 $0x10, s11;
	v2 =	vxor.u32 v26, v2;
	v9 =	vadd.s32 $0x5, v9;
	v5 =	vadd.s32 $0x5, v5  }
0x25e: {  	v3 =	vxor.u32 v27, v3;
	v4 =	vxor.u32 v28, v4;
	v8 =	vxor.u32 v29, v8;
	v10 =	vld [tilespmem:s11+$0x0]  }
0x25f: {  	v6 =	vxor.u32 v30, v6;
	v7 =	vxor.u32 v31, v7;
	v9 =	vxor.u32 v18, v9  }
0x260: {  	v2 =	vshrl.u32 v2, $0x9;
	v5 =	vxor.u32 v32, v5;
	v3 =	vshrl.u32 v3, $0x9  }
0x261: {  	v4 =	vshrl.u32 v4, $0x9;
	v8 =	vshrl.u32 v8, $0x9;
	v6 =	vshrl.u32 v6, $0x9  }
0x262: {  	v7 =	vshrl.u32 v7, $0x9;
	v9 =	vshrl.u32 v9, $0x9;
	v5 =	vshrl.u32 v5, $0x9  }
0x263: {  	vm0 =	vlt.u32 v2, v10;
	vm1 =	vlt.u32 v3, v10;
	vm2 =	vlt.u32 v4, v10  }
0x264: {  	s10 =	sadd.s32 $0x80, s10;
	v2 =	vsel vm0, $0x3F800000, v1;
	v3 =	vsel vm1, $0x3F800000, v1;
	v4 =	vsel vm2, $0x3F800000, v1  }
0x265: {  	vm0 =	vlt.u32 v8, v10;
	vm1 =	vlt.u32 v6, v10;
	vm2 =	vlt.u32 v7, v10;
	[tilespmem:s10+$0xFFFFFFC0] =	vst v2  }
0x266: {  	v2 =	vsel vm0, $0x3F800000, v1;
	v6 =	vsel vm2, $0x3F800000, v1;
	[tilespmem:s10+$0xFFFFFFD0] =	vst v3;
	v3 =	vsel vm1, $0x3F800000, v1  }
0x267: {  	s13 =	sadd.s32 s12, s6;
	vm0 =	vlt.u32 v9, v10;
	vm1 =	vlt.u32 v5, v10;
	[tilespmem:s10+$0xFFFFFFE0] =	vst v4  }
0x268: {  	s14 =	sadd.s32 $0x2A, s13;
	s15 =	sadd.s32 $0x3A, s13;
	s16 =	sadd.s32 $0x4A, s13;
	v4 =	vsel vm1, $0x3F800000, v1;
	[tilespmem:s10+$0xFFFFFFF0] =	vst v2;
	v2 =	vsel vm0, $0x3F800000, v1  }
0x269: {  	v7 =	vadd.s32 s15, v0;
	v8 =	vadd.s32 s16, v0;
	s15 =	sadd.s32 $0x6A, s13;
	s16 =	sadd.s32 $0x7A, s13;
	v5 =	vadd.s32 s14, v0;
	s14 =	sadd.s32 $0x5A, s13;
	[tilespmem:s10+$0x0] =	vst v3  }
0x26a: {  	v9 =	vadd.s32 s15, v0;
	v10 =	vadd.s32 s16, v0;
	v3 =	vadd.s32 s14, v0;
	s14 =	sadd.s32 $0x8A, s13;
	s13 =	sadd.s32 $0x9A, s13;
	[tilespmem:s10+$0x10] =	vst v6  }
0x26b: {  	v6 =	vshrl.u32 v5, $0x13;
	v11 =	vadd.s32 s14, v0;
	v12 =	vadd.s32 s13, v0;
	[tilespmem:s10+$0x20] =	vst v2  }
0x26c: {  	v13 =	vshrl.u32 v7, $0x13;
	v14 =	vshll.u32 v7, $0xD;
	v2 =	vshll.u32 v5, $0xD;
	[tilespmem:s10+$0x30] =	vst v4  }
0x26d: {  	v15 =	vshll.u32 v8, $0xD;
	v16 =	vshrl.u32 v3, $0x13;
	v4 =	vshrl.u32 v8, $0x13  }
0x26e: {  	v18 =	vshrl.u32 v9, $0x13;
	v19 =	vshll.u32 v9, $0xD;
	v17 =	vshll.u32 v3, $0xD  }
0x26f: {  	v20 =	vshrl.u32 v10, $0x13;
	v21 =	vshll.u32 v10, $0xD;
	v22 =	vshrl.u32 v11, $0x13  }
0x270: {  	v23 =	vshll.u32 v11, $0xD;
	v24 =	vshrl.u32 v12, $0x13;
	v25 =	vshll.u32 v12, $0xD  }
0x271: {  	v2 =	vor.u32 v6, v2;
	v6 =	vor.u32 v13, v14;
	v4 =	vor.u32 v4, v15  }
0x272: {  	v13 =	vor.u32 v16, v17;
	v14 =	vor.u32 v18, v19;
	v15 =	vor.u32 v20, v21  }
0x273: {  	v16 =	vor.u32 v22, v23;
	v17 =	vor.u32 v24, v25;
	v2 =	vxor.u32 v5, v2  }
0x274: {  	v6 =	vxor.u32 v7, v6;
	v13 =	vxor.u32 v3, v13;
	v4 =	vxor.u32 v8, v4  }
0x275: {  	v14 =	vxor.u32 v9, v14;
	v16 =	vxor.u32 v11, v16;
	v15 =	vxor.u32 v10, v15  }
0x276: {  	v17 =	vxor.u32 v12, v17;
	v5 =	vadd.s32 v5, v2;
	v7 =	vadd.s32 v7, v6  }
0x277: {  	v3 =	vadd.s32 v3, v13;
	v9 =	vadd.s32 v9, v14;
	v8 =	vadd.s32 v8, v4  }
0x278: {  	v11 =	vadd.s32 v11, v16;
	v12 =	vadd.s32 v12, v17;
	v10 =	vadd.s32 v10, v15  }
0x279: {  	v18 =	vshrl.u32 v2, $0x11;
	v2 =	vshll.u32 v2, $0xF;
	v19 =	vshrl.u32 v6, $0x11  }
0x27a: {  	v6 =	vshll.u32 v6, $0xF;
	v20 =	vshrl.u32 v4, $0x11;
	v4 =	vshll.u32 v4, $0xF  }
0x27b: {  	v21 =	vshrl.u32 v13, $0x11;
	v13 =	vshll.u32 v13, $0xF;
	v22 =	vshrl.u32 v14, $0x11  }
0x27c: {  	v14 =	vshll.u32 v14, $0xF;
	v23 =	vshrl.u32 v15, $0x11;
	v15 =	vshll.u32 v15, $0xF  }
0x27d: {  	v24 =	vshrl.u32 v16, $0x11;
	v16 =	vshll.u32 v16, $0xF;
	v25 =	vshrl.u32 v17, $0x11  }
0x27e: {  	v17 =	vshll.u32 v17, $0xF;
	v2 =	vor.u32 v18, v2;
	v6 =	vor.u32 v19, v6  }
0x27f: {  	v13 =	vor.u32 v21, v13;
	v14 =	vor.u32 v22, v14;
	v4 =	vor.u32 v20, v4  }
0x280: {  	v16 =	vor.u32 v24, v16;
	v17 =	vor.u32 v25, v17;
	v15 =	vor.u32 v23, v15  }
0x281: {  	v2 =	vxor.u32 v5, v2;
	v6 =	vxor.u32 v7, v6;
	v4 =	vxor.u32 v8, v4  }
0x282: {  	v13 =	vxor.u32 v3, v13;
	v14 =	vxor.u32 v9, v14;
	v15 =	vxor.u32 v10, v15  }
0x283: {  	v16 =	vxor.u32 v11, v16;
	v17 =	vxor.u32 v12, v17;
	v5 =	vadd.s32 v5, v2  }
0x284: {  	v7 =	vadd.s32 v7, v6;
	v3 =	vadd.s32 v3, v13;
	v8 =	vadd.s32 v8, v4  }
0x285: {  	v9 =	vadd.s32 v9, v14;
	v11 =	vadd.s32 v11, v16;
	v10 =	vadd.s32 v10, v15  }
0x286: {  	v18 =	vshrl.u32 v2, $0x6;
	v2 =	vshll.u32 v2, $0x1A;
	v12 =	vadd.s32 v12, v17  }
0x287: {  	v19 =	vshrl.u32 v6, $0x6;
	v6 =	vshll.u32 v6, $0x1A;
	v20 =	vshrl.u32 v4, $0x6  }
0x288: {  	v21 =	vshrl.u32 v13, $0x6;
	v13 =	vshll.u32 v13, $0x1A;
	v4 =	vshll.u32 v4, $0x1A  }
0x289: {  	v22 =	vshrl.u32 v14, $0x6;
	v14 =	vshll.u32 v14, $0x1A;
	v23 =	vshrl.u32 v15, $0x6  }
0x28a: {  	v24 =	vshrl.u32 v16, $0x6;
	v16 =	vshll.u32 v16, $0x1A;
	v15 =	vshll.u32 v15, $0x1A  }
0x28b: {  	v2 =	vor.u32 v18, v2;
	v18 =	vshrl.u32 v17, $0x6;
	v17 =	vshll.u32 v17, $0x1A  }
0x28c: {  	v6 =	vor.u32 v19, v6;
	v13 =	vor.u32 v21, v13;
	v4 =	vor.u32 v20, v4  }
0x28d: {  	v14 =	vor.u32 v22, v14;
	v16 =	vor.u32 v24, v16;
	v15 =	vor.u32 v23, v15  }
0x28e: {  	v2 =	vxor.u32 v5, v2;
	v6 =	vxor.u32 v7, v6;
	v17 =	vor.u32 v18, v17  }
0x28f: {  	v13 =	vxor.u32 v3, v13;
	v14 =	vxor.u32 v9, v14;
	v4 =	vxor.u32 v8, v4  }
0x290: {  	v16 =	vxor.u32 v11, v16;
	v15 =	vxor.u32 v10, v15;
	v17 =	vxor.u32 v12, v17  }
0x291: {  	v5 =	vadd.s32 v5, v2;
	v7 =	vadd.s32 v7, v6;
	v8 =	vadd.s32 v8, v4  }
0x292: {  	v3 =	vadd.s32 v3, v13;
	v9 =	vadd.s32 v9, v14;
	v10 =	vadd.s32 v10, v15  }
0x293: {  	v18 =	vshrl.u32 v2, $0x1A;
	v11 =	vadd.s32 v11, v16;
	v12 =	vadd.s32 v12, v17  }
0x294: {  	v2 =	vshll.u32 v2, $0x6;
	v19 =	vshrl.u32 v6, $0x1A;
	v6 =	vshll.u32 v6, $0x6  }
0x295: {  	v21 =	vshrl.u32 v13, $0x1A;
	v20 =	vshrl.u32 v4, $0x1A;
	v4 =	vshll.u32 v4, $0x6  }
0x296: {  	v13 =	vshll.u32 v13, $0x6;
	v22 =	vshrl.u32 v14, $0x1A;
	v14 =	vshll.u32 v14, $0x6  }
0x297: {  	v24 =	vshrl.u32 v16, $0x1A;
	v23 =	vshrl.u32 v15, $0x1A;
	v15 =	vshll.u32 v15, $0x6  }
0x298: {  	v16 =	vshll.u32 v16, $0x6;
	v25 =	vshrl.u32 v17, $0x1A;
	v17 =	vshll.u32 v17, $0x6  }
0x299: {  	v2 =	vor.u32 v18, v2;
	v6 =	vor.u32 v19, v6;
	v4 =	vor.u32 v20, v4  }
0x29a: {  	v13 =	vor.u32 v21, v13;
	v14 =	vor.u32 v22, v14;
	v15 =	vor.u32 v23, v15  }
0x29b: {  	v16 =	vor.u32 v24, v16;
	v2 =	vxor.u32 v5, v2;
	v17 =	vor.u32 v25, v17  }
0x29c: {  	v6 =	vxor.u32 v7, v6;
	v13 =	vxor.u32 v3, v13;
	v4 =	vxor.u32 v8, v4  }
0x29d: {  	v14 =	vxor.u32 v9, v14;
	v16 =	vxor.u32 v11, v16;
	v15 =	vxor.u32 v10, v15  }
0x29e: {  	v2 =	vadd.s32 $0x1BD11BF1, v2;
	v6 =	vadd.s32 $0x1BD11BF1, v6;
	v17 =	vxor.u32 v12, v17  }
0x29f: {  	v13 =	vadd.s32 $0x1BD11BF1, v13;
	v14 =	vadd.s32 $0x1BD11BF1, v14;
	v4 =	vadd.s32 $0x1BD11BF1, v4  }
0x2a0: {  	v16 =	vadd.s32 $0x1BD11BF1, v16;
	v15 =	vadd.s32 $0x1BD11BF1, v15;
	v17 =	vadd.s32 $0x1BD11BF1, v17  }
0x2a1: {  	v5 =	vadd.s32 v2, v5;
	v18 =	vshrl.u32 v2, $0xF;
	v2 =	vshll.u32 v2, $0x11  }
0x2a2: {  	v7 =	vadd.s32 v6, v7;
	v19 =	vshrl.u32 v6, $0xF;
	v6 =	vshll.u32 v6, $0x11  }
0x2a3: {  	v8 =	vadd.s32 v4, v8;
	v20 =	vshrl.u32 v4, $0xF;
	v4 =	vshll.u32 v4, $0x11  }
0x2a4: {  	v3 =	vadd.s32 v13, v3;
	v21 =	vshrl.u32 v13, $0xF;
	v13 =	vshll.u32 v13, $0x11  }
0x2a5: {  	v9 =	vadd.s32 v14, v9;
	v22 =	vshrl.u32 v14, $0xF;
	v14 =	vshll.u32 v14, $0x11  }
0x2a6: {  	v10 =	vadd.s32 v15, v10;
	v23 =	vshrl.u32 v15, $0xF;
	v15 =	vshll.u32 v15, $0x11  }
0x2a7: {  	v11 =	vadd.s32 v16, v11;
	v24 =	vshrl.u32 v16, $0xF;
	v16 =	vshll.u32 v16, $0x11  }
0x2a8: {  	v12 =	vadd.s32 v17, v12;
	v25 =	vshrl.u32 v17, $0xF;
	v17 =	vshll.u32 v17, $0x11  }
0x2a9: {  	v5 =	vadd.s32 $0x2A, v5;
	v2 =	vor.u32 v18, v2;
	v7 =	vadd.s32 $0x2A, v7  }
0x2aa: {  	v6 =	vor.u32 v19, v6;
	v8 =	vadd.s32 $0x2A, v8;
	v4 =	vor.u32 v20, v4  }
0x2ab: {  	v3 =	vadd.s32 $0x2A, v3;
	v13 =	vor.u32 v21, v13;
	v9 =	vadd.s32 $0x2A, v9  }
0x2ac: {  	v14 =	vor.u32 v22, v14;
	v10 =	vadd.s32 $0x2A, v10;
	v15 =	vor.u32 v23, v15  }
0x2ad: {  	v11 =	vadd.s32 $0x2A, v11;
	v16 =	vor.u32 v24, v16;
	v12 =	vadd.s32 $0x2A, v12  }
0x2ae: {  	v2 =	vxor.u32 v5, v2;
	v6 =	vxor.u32 v7, v6;
	v17 =	vor.u32 v25, v17  }
0x2af: {  	v13 =	vxor.u32 v3, v13;
	v14 =	vxor.u32 v9, v14;
	v4 =	vxor.u32 v8, v4  }
0x2b0: {  	v16 =	vxor.u32 v11, v16;
	v15 =	vxor.u32 v10, v15;
	v17 =	vxor.u32 v12, v17  }
0x2b1: {  	v5 =	vadd.s32 v5, v2;
	v7 =	vadd.s32 v7, v6;
	v8 =	vadd.s32 v8, v4  }
0x2b2: {  	v3 =	vadd.s32 v3, v13;
	v9 =	vadd.s32 v9, v14;
	v10 =	vadd.s32 v10, v15  }
0x2b3: {  	v18 =	vshrl.u32 v2, $0x3;
	v11 =	vadd.s32 v11, v16;
	v12 =	vadd.s32 v12, v17  }
0x2b4: {  	v2 =	vshll.u32 v2, $0x1D;
	v19 =	vshrl.u32 v6, $0x3;
	v6 =	vshll.u32 v6, $0x1D  }
0x2b5: {  	v21 =	vshrl.u32 v13, $0x3;
	v20 =	vshrl.u32 v4, $0x3;
	v4 =	vshll.u32 v4, $0x1D  }
0x2b6: {  	v13 =	vshll.u32 v13, $0x1D;
	v22 =	vshrl.u32 v14, $0x3;
	v14 =	vshll.u32 v14, $0x1D  }
0x2b7: {  	v24 =	vshrl.u32 v16, $0x3;
	v23 =	vshrl.u32 v15, $0x3;
	v15 =	vshll.u32 v15, $0x1D  }
0x2b8: {  	v16 =	vshll.u32 v16, $0x1D;
	v25 =	vshrl.u32 v17, $0x3;
	v17 =	vshll.u32 v17, $0x1D  }
0x2b9: {  	v2 =	vor.u32 v18, v2;
	v6 =	vor.u32 v19, v6;
	v4 =	vor.u32 v20, v4  }
0x2ba: {  	v13 =	vor.u32 v21, v13;
	v14 =	vor.u32 v22, v14;
	v15 =	vor.u32 v23, v15  }
0x2bb: {  	v16 =	vor.u32 v24, v16;
	v2 =	vxor.u32 v5, v2;
	v17 =	vor.u32 v25, v17  }
0x2bc: {  	v6 =	vxor.u32 v7, v6;
	v13 =	vxor.u32 v3, v13;
	v4 =	vxor.u32 v8, v4  }
0x2bd: {  	v14 =	vxor.u32 v9, v14;
	v16 =	vxor.u32 v11, v16;
	v15 =	vxor.u32 v10, v15  }
0x2be: {  	v5 =	vadd.s32 v5, v2;
	v7 =	vadd.s32 v7, v6;
	v17 =	vxor.u32 v12, v17  }
0x2bf: {  	v3 =	vadd.s32 v3, v13;
	v9 =	vadd.s32 v9, v14;
	v8 =	vadd.s32 v8, v4  }
0x2c0: {  	v11 =	vadd.s32 v11, v16;
	v10 =	vadd.s32 v10, v15;
	v12 =	vadd.s32 v12, v17  }
0x2c1: {  	v18 =	vshrl.u32 v2, $0x10;
	v2 =	vshll.u32 v2, $0x10;
	v19 =	vshrl.u32 v6, $0x10  }
0x2c2: {  	v6 =	vshll.u32 v6, $0x10;
	v20 =	vshrl.u32 v4, $0x10;
	v4 =	vshll.u32 v4, $0x10  }
0x2c3: {  	v21 =	vshrl.u32 v13, $0x10;
	v13 =	vshll.u32 v13, $0x10;
	v22 =	vshrl.u32 v14, $0x10  }
0x2c4: {  	v14 =	vshll.u32 v14, $0x10;
	v23 =	vshrl.u32 v15, $0x10;
	v15 =	vshll.u32 v15, $0x10  }
0x2c5: {  	v24 =	vshrl.u32 v16, $0x10;
	v16 =	vshll.u32 v16, $0x10;
	v25 =	vshrl.u32 v17, $0x10  }
0x2c6: {  	v2 =	vor.u32 v18, v2;
	v6 =	vor.u32 v19, v6;
	v17 =	vshll.u32 v17, $0x10  }
0x2c7: {  	v13 =	vor.u32 v21, v13;
	v14 =	vor.u32 v22, v14;
	v4 =	vor.u32 v20, v4  }
0x2c8: {  	v16 =	vor.u32 v24, v16;
	v15 =	vor.u32 v23, v15;
	v17 =	vor.u32 v25, v17  }
0x2c9: {  	v2 =	vxor.u32 v5, v2;
	v6 =	vxor.u32 v7, v6;
	v4 =	vxor.u32 v8, v4  }
0x2ca: {  	v13 =	vxor.u32 v3, v13;
	v14 =	vxor.u32 v9, v14;
	v15 =	vxor.u32 v10, v15  }
0x2cb: {  	v16 =	vxor.u32 v11, v16;
	v5 =	vadd.s32 v5, v2;
	v17 =	vxor.u32 v12, v17  }
0x2cc: {  	v7 =	vadd.s32 v7, v6;
	v3 =	vadd.s32 v3, v13;
	v8 =	vadd.s32 v8, v4  }
0x2cd: {  	v9 =	vadd.s32 v9, v14;
	v11 =	vadd.s32 v11, v16;
	v10 =	vadd.s32 v10, v15  }
0x2ce: {  	v18 =	vshrl.u32 v2, $0x8;
	v2 =	vshll.u32 v2, $0x18;
	v12 =	vadd.s32 v12, v17  }
0x2cf: {  	v19 =	vshrl.u32 v6, $0x8;
	v6 =	vshll.u32 v6, $0x18;
	v20 =	vshrl.u32 v4, $0x8  }
0x2d0: {  	v21 =	vshrl.u32 v13, $0x8;
	v13 =	vshll.u32 v13, $0x18;
	v4 =	vshll.u32 v4, $0x18  }
0x2d1: {  	v22 =	vshrl.u32 v14, $0x8;
	v14 =	vshll.u32 v14, $0x18;
	v23 =	vshrl.u32 v15, $0x8  }
0x2d2: {  	v24 =	vshrl.u32 v16, $0x8;
	v16 =	vshll.u32 v16, $0x18;
	v15 =	vshll.u32 v15, $0x18  }
0x2d3: {  	v2 =	vor.u32 v18, v2;
	v18 =	vshrl.u32 v17, $0x8;
	v17 =	vshll.u32 v17, $0x18  }
0x2d4: {  	v6 =	vor.u32 v19, v6;
	v13 =	vor.u32 v21, v13;
	v4 =	vor.u32 v20, v4  }
0x2d5: {  	v14 =	vor.u32 v22, v14;
	v16 =	vor.u32 v24, v16;
	v15 =	vor.u32 v23, v15  }
0x2d6: {  	v2 =	vxor.u32 v5, v2;
	v6 =	vxor.u32 v7, v6;
	v17 =	vor.u32 v18, v17  }
0x2d7: {  	v13 =	vxor.u32 v3, v13;
	v14 =	vxor.u32 v9, v14;
	v4 =	vxor.u32 v8, v4  }
0x2d8: {  	v16 =	vxor.u32 v11, v16;
	v15 =	vxor.u32 v10, v15;
	v17 =	vxor.u32 v12, v17  }
0x2d9: {  	v2 =	vadd.s32 $0x2, v2;
	v6 =	vadd.s32 $0x2, v6;
	v4 =	vadd.s32 $0x2, v4  }
0x2da: {  	v13 =	vadd.s32 $0x2, v13;
	v14 =	vadd.s32 $0x2, v14;
	v15 =	vadd.s32 $0x2, v15  }
0x2db: {  	v16 =	vadd.s32 $0x2, v16;
	v5 =	vadd.s32 v2, v5;
	v17 =	vadd.s32 $0x2, v17  }
0x2dc: {  	v18 =	vshrl.u32 v2, $0x13;
	v2 =	vshll.u32 v2, $0xD;
	v7 =	vadd.s32 v6, v7  }
0x2dd: {  	v19 =	vshrl.u32 v6, $0x13;
	v6 =	vshll.u32 v6, $0xD;
	v8 =	vadd.s32 v4, v8  }
0x2de: {  	v3 =	vadd.s32 v13, v3;
	v20 =	vshrl.u32 v4, $0x13;
	v4 =	vshll.u32 v4, $0xD  }
0x2df: {  	v21 =	vshrl.u32 v13, $0x13;
	v13 =	vshll.u32 v13, $0xD;
	v9 =	vadd.s32 v14, v9  }
0x2e0: {  	v22 =	vshrl.u32 v14, $0x13;
	v14 =	vshll.u32 v14, $0xD;
	v10 =	vadd.s32 v15, v10  }
0x2e1: {  	v11 =	vadd.s32 v16, v11;
	v23 =	vshrl.u32 v15, $0x13;
	v15 =	vshll.u32 v15, $0xD  }
0x2e2: {  	v24 =	vshrl.u32 v16, $0x13;
	v16 =	vshll.u32 v16, $0xD;
	v12 =	vadd.s32 v17, v12  }
0x2e3: {  	v5 =	vadd.s32 $0x1BD11BF0, v5;
	v25 =	vshrl.u32 v17, $0x13;
	v17 =	vshll.u32 v17, $0xD  }
0x2e4: {  	v2 =	vor.u32 v18, v2;
	v7 =	vadd.s32 $0x1BD11BF0, v7;
	v6 =	vor.u32 v19, v6  }
0x2e5: {  	v3 =	vadd.s32 $0x1BD11BF0, v3;
	v8 =	vadd.s32 $0x1BD11BF0, v8;
	v4 =	vor.u32 v20, v4  }
0x2e6: {  	v13 =	vor.u32 v21, v13;
	v9 =	vadd.s32 $0x1BD11BF0, v9;
	v14 =	vor.u32 v22, v14  }
0x2e7: {  	v11 =	vadd.s32 $0x1BD11BF0, v11;
	v10 =	vadd.s32 $0x1BD11BF0, v10;
	v15 =	vor.u32 v23, v15  }
0x2e8: {  	v16 =	vor.u32 v24, v16;
	v12 =	vadd.s32 $0x1BD11BF0, v12;
	v17 =	vor.u32 v25, v17  }
0x2e9: {  	v2 =	vxor.u32 v5, v2;
	v6 =	vxor.u32 v7, v6;
	v4 =	vxor.u32 v8, v4  }
0x2ea: {  	v13 =	vxor.u32 v3, v13;
	v14 =	vxor.u32 v9, v14;
	v15 =	vxor.u32 v10, v15  }
0x2eb: {  	v16 =	vxor.u32 v11, v16;
	v5 =	vadd.s32 v5, v2;
	v17 =	vxor.u32 v12, v17  }
0x2ec: {  	v7 =	vadd.s32 v7, v6;
	v3 =	vadd.s32 v3, v13;
	v8 =	vadd.s32 v8, v4  }
0x2ed: {  	v9 =	vadd.s32 v9, v14;
	v11 =	vadd.s32 v11, v16;
	v10 =	vadd.s32 v10, v15  }
0x2ee: {  	v18 =	vshrl.u32 v2, $0x11;
	v2 =	vshll.u32 v2, $0xF;
	v12 =	vadd.s32 v12, v17  }
0x2ef: {  	v19 =	vshrl.u32 v6, $0x11;
	v6 =	vshll.u32 v6, $0xF;
	v20 =	vshrl.u32 v4, $0x11  }
0x2f0: {  	v21 =	vshrl.u32 v13, $0x11;
	v13 =	vshll.u32 v13, $0xF;
	v4 =	vshll.u32 v4, $0xF  }
0x2f1: {  	v22 =	vshrl.u32 v14, $0x11;
	v14 =	vshll.u32 v14, $0xF;
	v23 =	vshrl.u32 v15, $0x11  }
0x2f2: {  	v24 =	vshrl.u32 v16, $0x11;
	v16 =	vshll.u32 v16, $0xF;
	v15 =	vshll.u32 v15, $0xF  }
0x2f3: {  	v2 =	vor.u32 v18, v2;
	v18 =	vshrl.u32 v17, $0x11;
	v17 =	vshll.u32 v17, $0xF  }
0x2f4: {  	v6 =	vor.u32 v19, v6;
	v13 =	vor.u32 v21, v13;
	v4 =	vor.u32 v20, v4  }
0x2f5: {  	v14 =	vor.u32 v22, v14;
	v16 =	vor.u32 v24, v16;
	v15 =	vor.u32 v23, v15  }
0x2f6: {  	v2 =	vxor.u32 v5, v2;
	v6 =	vxor.u32 v7, v6;
	v17 =	vor.u32 v18, v17  }
0x2f7: {  	v13 =	vxor.u32 v3, v13;
	v14 =	vxor.u32 v9, v14;
	v4 =	vxor.u32 v8, v4  }
0x2f8: {  	v16 =	vxor.u32 v11, v16;
	v15 =	vxor.u32 v10, v15;
	v17 =	vxor.u32 v12, v17  }
0x2f9: {  	v5 =	vadd.s32 v5, v2;
	v7 =	vadd.s32 v7, v6;
	v8 =	vadd.s32 v8, v4  }
0x2fa: {  	v3 =	vadd.s32 v3, v13;
	v9 =	vadd.s32 v9, v14;
	v10 =	vadd.s32 v10, v15  }
0x2fb: {  	v18 =	vshrl.u32 v2, $0x6;
	v11 =	vadd.s32 v11, v16;
	v12 =	vadd.s32 v12, v17  }
0x2fc: {  	v2 =	vshll.u32 v2, $0x1A;
	v19 =	vshrl.u32 v6, $0x6;
	v6 =	vshll.u32 v6, $0x1A  }
0x2fd: {  	v21 =	vshrl.u32 v13, $0x6;
	v20 =	vshrl.u32 v4, $0x6;
	v4 =	vshll.u32 v4, $0x1A  }
0x2fe: {  	v13 =	vshll.u32 v13, $0x1A;
	v22 =	vshrl.u32 v14, $0x6;
	v14 =	vshll.u32 v14, $0x1A  }
0x2ff: {  	v24 =	vshrl.u32 v16, $0x6;
	v23 =	vshrl.u32 v15, $0x6;
	v15 =	vshll.u32 v15, $0x1A  }
0x300: {  	v16 =	vshll.u32 v16, $0x1A;
	v25 =	vshrl.u32 v17, $0x6;
	v17 =	vshll.u32 v17, $0x1A  }
0x301: {  	v2 =	vor.u32 v18, v2;
	v6 =	vor.u32 v19, v6;
	v4 =	vor.u32 v20, v4  }
0x302: {  	v13 =	vor.u32 v21, v13;
	v14 =	vor.u32 v22, v14;
	v15 =	vor.u32 v23, v15  }
0x303: {  	v16 =	vor.u32 v24, v16;
	v2 =	vxor.u32 v5, v2;
	v17 =	vor.u32 v25, v17  }
0x304: {  	v6 =	vxor.u32 v7, v6;
	v13 =	vxor.u32 v3, v13;
	v4 =	vxor.u32 v8, v4  }
0x305: {  	v14 =	vxor.u32 v9, v14;
	v16 =	vxor.u32 v11, v16;
	v15 =	vxor.u32 v10, v15  }
0x306: {  	v5 =	vadd.s32 v5, v2;
	v7 =	vadd.s32 v7, v6;
	v17 =	vxor.u32 v12, v17  }
0x307: {  	v3 =	vadd.s32 v3, v13;
	v9 =	vadd.s32 v9, v14;
	v8 =	vadd.s32 v8, v4  }
0x308: {  	v11 =	vadd.s32 v11, v16;
	v10 =	vadd.s32 v10, v15;
	v12 =	vadd.s32 v12, v17  }
0x309: {  	v18 =	vshrl.u32 v2, $0x1A;
	v2 =	vshll.u32 v2, $0x6;
	v19 =	vshrl.u32 v6, $0x1A  }
0x30a: {  	v6 =	vshll.u32 v6, $0x6;
	v20 =	vshrl.u32 v4, $0x1A;
	v4 =	vshll.u32 v4, $0x6  }
0x30b: {  	v21 =	vshrl.u32 v13, $0x1A;
	v13 =	vshll.u32 v13, $0x6;
	v22 =	vshrl.u32 v14, $0x1A  }
0x30c: {  	v14 =	vshll.u32 v14, $0x6;
	v23 =	vshrl.u32 v15, $0x1A;
	v15 =	vshll.u32 v15, $0x6  }
0x30d: {  	v24 =	vshrl.u32 v16, $0x1A;
	v16 =	vshll.u32 v16, $0x6;
	v25 =	vshrl.u32 v17, $0x1A  }
0x30e: {  	v2 =	vor.u32 v18, v2;
	v6 =	vor.u32 v19, v6;
	v17 =	vshll.u32 v17, $0x6  }
0x30f: {  	v13 =	vor.u32 v21, v13;
	v14 =	vor.u32 v22, v14;
	v4 =	vor.u32 v20, v4  }
0x310: {  	v16 =	vor.u32 v24, v16;
	v15 =	vor.u32 v23, v15;
	v17 =	vor.u32 v25, v17  }
0x311: {  	v2 =	vxor.u32 v5, v2;
	v6 =	vxor.u32 v7, v6;
	v4 =	vxor.u32 v8, v4  }
0x312: {  	v13 =	vxor.u32 v3, v13;
	v14 =	vxor.u32 v9, v14;
	v15 =	vxor.u32 v10, v15  }
0x313: {  	v16 =	vxor.u32 v11, v16;
	v2 =	vadd.s32 $0x2D, v2;
	v17 =	vxor.u32 v12, v17  }
0x314: {  	v6 =	vadd.s32 $0x2D, v6;
	v13 =	vadd.s32 $0x2D, v13;
	v4 =	vadd.s32 $0x2D, v4  }
0x315: {  	v14 =	vadd.s32 $0x2D, v14;
	v16 =	vadd.s32 $0x2D, v16;
	v15 =	vadd.s32 $0x2D, v15  }
0x316: {  	v5 =	vadd.s32 v5, v2;
	v7 =	vadd.s32 v7, v6;
	v17 =	vadd.s32 $0x2D, v17  }
0x317: {  	v3 =	vadd.s32 v3, v13;
	v9 =	vadd.s32 v9, v14;
	v8 =	vadd.s32 v8, v4  }
0x318: {  	v11 =	vadd.s32 v11, v16;
	v10 =	vadd.s32 v10, v15;
	v12 =	vadd.s32 v12, v17  }
0x319: {  	v18 =	vshrl.u32 v2, $0xF;
	v2 =	vshll.u32 v2, $0x11;
	v19 =	vshrl.u32 v6, $0xF  }
0x31a: {  	v6 =	vshll.u32 v6, $0x11;
	v20 =	vshrl.u32 v4, $0xF;
	v4 =	vshll.u32 v4, $0x11  }
0x31b: {  	v21 =	vshrl.u32 v13, $0xF;
	v13 =	vshll.u32 v13, $0x11;
	v22 =	vshrl.u32 v14, $0xF  }
0x31c: {  	v14 =	vshll.u32 v14, $0x11;
	v23 =	vshrl.u32 v15, $0xF;
	v15 =	vshll.u32 v15, $0x11  }
0x31d: {  	v24 =	vshrl.u32 v16, $0xF;
	v16 =	vshll.u32 v16, $0x11;
	v25 =	vshrl.u32 v17, $0xF  }
0x31e: {  	v2 =	vor.u32 v18, v2;
	v6 =	vor.u32 v19, v6;
	v17 =	vshll.u32 v17, $0x11  }
0x31f: {  	v13 =	vor.u32 v21, v13;
	v14 =	vor.u32 v22, v14;
	v4 =	vor.u32 v20, v4  }
0x320: {  	v16 =	vor.u32 v24, v16;
	v15 =	vor.u32 v23, v15;
	v17 =	vor.u32 v25, v17  }
0x321: {  	v2 =	vxor.u32 v5, v2;
	v6 =	vxor.u32 v7, v6;
	v4 =	vxor.u32 v8, v4  }
0x322: {  	v13 =	vxor.u32 v3, v13;
	v14 =	vxor.u32 v9, v14;
	v15 =	vxor.u32 v10, v15  }
0x323: {  	v16 =	vxor.u32 v11, v16;
	v5 =	vadd.s32 v5, v2;
	v17 =	vxor.u32 v12, v17  }
0x324: {  	v7 =	vadd.s32 v7, v6;
	v3 =	vadd.s32 v3, v13;
	v8 =	vadd.s32 v8, v4  }
0x325: {  	v9 =	vadd.s32 v9, v14;
	v11 =	vadd.s32 v11, v16;
	v10 =	vadd.s32 v10, v15  }
0x326: {  	v18 =	vshrl.u32 v2, $0x3;
	v2 =	vshll.u32 v2, $0x1D;
	v12 =	vadd.s32 v12, v17  }
0x327: {  	v19 =	vshrl.u32 v6, $0x3;
	v6 =	vshll.u32 v6, $0x1D;
	v20 =	vshrl.u32 v4, $0x3  }
0x328: {  	v21 =	vshrl.u32 v13, $0x3;
	v13 =	vshll.u32 v13, $0x1D;
	v4 =	vshll.u32 v4, $0x1D  }
0x329: {  	v22 =	vshrl.u32 v14, $0x3;
	v14 =	vshll.u32 v14, $0x1D;
	v23 =	vshrl.u32 v15, $0x3  }
0x32a: {  	v24 =	vshrl.u32 v16, $0x3;
	v16 =	vshll.u32 v16, $0x1D;
	v15 =	vshll.u32 v15, $0x1D  }
0x32b: {  	v2 =	vor.u32 v18, v2;
	v18 =	vshrl.u32 v17, $0x3;
	v17 =	vshll.u32 v17, $0x1D  }
0x32c: {  	v6 =	vor.u32 v19, v6;
	v13 =	vor.u32 v21, v13;
	v4 =	vor.u32 v20, v4  }
0x32d: {  	v14 =	vor.u32 v22, v14;
	v16 =	vor.u32 v24, v16;
	v15 =	vor.u32 v23, v15  }
0x32e: {  	v2 =	vxor.u32 v5, v2;
	v6 =	vxor.u32 v7, v6;
	v17 =	vor.u32 v18, v17  }
0x32f: {  	v13 =	vxor.u32 v3, v13;
	v14 =	vxor.u32 v9, v14;
	v4 =	vxor.u32 v8, v4  }
0x330: {  	v16 =	vxor.u32 v11, v16;
	v15 =	vxor.u32 v10, v15;
	v17 =	vxor.u32 v12, v17  }
0x331: {  	v5 =	vadd.s32 v5, v2;
	v7 =	vadd.s32 v7, v6;
	v8 =	vadd.s32 v8, v4  }
0x332: {  	v3 =	vadd.s32 v3, v13;
	v9 =	vadd.s32 v9, v14;
	v10 =	vadd.s32 v10, v15  }
0x333: {  	v18 =	vshrl.u32 v2, $0x10;
	v11 =	vadd.s32 v11, v16;
	v19 =	vadd.s32 v12, v17  }
0x334: {  	v2 =	vshll.u32 v2, $0x10;
	v12 =	vshrl.u32 v6, $0x10;
	v6 =	vshll.u32 v6, $0x10  }
0x335: {  	v21 =	vshrl.u32 v13, $0x10;
	v20 =	vshrl.u32 v4, $0x10;
	v4 =	vshll.u32 v4, $0x10  }
0x336: {  	v13 =	vshll.u32 v13, $0x10;
	v22 =	vshrl.u32 v14, $0x10;
	v14 =	vshll.u32 v14, $0x10  }
0x337: {  	v24 =	vshrl.u32 v16, $0x10;
	v23 =	vshrl.u32 v15, $0x10;
	v15 =	vshll.u32 v15, $0x10  }
0x338: {  	v16 =	vshll.u32 v16, $0x10;
	v25 =	vshrl.u32 v17, $0x10;
	v17 =	vshll.u32 v17, $0x10  }
0x339: {  	v2 =	vor.u32 v18, v2;
	v6 =	vor.u32 v12, v6;
	v4 =	vor.u32 v20, v4  }
0x33a: {  	v12 =	vor.u32 v21, v13;
	v13 =	vor.u32 v22, v14;
	v14 =	vor.u32 v23, v15  }
0x33b: {  	v2 =	vxor.u32 v5, v2;
	v15 =	vor.u32 v24, v16;
	v18 =	vor.u32 v25, v17  }
0x33c: {  	v6 =	vxor.u32 v7, v6;
	v4 =	vxor.u32 v8, v4;
	v20 =	vxor.u32 v3, v12  }
0x33d: {  	v21 =	vxor.u32 v9, v13;
	v22 =	vxor.u32 v10, v14;
	v23 =	vxor.u32 v11, v15  }
0x33e: {  	v17 =	vadd.s32 v5, v2;
	v5 =	vxor.u32 v19, v18;
	v16 =	vadd.s32 v7, v6  }
0x33f: {  	v15 =	vadd.s32 v8, v4;
	v14 =	vadd.s32 v3, v20;
	v13 =	vadd.s32 v9, v21  }
0x340: {  	v12 =	vadd.s32 v10, v22;
	v11 =	vadd.s32 v11, v23;
	v10 =	vadd.s32 v19, v5  }
0x341: {  	v3 =	vshrl.u32 v2, $0x8;
	v2 =	vshll.u32 v2, $0x18;
	v7 =	vshrl.u32 v6, $0x8  }
0x342: {  	v6 =	vshll.u32 v6, $0x18;
	v8 =	vshrl.u32 v4, $0x8;
	v4 =	vshll.u32 v4, $0x18  }
0x343: {  	v9 =	vshrl.u32 v20, $0x8;
	v18 =	vshll.u32 v20, $0x18;
	v19 =	vshrl.u32 v21, $0x8  }
0x344: {  	v20 =	vshll.u32 v21, $0x18;
	v21 =	vshrl.u32 v22, $0x8;
	v22 =	vshll.u32 v22, $0x18  }
0x345: {  	v24 =	vshrl.u32 v23, $0x8;
	v23 =	vshll.u32 v23, $0x18;
	v25 =	vshrl.u32 v5, $0x8  }
0x346: {  	v5 =	vshll.u32 v5, $0x18;
	v2 =	vor.u32 v3, v2;
	v3 =	vor.u32 v7, v6  }
.Ltmp0:
0x347: {  	v4 =	vor.u32 v8, v4;
	v6 =	vor.u32 v9, v18;
	v7 =	vor.u32 v19, v20;
	(pc) =	sbr.rel @p0 .LBB2_2-.Ltmp0, $4  }
0x348: {  	v9 =	vor.u32 v21, v22;
	v18 =	vor.u32 v24, v23;
	v5 =	vor.u32 v25, v5  }
0x349: {  	v2 =	vxor.u32 v17, v2;
	v3 =	vxor.u32 v16, v3;
	v4 =	vxor.u32 v15, v4  }
0x34a: {  	v8 =	vxor.u32 v14, v6;
	v6 =	vxor.u32 v13, v7;
	v7 =	vxor.u32 v12, v9  }
0x34b: {  	s12 =	sadd.s32 $0x80, s12;
	v9 =	vxor.u32 v11, v18;
	v5 =	vxor.u32 v10, v5;
	v2 =	vadd.s32 $0x1BD11BF4, v2  }
0x34c: {  	v3 =	vadd.s32 $0x1BD11BF4, v3  }
0x34d: {  	v4 =	vadd.s32 $0x1BD11BF4, v4;
	v8 =	vadd.s32 $0x1BD11BF4, v8;
	v6 =	vadd.s32 $0x1BD11BF4, v6  }
0x34e: {  	v7 =	vadd.s32 $0x1BD11BF4, v7;
	v9 =	vadd.s32 $0x1BD11BF4, v9;
	v17 =	vadd.s32 v2, v17  }
0x34f: {  	v18 =	vshrl.u32 v2, $0x13;
	v5 =	vadd.s32 $0x1BD11BF4, v5;
	v2 =	vshll.u32 v2, $0xD  }
0x350: {  	v16 =	vadd.s32 v3, v16;
	v19 =	vshrl.u32 v3, $0x13;
	v3 =	vshll.u32 v3, $0xD  }
0x351: {  	v15 =	vadd.s32 v4, v15;
	v20 =	vshrl.u32 v4, $0x13;
	v4 =	vshll.u32 v4, $0xD  }
0x352: {  	v14 =	vadd.s32 v8, v14;
	v21 =	vshrl.u32 v8, $0x13;
	v8 =	vshll.u32 v8, $0xD  }
0x353: {  	v13 =	vadd.s32 v6, v13;
	v22 =	vshrl.u32 v6, $0x13;
	v6 =	vshll.u32 v6, $0xD  }
0x354: {  	v12 =	vadd.s32 v7, v12;
	v23 =	vshrl.u32 v7, $0x13;
	v7 =	vshll.u32 v7, $0xD  }
0x355: {  	v11 =	vadd.s32 v9, v11;
	v24 =	vshrl.u32 v9, $0x13;
	v9 =	vshll.u32 v9, $0xD  }
0x356: {  	v10 =	vadd.s32 v5, v10;
	v25 =	vshrl.u32 v5, $0x13;
	v17 =	vadd.s32 $0x2A, v17  }
0x357: {  	v2 =	vor.u32 v18, v2;
	v5 =	vshll.u32 v5, $0xD;
	v16 =	vadd.s32 $0x2A, v16  }
0x358: {  	v3 =	vor.u32 v19, v3;
	v15 =	vadd.s32 $0x2A, v15;
	v4 =	vor.u32 v20, v4  }
0x359: {  	v14 =	vadd.s32 $0x2A, v14;
	v8 =	vor.u32 v21, v8;
	v13 =	vadd.s32 $0x2A, v13  }
0x35a: {  	v6 =	vor.u32 v22, v6;
	v12 =	vadd.s32 $0x2A, v12;
	v7 =	vor.u32 v23, v7  }
0x35b: {  	v11 =	vadd.s32 $0x2A, v11;
	v9 =	vor.u32 v24, v9;
	v2 =	vxor.u32 v17, v2  }
0x35c: {  	v10 =	vadd.s32 $0x2A, v10;
	v5 =	vor.u32 v25, v5;
	v3 =	vxor.u32 v16, v3  }
0x35d: {  	v4 =	vxor.u32 v15, v4;
	v8 =	vxor.u32 v14, v8;
	v6 =	vxor.u32 v13, v6  }
0x35e: {  	v7 =	vxor.u32 v12, v7;
	v9 =	vxor.u32 v11, v9;
	v17 =	vadd.s32 v17, v2  }
0x35f: {  	v5 =	vxor.u32 v10, v5;
	v34 =	vshrl.u32 v2, $0x11;
	v2 =	vshll.u32 v2, $0xF  }
0x360: {  	v16 =	vadd.s32 v16, v3;
	v15 =	vadd.s32 v15, v4;
	v14 =	vadd.s32 v14, v8  }
0x361: {  	v13 =	vadd.s32 v13, v6;
	v12 =	vadd.s32 v12, v7;
	v11 =	vadd.s32 v11, v9  }
0x362: {  	v10 =	vadd.s32 v10, v5;
	v35 =	vshrl.u32 v3, $0x11;
	v3 =	vshll.u32 v3, $0xF  }
0x363: {  	v36 =	vshrl.u32 v4, $0x11;
	v4 =	vshll.u32 v4, $0xF;
	v37 =	vshrl.u32 v8, $0x11  }
0x364: {  	v8 =	vshll.u32 v8, $0xF;
	v38 =	vshrl.u32 v6, $0x11;
	v6 =	vshll.u32 v6, $0xF  }
0x365: {  	v39 =	vshrl.u32 v7, $0x11;
	v7 =	vshll.u32 v7, $0xF;
	v40 =	vshrl.u32 v9, $0x11  }
0x366: {  	v9 =	vshll.u32 v9, $0xF;
	v41 =	vshrl.u32 v5, $0x11;
	v2 =	vor.u32 v34, v2  }
0x367: {  	v5 =	vshll.u32 v5, $0xF;
	v3 =	vor.u32 v35, v3;
	v4 =	vor.u32 v36, v4  }
0x368: {  	v8 =	vor.u32 v37, v8;
	v6 =	vor.u32 v38, v6;
	v7 =	vor.u32 v39, v7  }
0x369: {  	v9 =	vor.u32 v40, v9;
	v5 =	vor.u32 v41, v5;
	v2 =	vxor.u32 v17, v2  }
0x36a: {  	v3 =	vxor.u32 v16, v3;
	v4 =	vxor.u32 v15, v4;
	v8 =	vxor.u32 v14, v8  }
0x36b: {  	v6 =	vxor.u32 v13, v6;
	v7 =	vxor.u32 v12, v7;
	v17 =	vadd.s32 v17, v2  }
0x36c: {  	v9 =	vxor.u32 v11, v9;
	v5 =	vxor.u32 v10, v5;
	v42 =	vshrl.u32 v2, $0x6  }
0x36d: {  	v2 =	vshll.u32 v2, $0x1A;
	v16 =	vadd.s32 v16, v3;
	v15 =	vadd.s32 v15, v4  }
0x36e: {  	v14 =	vadd.s32 v14, v8;
	v13 =	vadd.s32 v13, v6;
	v12 =	vadd.s32 v12, v7  }
0x36f: {  	v11 =	vadd.s32 v11, v9;
	v10 =	vadd.s32 v10, v5;
	v43 =	vshrl.u32 v3, $0x6  }
0x370: {  	v3 =	vshll.u32 v3, $0x1A;
	v44 =	vshrl.u32 v4, $0x6;
	v4 =	vshll.u32 v4, $0x1A  }
0x371: {  	v45 =	vshrl.u32 v8, $0x6;
	v8 =	vshll.u32 v8, $0x1A;
	v46 =	vshrl.u32 v6, $0x6  }
0x372: {  	v6 =	vshll.u32 v6, $0x1A;
	v47 =	vshrl.u32 v7, $0x6;
	v7 =	vshll.u32 v7, $0x1A  }
0x373: {  	v48 =	vshrl.u32 v9, $0x6;
	v9 =	vshll.u32 v9, $0x1A;
	v2 =	vor.u32 v42, v2  }
0x374: {  	v49 =	vshrl.u32 v5, $0x6;
	v5 =	vshll.u32 v5, $0x1A;
	v3 =	vor.u32 v43, v3  }
0x375: {  	v4 =	vor.u32 v44, v4;
	v8 =	vor.u32 v45, v8;
	v6 =	vor.u32 v46, v6  }
0x376: {  	v7 =	vor.u32 v47, v7;
	v9 =	vor.u32 v48, v9;
	v2 =	vxor.u32 v17, v2  }
0x377: {  	v5 =	vor.u32 v49, v5;
	v3 =	vxor.u32 v16, v3;
	v4 =	vxor.u32 v15, v4  }
0x378: {  	v8 =	vxor.u32 v14, v8;
	v6 =	vxor.u32 v13, v6;
	v7 =	vxor.u32 v12, v7  }
0x379: {  	v9 =	vxor.u32 v11, v9;
	v5 =	vxor.u32 v10, v5;
	v17 =	vadd.s32 v17, v2  }
0x37a: {  	v50 =	vshrl.u32 v2, $0x1A;
	v2 =	vshll.u32 v2, $0x6;
	v16 =	vadd.s32 v16, v3  }
0x37b: {  	v15 =	vadd.s32 v15, v4;
	v14 =	vadd.s32 v14, v8;
	v13 =	vadd.s32 v13, v6  }
0x37c: {  	v12 =	vadd.s32 v12, v7;
	v11 =	vadd.s32 v11, v9;
	v10 =	vadd.s32 v10, v5  }
0x37d: {  	v51 =	vshrl.u32 v3, $0x1A;
	v3 =	vshll.u32 v3, $0x6;
	v52 =	vshrl.u32 v4, $0x1A  }
0x37e: {  	v4 =	vshll.u32 v4, $0x6;
	v53 =	vshrl.u32 v8, $0x1A;
	v8 =	vshll.u32 v8, $0x6  }
0x37f: {  	v54 =	vshrl.u32 v6, $0x1A;
	v6 =	vshll.u32 v6, $0x6;
	v55 =	vshrl.u32 v7, $0x1A  }
0x380: {  	v7 =	vshll.u32 v7, $0x6;
	v56 =	vshrl.u32 v9, $0x1A;
	v9 =	vshll.u32 v9, $0x6  }
0x381: {  	v57 =	vshrl.u32 v5, $0x1A;
	v5 =	vshll.u32 v5, $0x6;
	v26 =	vadd.s32 $0x1BD11BF0, v17  }
0x382: {  	v2 =	vor.u32 v50, v2;
	v27 =	vadd.s32 $0x1BD11BF0, v16;
	v28 =	vadd.s32 $0x1BD11BF0, v15  }
0x383: {  	v29 =	vadd.s32 $0x1BD11BF0, v14;
	v30 =	vadd.s32 $0x1BD11BF0, v13;
	v31 =	vadd.s32 $0x1BD11BF0, v12  }
0x384: {  	v58 =	vadd.s32 $0x1BD11BF0, v11;
	v32 =	vadd.s32 $0x1BD11BF0, v10;
	v3 =	vor.u32 v51, v3  }
0x385: {  	v4 =	vor.u32 v52, v4;
	v8 =	vor.u32 v53, v8;
	v6 =	vor.u32 v54, v6  }
0x386: {  	v7 =	vor.u32 v55, v7;
	v9 =	vor.u32 v56, v9;
	v2 =	vxor.u32 v17, v2  }
0x387: {  	v5 =	vor.u32 v57, v5;
	v3 =	vxor.u32 v16, v3;
	v4 =	vxor.u32 v15, v4  }
0x388: {  	v8 =	vxor.u32 v14, v8;
	v6 =	vxor.u32 v13, v6;
	v7 =	vxor.u32 v12, v7  }
0x389: {  	s11 =	sadd.s32 $0x10, s11;
	v9 =	vxor.u32 v11, v9;
	v5 =	vxor.u32 v10, v5;
	v2 =	vadd.s32 $0x5, v2  }
0x38a: {  	v59 =	vld [tilespmem:s11+$0x0];
	v3 =	vadd.s32 $0x5, v3;
	v4 =	vadd.s32 $0x5, v4;
	v8 =	vadd.s32 $0x5, v8  }
0x38b: {  	v6 =	vadd.s32 $0x5, v6;
	v7 =	vadd.s32 $0x5, v7;
	v2 =	vxor.u32 v26, v2  }
0x38c: {  	v9 =	vadd.s32 $0x5, v9;
	v5 =	vadd.s32 $0x5, v5;
	v3 =	vxor.u32 v27, v3  }
0x38d: {  	v4 =	vxor.u32 v28, v4;
	v8 =	vxor.u32 v29, v8;
	v6 =	vxor.u32 v30, v6  }
0x38e: {  	v7 =	vxor.u32 v31, v7;
	v9 =	vxor.u32 v58, v9;
	v2 =	vshrl.u32 v2, $0x9  }
0x38f: {  	v5 =	vxor.u32 v32, v5;
	v3 =	vshrl.u32 v3, $0x9;
	vm0 =	vlt.u32 v2, v59  }
0x390: {  	s10 =	sadd.s32 $0x80, s10;
	v2 =	vshrl.u32 v4, $0x9;
	vm1 =	vlt.u32 v3, v59;
	v3 =	vsel vm0, $0x3F800000, v1  }
0x391: {  	v60 =	vshrl.u32 v8, $0x9;
	vm10 =	vlt.u32 v2, v59;
	v2 =	vsel vm1, $0x3F800000, v1;
	[tilespmem:s10+$0xFFFFFFC0] =	vst v3  }
0x392: {  	vm11 =	vlt.u32 v60, v59;
	v3 =	vshrl.u32 v6, $0x9;
	v61 =	vsel vm10, $0x3F800000, v1;
	[tilespmem:s10+$0xFFFFFFD0] =	vst v2  }
0x393: {  	v2 =	vshrl.u32 v7, $0x9;
	vm12 =	vlt.u32 v3, v59;
	v3 =	vsel vm11, $0x3F800000, v1;
	[tilespmem:s10+$0xFFFFFFE0] =	vst v61  }
0x394: {  	v62 =	vshrl.u32 v9, $0x9;
	vm13 =	vlt.u32 v2, v59;
	v2 =	vsel vm12, $0x3F800000, v1;
	[tilespmem:s10+$0xFFFFFFF0] =	vst v3  }
0x395: {  	vm14 =	vlt.u32 v62, v59;
	v3 =	vshrl.u32 v5, $0x9;
	v63 =	vsel vm13, $0x3F800000, v1;
	[tilespmem:s10+$0x0] =	vst v2  }
0x396: {  	s9 =	sadd.s32 $0x1, s9;
	vm15 =	vlt.u32 v3, v59;
	v2 =	vsel vm14, $0x3F800000, v1;
	[tilespmem:s10+$0x10] =	vst v63  }
0x397: {  	p0 =	sne.s32 s9, s5;
	v3 =	vsel vm15, $0x3F800000, v1;
	[tilespmem:s10+$0x20] =	vst v2  }
.Ltmp1:
0x398: {  	[tilespmem:s10+$0x30] =	vst v3;
	(pc) =	sbr.rel @p0 .LBB2_1-.Ltmp1, $4  }
0x399: {  	[hbm4b:s4+s2] =	stream.linear.scatter [tilespmem:s8], [sflag:$0x1], $0x8000, $0x38;
	[tilespmem:$0x9000] =	vst v63  }
0x39a: {  	_ =	swait.ge [sflag:s7], $0x8000  }
0x39b: {  	[sflag:s7] =	ssyncset.done $0x0  }
0x39c: {  	[sflag:s7] =	ssyncadd.s32 $0xFFFF8000  }
0x39d: {  	_ =	sfence.sel $0x180000  }
0x39e: {  	[bflag:$0x0] =	sbarrier.arrive $0xFFFF  }
0x39f: {  	p0 =	sne.s32 s1, $0x0;
	_ =	strace $0x90000047  }
0x3a0: {  	s0 =	sadd.s32 @!p0 $0x100000, s0;
	[bflag:$0x2] =	sbarrier.arrive $0xFFFF  }
0x3a1: {  	[sflag:s0] =	ssyncadd.tile.s32 @!p0 $0x1;
	_ =	shalt  }
.Lfunc_end2:
_tile_overlayer_lowered:
.L_overlay_start_2:
0x3a2: {  	(tag) =	ssettag $0x2  }
0x3a3: {  	s0 =	rddreg [dreg:$0x0];
	s2 =	stileid.u32  }
0x3a4: {  	s1 =	rddreg [dreg:$0x1];
	p0 =	sne.s32 s2, $0x0  }
0x3a5: {  	s3 =	rddreg [dreg:$0x2];
	[bflag:$0x3] =	sbarrier.arrive $0xFFFF;
	s2 =	simm.s32 @!p0 $0x1C01  }
0x3a6: {  	[timem:s3], [sflag:s2] =	dma.local @!p0 [hbm:s0], s1  }
0x3a7: {  	s0 =	simm.s32 @!p0 $0x1  }
0x3a8: {  	_ =	swait.ge @!p0 [sflag:s0], s1  }
0x3a9: {  	s1 =	ssub.s32 @!p0 $0x0, s1;
	[sflag:s0] =	ssyncset.done @!p0 $0x0  }
0x3aa: {  	[sflag:s0] =	ssyncadd.s32 @!p0 s1  }
0x3ab: {  	[bflag:$0x3] =	sbarrier.arrive $0xFFFF  }
0x3ac: {  	_ =	shalt  }

</sc_bundles>
